<compile_context>
chip_gen: v7x
topology: tpu7x:2x2x1
jax: 0.10.2.dev20260603
libtpu: 0.0.44.dev20260713+nightly
codegen_flags: <defaults>
</compile_context>

<pallas_src>
import functools

import jax
import jax.numpy as jnp
from jax import lax
from jax.experimental import pallas as pl
from jax.experimental.pallas import tpu as pltpu
from jax.experimental.pallas import tpu_sc as plsc

N = 10000
E = 320000
D = 128

NC = 2
NS = 16
NW = NC * NS
E_PER_W = E // NW
CHUNK = 125
NCHUNK = E_PER_W // CHUNK
SROWS = 80
NSTRIPE = N // SROWS

_MESH = plsc.VectorSubcoreMesh(
    core_axis_name="c", subcore_axis_name="s", num_cores=NC, num_subcores=NS)


NPAD = 10240
NDSTRIPE = NPAD // 128


@functools.partial(
    pl.kernel,
    out_type=jax.ShapeDtypeStruct((NC, NPAD, 16), jnp.float32),
    mesh=_MESH,
    compiler_params=pltpu.CompilerParams(needs_layout_passes=False),
    scratch_types=[
        pltpu.VMEM((E_PER_W,), jnp.int32),
        pltpu.VMEM((1, NPAD), jnp.float32),
        pltpu.VMEM((NS, 1, 128), jnp.float32),
        pltpu.VMEM((128, 16), jnp.float32),
        pltpu.VMEM_SHARED((NS, 1, NPAD), jnp.float32),
    ],
)
def _deg_kernel(dst_hbm, degp_hbm,
                idx_v, table_v, red_v, buf_v, part_sh):
    cid = lax.axis_index("c")
    sid = lax.axis_index("s")
    wid = sid * NC + cid
    zeros16 = jnp.zeros((16,), jnp.float32)
    zeroidx = jnp.zeros((16,), jnp.int32)
    ones16 = jnp.ones((16,), jnp.float32)

    def _zero(i, carry):
        table_v[0, pl.ds(i * 16, 16)] = zeros16
        return carry
    lax.fori_loop(0, NPAD // 16, _zero, 0)

    pltpu.sync_copy(dst_hbm.at[pl.ds(wid * E_PER_W, E_PER_W)], idx_v)

    def _scat(j, carry):
        idx = idx_v[pl.ds(j * 16, 16)]
        plsc.addupdate_scatter(table_v, [zeroidx, idx], ones16)
        return carry
    lax.fori_loop(0, E_PER_W // 16, _scat, 0)

    pltpu.sync_copy(table_v, part_sh.at[sid])
    plsc.subcore_barrier()

    def _red(k, carry):
        s = sid + k * NS
        pltpu.sync_copy(part_sh.at[:, :, pl.ds(s * 128, 128)], red_v)
        for g in range(8):
            acc = red_v[0, 0, pl.ds(g * 16, 16)]
            for t in range(1, NS):
                acc = acc + red_v[t, 0, pl.ds(g * 16, 16)]
            for l in range(16):
                buf_v[g * 16 + l, :] = jnp.full((16,), acc[l], jnp.float32)
        pltpu.sync_copy(buf_v, degp_hbm.at[cid, pl.ds(s * 128, 128)])
        return carry
    lax.fori_loop(0, NDSTRIPE // NS, _red, 0)


@functools.partial(
    pl.kernel,
    out_type=jax.ShapeDtypeStruct((NC, N, D), jnp.float32),
    mesh=_MESH,
    scratch_types=[
        pltpu.VMEM((NCHUNK, CHUNK), jnp.int32),
        pltpu.VMEM((NCHUNK, CHUNK), jnp.int32),
        pltpu.VMEM((CHUNK, D), jnp.float32),
        pltpu.VMEM((SROWS, D), jnp.float32),
        pltpu.VMEM_SHARED((N, D), jnp.float32),
        pltpu.SemaphoreType.DMA,
    ],
)
def _scatter_kernel(hp_hbm, src_hbm, dst_hbm, zeros_hbm, accp_hbm,
                    srcidx_v, dstidx_v, rows_v, zbuf_v, acc_sh, sem):
    cid = lax.axis_index("c")
    sid = lax.axis_index("s")
    wid = sid * NC + cid
    pltpu.sync_copy(src_hbm.at[wid], srcidx_v)
    pltpu.sync_copy(dst_hbm.at[wid], dstidx_v)
    pltpu.sync_copy(zeros_hbm, zbuf_v)
    nk = (NSTRIPE + NS - 1) // NS

    def _zero(k, carry):
        s = sid + k * NS

        @pl.when(s < NSTRIPE)
        def _():
            pltpu.sync_copy(zbuf_v, acc_sh.at[pl.ds(s * SROWS, SROWS)])
        return carry
    lax.fori_loop(0, nk, _zero, 0)
    plsc.subcore_barrier()

    def _edge(j, carry):
        pltpu.async_copy(hp_hbm.at[srcidx_v.at[j]], rows_v, sem).wait()
        pltpu.sync_copy(rows_v, acc_sh.at[dstidx_v.at[j]], add=True)
        return carry
    lax.fori_loop(0, NCHUNK, _edge, 0)
    plsc.subcore_barrier()

    def _wb(k, carry):
        s = sid + k * NS

        @pl.when(s < NSTRIPE)
        def _():
            pltpu.sync_copy(acc_sh.at[pl.ds(s * SROWS, SROWS)], zbuf_v)
            pltpu.sync_copy(zbuf_v, accp_hbm.at[cid, pl.ds(s * SROWS, SROWS)])
        return carry
    lax.fori_loop(0, nk, _wb, 0)


def _mm_body(x_ref, w_ref, d0_ref, d1_ref, o_ref):
    deg = d0_ref[:, 0:1] + d1_ref[:, 0:1] + 1.0
    r = lax.rsqrt(deg)
    h = jnp.dot(x_ref[:], w_ref[:], preferred_element_type=jnp.float32)
    o_ref[:] = h * r


_ROWB = 1000

_mm_call = pl.pallas_call(
    _mm_body,
    grid=(N // _ROWB,),
    in_specs=[
        pl.BlockSpec((_ROWB, D), lambda i: (i, 0)),
        pl.BlockSpec((D, D), lambda i: (0, 0)),
        pl.BlockSpec((_ROWB, 16), lambda i: (i, 0)),
        pl.BlockSpec((_ROWB, 16), lambda i: (i, 0)),
    ],
    out_specs=pl.BlockSpec((_ROWB, D), lambda i: (i, 0)),
    out_shape=jax.ShapeDtypeStruct((N, D), jnp.float32),
)


def _fin_body(a0_ref, a1_ref, hp_ref, d0_ref, d1_ref, b_ref, o_ref):
    deg = d0_ref[:, 0:1] + d1_ref[:, 0:1] + 1.0
    r = lax.rsqrt(deg)
    o_ref[:] = (a0_ref[:] + a1_ref[:] + hp_ref[:]) * r + b_ref[:]


_fin_call = pl.pallas_call(
    _fin_body,
    grid=(N // _ROWB,),
    in_specs=[
        pl.BlockSpec((_ROWB, D), lambda i: (i, 0)),
        pl.BlockSpec((_ROWB, D), lambda i: (i, 0)),
        pl.BlockSpec((_ROWB, D), lambda i: (i, 0)),
        pl.BlockSpec((_ROWB, 16), lambda i: (i, 0)),
        pl.BlockSpec((_ROWB, 16), lambda i: (i, 0)),
        pl.BlockSpec((1, D), lambda i: (0, 0)),
    ],
    out_specs=pl.BlockSpec((_ROWB, D), lambda i: (i, 0)),
    out_shape=jax.ShapeDtypeStruct((N, D), jnp.float32),
)


def kernel(x, adj_t, W, b):
    src = adj_t[0].reshape(NW, NCHUNK, CHUNK)
    dst = adj_t[1].reshape(NW, NCHUNK, CHUNK)
    zerosD = jnp.zeros((SROWS, D), jnp.float32)

    degp = _deg_kernel(adj_t[1])
    d0, d1 = degp[0, :N], degp[1, :N]
    hp = _mm_call(x, W, d0, d1)
    accp = _scatter_kernel(hp, src, dst, zerosD)
    return _fin_call(accp[0], accp[1], hp, d0, d1, b.reshape(1, D))

# --- scband reference (transcript-rebuilt; emitter-appended) ---
"""Pipeline reference for scband-gnn-layer-22119081574558 (READ-ONLY COPY).

The authoritative reference and input builder live on the scoring server;
editing this copy changes nothing except your own understanding.
"""

import jax, jax.numpy as jnp
import numpy as np

N = 10000
E = 320000
D_IN = 128
D_OUT = 128

def setup_inputs(seed: int = 0) -> dict:
    key = jax.random.key(seed)
    k1, k2, k3 = jax.random.split(key, 3)
    x = jax.random.normal(k1, (N, D_IN), dtype=jnp.float32)
    adj_t = jax.random.randint(k2, (2, E), 0, N, dtype=jnp.int32)
    # GCNConv learned parameters (glorot-style init)
    W = jax.random.normal(k3, (D_IN, D_OUT), dtype=jnp.float32) / np.sqrt(D_IN)
    b = jnp.zeros((D_OUT,), dtype=jnp.float32)
    return {"x": x, "adj_t": adj_t, "W": W, "b": b}

def reference(x, adj_t, W, b):
    # GnnLayer with backbone='GCN' -> GCNConv(in_dim, out_dim)
    # 1) linear transform
    h = x @ W
    src = adj_t[0]
    dst = adj_t[1]
    # 2) add self-loops
    loop = jnp.arange(N, dtype=src.dtype)
    src = jnp.concatenate([src, loop])
    dst = jnp.concatenate([dst, loop])
    # 3) symmetric normalization deg^{-1/2} A deg^{-1/2} (edge weight = 1)
    deg = jnp.zeros((N,), dtype=h.dtype).at[dst].add(1.0)
    deg_inv_sqrt = jnp.where(deg > 0, deg ** -0.5, 0.0)
    norm = deg_inv_sqrt[src] * deg_inv_sqrt[dst]
    # 4) message passing: gather from src, scale, scatter-add to dst
    msg = h[src] * norm[:, None]
    out = jnp.zeros((N, D_OUT), dtype=h.dtype).at[dst].add(msg)
    # 5) bias
    return out + b

if __name__ == "__main__":
    import jax
    _d = setup_inputs()
    print(jax.jit(kernel)(*tuple(_d.values())))

</pallas_src>

<mosaic_0001>
#map = affine_map<(d0, d1) -> (0)>
#map1 = affine_map<(d0, d1) -> (0, 0, 0)>
module attributes {stable_mosaic.version = 14 : i64} {
  func.func @_deg_kernel(%arg0: i32, %arg1: i32, %arg2: memref<320000xi32, #tpu.memory_space<hbm>>, %arg3: memref<2x10240x16xf32, #tpu.memory_space<hbm>>, %arg4: memref<10000xi32, #tpu.memory_space<vmem>>, %arg5: memref<1x10240xf32, #tpu.memory_space<vmem>>, %arg6: memref<16x1x128xf32, #tpu.memory_space<vmem>>, %arg7: memref<128x16xf32, #tpu.memory_space<vmem>>, %arg8: memref<16x1x10240xf32, #tpu.memory_space<vmem_shared>>) attributes {dimension_semantics = [#tpu.dimension_semantics<core_parallel>, #tpu.dimension_semantics<subcore_parallel>], iteration_bounds = array<i64: 2, 16>, scalar_prefetch = 0 : i64, scratch_operands = 5 : i64, tpu.core_type = #tpu.core_type<sc_vector_subcore>, window_params = [{transform_indices = #map}, {transform_indices = #map1}]} {
    %mul3A = arith.constant 2 : i32
    %mul3A_0 = arith.muli %arg1, %mul3A : i32
    %add3A = arith.addi %mul3A_0, %arg0 : i32
    %broadcast_in_dim3A = arith.constant 0.000000e+00 : f32
    %broadcast_in_dim3A_1 = vector.broadcast %broadcast_in_dim3A : f32 to vector<16xf32>
    %broadcast_in_dim3A_2 = arith.constant 0 : i32
    %broadcast_in_dim3A_3 = vector.broadcast %broadcast_in_dim3A_2 : i32 to vector<16xi32>
    %broadcast_in_dim3A_4 = arith.constant 1.000000e+00 : f32
    %broadcast_in_dim3A_5 = vector.broadcast %broadcast_in_dim3A_4 : f32 to vector<16xf32>
    %scan3A = arith.constant 0 : i32
    %scan3A_6 = arith.constant 0 : i32
    %scan3A_7 = arith.constant 640 : i32
    %scan3A_8 = arith.addi %scan3A_6, %scan3A_7 : i32
    %scan3A_9 = arith.constant 1 : i32
    scf.for %scan3A_25 = %scan3A_6 to %scan3A_8 step %scan3A_9  : i32 {
      %mul3A_26 = arith.constant 16 : i32
      %mul3A_27 = arith.muli %scan3A_25, %mul3A_26 : i32
      %swap3A = arith.constant 0 : i32
      %swap3A_28 = arith.index_cast %swap3A : i32 to index
      %swap3A_29 = arith.index_cast %mul3A_27 : i32 to index
      %swap3A_30 = tpu.vector_load %arg5[%swap3A_28, %swap3A_29] {strides = array<i32>} : memref<1x10240xf32, #tpu.memory_space<vmem>>, vector<16xf32>,
      tpu.vector_store %arg5[%swap3A_28, %swap3A_29], %broadcast_in_dim3A_1 {strides = array<i32>} : memref<1x10240xf32, #tpu.memory_space<vmem>>, vector<16xf32>,
    }
    %scan3A_10 = arith.constant 640 : i32
    %mul3A_11 = arith.constant 10000 : i32
    %mul3A_12 = arith.muli %add3A, %mul3A_11 : i32
    "tpu.region"() ({
      %run_scoped3A = tpu.sem_alloc : memref<!tpu.dma_semaphore, #tpu.memory_space<semaphore_mem>>
      %dma_start3A = tpu.memref_slice %arg2[%mul3A_12] : memref<320000xi32, #tpu.memory_space<hbm>> -> memref<10000xi32, #tpu.memory_space<hbm>>
      %dma_start3A_25 = tpu.memref_slice %arg2[%mul3A_12] : memref<320000xi32, #tpu.memory_space<hbm>> -> memref<10000xi32, #tpu.memory_space<hbm>>
      tpu.enqueue_dma source(%dma_start3A_25 : memref<10000xi32, #tpu.memory_space<hbm>>) target(%arg4 : memref<10000xi32, #tpu.memory_space<vmem>>) target_semaphore(%run_scoped3A : memref<!tpu.dma_semaphore, #tpu.memory_space<semaphore_mem>>)
      %dma_wait3A = tpu.memref_slice %arg2[%mul3A_12] : memref<320000xi32, #tpu.memory_space<hbm>> -> memref<10000xi32, #tpu.memory_space<hbm>>
      %dma_wait3A_26 = tpu.memref_slice %arg2[%mul3A_12] : memref<320000xi32, #tpu.memory_space<hbm>> -> memref<10000xi32, #tpu.memory_space<hbm>>
      tpu.wait_dma2 semaphore(%run_scoped3A : memref<!tpu.dma_semaphore, #tpu.memory_space<semaphore_mem>>) src(%dma_wait3A_26 : memref<10000xi32, #tpu.memory_space<hbm>>) dst(%arg4 : memref<10000xi32, #tpu.memory_space<vmem>>)
      tpu.yield
    }) : () -> ()
    %scan3A_13 = arith.constant 0 : i32
    %scan3A_14 = arith.constant 0 : i32
    %scan3A_15 = arith.constant 625 : i32
    %scan3A_16 = arith.addi %scan3A_14, %scan3A_15 : i32
    %scan3A_17 = arith.constant 1 : i32
    scf.for %scan3A_25 = %scan3A_14 to %scan3A_16 step %scan3A_17  : i32 {
      %mul3A_26 = arith.constant 16 : i32
      %mul3A_27 = arith.muli %scan3A_25, %mul3A_26 : i32
      %get3A = arith.index_cast %mul3A_27 : i32 to index
      %get3A_28 = tpu.vector_load %arg4[%get3A] {strides = array<i32>} : memref<10000xi32, #tpu.memory_space<vmem>>, vector<16xi32>,
      tpu.vector_store_idx %arg5[%broadcast_in_dim3A_3, %get3A_28], %broadcast_in_dim3A_5 {add = true} : memref<1x10240xf32, #tpu.memory_space<vmem>>[vector<16xi32>, vector<16xi32>], vector<16xf32>,
    }
    %scan3A_18 = arith.constant 625 : i32
    "tpu.region"() ({
      %run_scoped3A = tpu.sem_alloc : memref<!tpu.dma_semaphore, #tpu.memory_space<semaphore_mem>>
      %dma_start3A = arith.constant 0 : i32
      %dma_start3A_25 = arith.constant 0 : i32
      %dma_start3A_26 = tpu.memref_slice %arg8[%arg1, %dma_start3A, %dma_start3A_25] : memref<16x1x10240xf32, #tpu.memory_space<vmem_shared>> -> memref<1x1x10240xf32, #tpu.memory_space<vmem_shared>>
      %dma_start3A_27 = tpu.memref_squeeze %dma_start3A_26 : memref<1x1x10240xf32, #tpu.memory_space<vmem_shared>> -> memref<1x10240xf32, #tpu.memory_space<vmem_shared>>
      %dma_start3A_28 = arith.constant 0 : i32
      %dma_start3A_29 = arith.constant 0 : i32
      %dma_start3A_30 = tpu.memref_slice %arg8[%arg1, %dma_start3A_28, %dma_start3A_29] : memref<16x1x10240xf32, #tpu.memory_space<vmem_shared>> -> memref<1x1x10240xf32, #tpu.memory_space<vmem_shared>>
      %dma_start3A_31 = tpu.memref_squeeze %dma_start3A_30 : memref<1x1x10240xf32, #tpu.memory_space<vmem_shared>> -> memref<1x10240xf32, #tpu.memory_space<vmem_shared>>
      tpu.enqueue_dma source(%arg5 : memref<1x10240xf32, #tpu.memory_space<vmem>>) target(%dma_start3A_31 : memref<1x10240xf32, #tpu.memory_space<vmem_shared>>) target_semaphore(%run_scoped3A : memref<!tpu.dma_semaphore, #tpu.memory_space<semaphore_mem>>)
      %dma_wait3A = arith.constant 0 : i32
      %dma_wait3A_32 = arith.constant 0 : i32
      %dma_wait3A_33 = tpu.memref_slice %arg8[%arg1, %dma_wait3A, %dma_wait3A_32] : memref<16x1x10240xf32, #tpu.memory_space<vmem_shared>> -> memref<1x1x10240xf32, #tpu.memory_space<vmem_shared>>
      %dma_wait3A_34 = tpu.memref_squeeze %dma_wait3A_33 : memref<1x1x10240xf32, #tpu.memory_space<vmem_shared>> -> memref<1x10240xf32, #tpu.memory_space<vmem_shared>>
      %dma_wait3A_35 = arith.constant 0 : i32
      %dma_wait3A_36 = arith.constant 0 : i32
      %dma_wait3A_37 = tpu.memref_slice %arg8[%arg1, %dma_wait3A_35, %dma_wait3A_36] : memref<16x1x10240xf32, #tpu.memory_space<vmem_shared>> -> memref<1x1x10240xf32, #tpu.memory_space<vmem_shared>>
      %dma_wait3A_38 = tpu.memref_squeeze %dma_wait3A_37 : memref<1x1x10240xf32, #tpu.memory_space<vmem_shared>> -> memref<1x10240xf32, #tpu.memory_space<vmem_shared>>
      tpu.wait_dma2 semaphore(%run_scoped3A : memref<!tpu.dma_semaphore, #tpu.memory_space<semaphore_mem>>) src(%arg5 : memref<1x10240xf32, #tpu.memory_space<vmem>>) dst(%dma_wait3A_38 : memref<1x10240xf32, #tpu.memory_space<vmem_shared>>)
      tpu.yield
    }) : () -> ()
    %barrier3A = arith.constant 0 : index
    tpu.barrier barrier_id(%barrier3A)
    %scan3A_19 = arith.constant 0 : i32
    %scan3A_20 = arith.constant 0 : i32
    %scan3A_21 = arith.constant 5 : i32
    %scan3A_22 = arith.addi %scan3A_20, %scan3A_21 : i32
    %scan3A_23 = arith.constant 1 : i32
    scf.for %scan3A_25 = %scan3A_20 to %scan3A_22 step %scan3A_23  : i32 {
      %mul3A_26 = arith.constant 16 : i32
      %mul3A_27 = arith.muli %scan3A_25, %mul3A_26 : i32
      %add3A_28 = arith.addi %arg1, %mul3A_27 : i32
      %mul3A_29 = arith.constant 128 : i32
      %mul3A_30 = arith.muli %add3A_28, %mul3A_29 : i32
      "tpu.region"() ({
        %run_scoped3A = tpu.sem_alloc : memref<!tpu.dma_semaphore, #tpu.memory_space<semaphore_mem>>
        %dma_start3A = arith.constant 0 : i32
        %dma_start3A_1813 = arith.constant 0 : i32
        %dma_start3A_1814 = tpu.memref_slice %arg8[%dma_start3A, %dma_start3A_1813, %mul3A_30] : memref<16x1x10240xf32, #tpu.memory_space<vmem_shared>> -> memref<16x1x128xf32, #tpu.memory_space<vmem_shared>>
        %dma_start3A_1815 = arith.constant 0 : i32
        %dma_start3A_1816 = arith.constant 0 : i32
        %dma_start3A_1817 = tpu.memref_slice %arg8[%dma_start3A_1815, %dma_start3A_1816, %mul3A_30] : memref<16x1x10240xf32, #tpu.memory_space<vmem_shared>> -> memref<16x1x128xf32, #tpu.memory_space<vmem_shared>>
        tpu.enqueue_dma source(%dma_start3A_1817 : memref<16x1x128xf32, #tpu.memory_space<vmem_shared>>) target(%arg6 : memref<16x1x128xf32, #tpu.memory_space<vmem>>) target_semaphore(%run_scoped3A : memref<!tpu.dma_semaphore, #tpu.memory_space<semaphore_mem>>)
        %dma_wait3A = arith.constant 0 : i32
        %dma_wait3A_1818 = arith.constant 0 : i32
        %dma_wait3A_1819 = tpu.memref_slice %arg8[%dma_wait3A, %dma_wait3A_1818, %mul3A_30] : memref<16x1x10240xf32, #tpu.memory_space<vmem_shared>> -> memref<16x1x128xf32, #tpu.memory_space<vmem_shared>>
        %dma_wait3A_1820 = arith.constant 0 : i32
        %dma_wait3A_1821 = arith.constant 0 : i32
        %dma_wait3A_1822 = tpu.memref_slice %arg8[%dma_wait3A_1820, %dma_wait3A_1821, %mul3A_30] : memref<16x1x10240xf32, #tpu.memory_space<vmem_shared>> -> memref<16x1x128xf32, #tpu.memory_space<vmem_shared>>
        tpu.wait_dma2 semaphore(%run_scoped3A : memref<!tpu.dma_semaphore, #tpu.memory_space<semaphore_mem>>) src(%dma_wait3A_1822 : memref<16x1x128xf32, #tpu.memory_space<vmem_shared>>) dst(%arg6 : memref<16x1x128xf32, #tpu.memory_space<vmem>>)
        tpu.yield
      }) : () -> ()
      %get3A = arith.constant 0 : i32
      %get3A_31 = arith.constant 0 : i32
      %get3A_32 = arith.index_cast %get3A : i32 to index
      %get3A_33 = arith.index_cast %get3A_31 : i32 to index
      %get3A_34 = arith.constant 0 : index
      %get3A_35 = tpu.vector_load %arg6[%get3A_32, %get3A_33, %get3A_34] {strides = array<i32>} : memref<16x1x128xf32, #tpu.memory_space<vmem>>, vector<16xf32>,
      %get3A_36 = arith.constant 1 : i32
      %get3A_37 = arith.constant 0 : i32
      %get3A_38 = arith.index_cast %get3A_36 : i32 to index
      %get3A_39 = arith.index_cast %get3A_37 : i32 to index
      %get3A_40 = arith.constant 0 : index
      %get3A_41 = tpu.vector_load %arg6[%get3A_38, %get3A_39, %get3A_40] {strides = array<i32>} : memref<16x1x128xf32, #tpu.memory_space<vmem>>, vector<16xf32>,
      %add3A_42 = arith.addf %get3A_35, %get3A_41 : vector<16xf32>
      %get3A_43 = arith.constant 2 : i32
      %get3A_44 = arith.constant 0 : i32
      %get3A_45 = arith.index_cast %get3A_43 : i32 to index
      %get3A_46 = arith.index_cast %get3A_44 : i32 to index
      %get3A_47 = arith.constant 0 : index
      %get3A_48 = tpu.vector_load %arg6[%get3A_45, %get3A_46, %get3A_47] {strides = array<i32>} : memref<16x1x128xf32, #tpu.memory_space<vmem>>, vector<16xf32>,
      %add3A_49 = arith.addf %add3A_42, %get3A_48 : vector<16xf32>
      %get3A_50 = arith.constant 3 : i32
      %get3A_51 = arith.constant 0 : i32
      %get3A_52 = arith.index_cast %get3A_50 : i32 to index
      %get3A_53 = arith.index_cast %get3A_51 : i32 to index
      %get3A_54 = arith.constant 0 : index
      %get3A_55 = tpu.vector_load %arg6[%get3A_52, %get3A_53, %get3A_54] {strides = array<i32>} : memref<16x1x128xf32, #tpu.memory_space<vmem>>, vector<16xf32>,
      %add3A_56 = arith.addf %add3A_49, %get3A_55 : vector<16xf32>
      %get3A_57 = arith.constant 4 : i32
      %get3A_58 = arith.constant 0 : i32
      %get3A_59 = arith.index_cast %get3A_57 : i32 to index
      %get3A_60 = arith.index_cast %get3A_58 : i32 to index
      %get3A_61 = arith.constant 0 : index
      %get3A_62 = tpu.vector_load %arg6[%get3A_59, %get3A_60, %get3A_61] {strides = array<i32>} : memref<16x1x128xf32, #tpu.memory_space<vmem>>, vector<16xf32>,
      %add3A_63 = arith.addf %add3A_56, %get3A_62 : vector<16xf32>
      %get3A_64 = arith.constant 5 : i32
      %get3A_65 = arith.constant 0 : i32
      %get3A_66 = arith.index_cast %get3A_64 : i32 to index
      %get3A_67 = arith.index_cast %get3A_65 : i32 to index
      %get3A_68 = arith.constant 0 : index
      %get3A_69 = tpu.vector_load %arg6[%get3A_66, %get3A_67, %get3A_68] {strides = array<i32>} : memref<16x1x128xf32, #tpu.memory_space<vmem>>, vector<16xf32>,
      %add3A_70 = arith.addf %add3A_63, %get3A_69 : vector<16xf32>
      %get3A_71 = arith.constant 6 : i32
      %get3A_72 = arith.constant 0 : i32
      %get3A_73 = arith.index_cast %get3A_71 : i32 to index
      %get3A_74 = arith.index_cast %get3A_72 : i32 to index
      %get3A_75 = arith.constant 0 : index
      %get3A_76 = tpu.vector_load %arg6[%get3A_73, %get3A_74, %get3A_75] {strides = array<i32>} : memref<16x1x128xf32, #tpu.memory_space<vmem>>, vector<16xf32>,
      %add3A_77 = arith.addf %add3A_70, %get3A_76 : vector<16xf32>
      %get3A_78 = arith.constant 7 : i32
      %get3A_79 = arith.constant 0 : i32
      %get3A_80 = arith.index_cast %get3A_78 : i32 to index
      %get3A_81 = arith.index_cast %get3A_79 : i32 to index
      %get3A_82 = arith.constant 0 : index
      %get3A_83 = tpu.vector_load %arg6[%get3A_80, %get3A_81, %get3A_82] {strides = array<i32>} : memref<16x1x128xf32, #tpu.memory_space<vmem>>, vector<16xf32>,
      %add3A_84 = arith.addf %add3A_77, %get3A_83 : vector<16xf32>
      %get3A_85 = arith.constant 8 : i32
      %get3A_86 = arith.constant 0 : i32
      %get3A_87 = arith.index_cast %get3A_85 : i32 to index
      %get3A_88 = arith.index_cast %get3A_86 : i32 to index
      %get3A_89 = arith.constant 0 : index
      %get3A_90 = tpu.vector_load %arg6[%get3A_87, %get3A_88, %get3A_89] {strides = array<i32>} : memref<16x1x128xf32, #tpu.memory_space<vmem>>, vector<16xf32>,
      %add3A_91 = arith.addf %add3A_84, %get3A_90 : vector<16xf32>
      %get3A_92 = arith.constant 9 : i32
      %get3A_93 = arith.constant 0 : i32
      %get3A_94 = arith.index_cast %get3A_92 : i32 to index
      %get3A_95 = arith.index_cast %get3A_93 : i32 to index
      %get3A_96 = arith.constant 0 : index
      %get3A_97 = tpu.vector_load %arg6[%get3A_94, %get3A_95, %get3A_96] {strides = array<i32>} : memref<16x1x128xf32, #tpu.memory_space<vmem>>, vector<16xf32>,
      %add3A_98 = arith.addf %add3A_91, %get3A_97 : vector<16xf32>
      %get3A_99 = arith.constant 10 : i32
      %get3A_100 = arith.constant 0 : i32
      %get3A_101 = arith.index_cast %get3A_99 : i32 to index
      %get3A_102 = arith.index_cast %get3A_100 : i32 to index
      %get3A_103 = arith.constant 0 : index
      %get3A_104 = tpu.vector_load %arg6[%get3A_101, %get3A_102, %get3A_103] {strides = array<i32>} : memref<16x1x128xf32, #tpu.memory_space<vmem>>, vector<16xf32>,
      %add3A_105 = arith.addf %add3A_98, %get3A_104 : vector<16xf32>
      %get3A_106 = arith.constant 11 : i32
      %get3A_107 = arith.constant 0 : i32
      %get3A_108 = arith.index_cast %get3A_106 : i32 to index
      %get3A_109 = arith.index_cast %get3A_107 : i32 to index
      %get3A_110 = arith.constant 0 : index
      %get3A_111 = tpu.vector_load %arg6[%get3A_108, %get3A_109, %get3A_110] {strides = array<i32>} : memref<16x1x128xf32, #tpu.memory_space<vmem>>, vector<16xf32>,
      %add3A_112 = arith.addf %add3A_105, %get3A_111 : vector<16xf32>
      %get3A_113 = arith.constant 12 : i32
      %get3A_114 = arith.constant 0 : i32
      %get3A_115 = arith.index_cast %get3A_113 : i32 to index
      %get3A_116 = arith.index_cast %get3A_114 : i32 to index
      %get3A_117 = arith.constant 0 : index
      %get3A_118 = tpu.vector_load %arg6[%get3A_115, %get3A_116, %get3A_117] {strides = array<i32>} : memref<16x1x128xf32, #tpu.memory_space<vmem>>, vector<16xf32>,
      %add3A_119 = arith.addf %add3A_112, %get3A_118 : vector<16xf32>
      %get3A_120 = arith.constant 13 : i32
      %get3A_121 = arith.constant 0 : i32
      %get3A_122 = arith.index_cast %get3A_120 : i32 to index
      %get3A_123 = arith.index_cast %get3A_121 : i32 to index
      %get3A_124 = arith.constant 0 : index
      %get3A_125 = tpu.vector_load %arg6[%get3A_122, %get3A_123, %get3A_124] {strides = array<i32>} : memref<16x1x128xf32, #tpu.memory_space<vmem>>, vector<16xf32>,
      %add3A_126 = arith.addf %add3A_119, %get3A_125 : vector<16xf32>
      %get3A_127 = arith.constant 14 : i32
      %get3A_128 = arith.constant 0 : i32
      %get3A_129 = arith.index_cast %get3A_127 : i32 to index
      %get3A_130 = arith.index_cast %get3A_128 : i32 to index
      %get3A_131 = arith.constant 0 : index
      %get3A_132 = tpu.vector_load %arg6[%get3A_129, %get3A_130, %get3A_131] {strides = array<i32>} : memref<16x1x128xf32, #tpu.memory_space<vmem>>, vector<16xf32>,
      %add3A_133 = arith.addf %add3A_126, %get3A_132 : vector<16xf32>
      %get3A_134 = arith.constant 15 : i32
      %get3A_135 = arith.constant 0 : i32
      %get3A_136 = arith.index_cast %get3A_134 : i32 to index
      %get3A_137 = arith.index_cast %get3A_135 : i32 to index
      %get3A_138 = arith.constant 0 : index
      %get3A_139 = tpu.vector_load %arg6[%get3A_136, %get3A_137, %get3A_138] {strides = array<i32>} : memref<16x1x128xf32, #tpu.memory_space<vmem>>, vector<16xf32>,
      %add3A_140 = arith.addf %add3A_133, %get3A_139 : vector<16xf32>
      %slice3A = vector.extract_strided_slice %add3A_140 {offsets = [0], sizes = [1], strides = [1]} : vector<16xf32> to vector<1xf32>
      %squeeze3A = vector.extract %slice3A[0] : f32 from vector<1xf32>
      %broadcast_in_dim3A_141 = vector.broadcast %squeeze3A : f32 to vector<16xf32>
      %swap3A = arith.constant 0 : i32
      %swap3A_142 = arith.index_cast %swap3A : i32 to index
      %swap3A_143 = arith.constant 0 : index
      %swap3A_144 = tpu.vector_load %arg7[%swap3A_142, %swap3A_143] {strides = array<i32>} : memref<128x16xf32, #tpu.memory_space<vmem>>, vector<16xf32>,
      tpu.vector_store %arg7[%swap3A_142, %swap3A_143], %broadcast_in_dim3A_141 {strides = array<i32>} : memref<128x16xf32, #tpu.memory_space<vmem>>, vector<16xf32>,
      %slice3A_145 = vector.extract_strided_slice %add3A_140 {offsets = [1], sizes = [1], strides = [1]} : vector<16xf32> to vector<1xf32>
      %squeeze3A_146 = vector.extract %slice3A_145[0] : f32 from vector<1xf32>
      %broadcast_in_dim3A_147 = vector.broadcast %squeeze3A_146 : f32 to vector<16xf32>
      %swap3A_148 = arith.constant 1 : i32
      %swap3A_149 = arith.index_cast %swap3A_148 : i32 to index
      %swap3A_150 = arith.constant 0 : index
      %swap3A_151 = tpu.vector_load %arg7[%swap3A_149, %swap3A_150] {strides = array<i32>} : memref<128x16xf32, #tpu.memory_space<vmem>>, vector<16xf32>,
      tpu.vector_store %arg7[%swap3A_149, %swap3A_150], %broadcast_in_dim3A_147 {strides = array<i32>} : memref<128x16xf32, #tpu.memory_space<vmem>>, vector<16xf32>,
      %slice3A_152 = vector.extract_strided_slice %add3A_140 {offsets = [2], sizes = [1], strides = [1]} : vector<16xf32> to vector<1xf32>
      %squeeze3A_153 = vector.extract %slice3A_152[0] : f32 from vector<1xf32>
      %broadcast_in_dim3A_154 = vector.broadcast %squeeze3A_153 : f32 to vector<16xf32>
      %swap3A_155 = arith.constant 2 : i32
      %swap3A_156 = arith.index_cast %swap3A_155 : i32 to index
      %swap3A_157 = arith.constant 0 : index
      %swap3A_158 = tpu.vector_load %arg7[%swap3A_156, %swap3A_157] {strides = array<i32>} : memref<128x16xf32, #tpu.memory_space<vmem>>, vector<16xf32>,
      tpu.vector_store %arg7[%swap3A_156, %swap3A_157], %broadcast_in_dim3A_154 {strides = array<i32>} : memref<128x16xf32, #tpu.memory_space<vmem>>, vector<16xf32>,
      %slice3A_159 = vector.extract_strided_slice %add3A_140 {offsets = [3], sizes = [1], strides = [1]} : vector<16xf32> to vector<1xf32>
      %squeeze3A_160 = vector.extract %slice3A_159[0] : f32 from vector<1xf32>
      %broadcast_in_dim3A_161 = vector.broadcast %squeeze3A_160 : f32 to vector<16xf32>
      %swap3A_162 = arith.constant 3 : i32
      %swap3A_163 = arith.index_cast %swap3A_162 : i32 to index
      %swap3A_164 = arith.constant 0 : index
      %swap3A_165 = tpu.vector_load %arg7[%swap3A_163, %swap3A_164] {strides = array<i32>} : memref<128x16xf32, #tpu.memory_space<vmem>>, vector<16xf32>,
      tpu.vector_store %arg7[%swap3A_163, %swap3A_164], %broadcast_in_dim3A_161 {strides = array<i32>} : memref<128x16xf32, #tpu.memory_space<vmem>>, vector<16xf32>,
      %slice3A_166 = vector.extract_strided_slice %add3A_140 {offsets = [4], sizes = [1], strides = [1]} : vector<16xf32> to vector<1xf32>
      %squeeze3A_167 = vector.extract %slice3A_166[0] : f32 from vector<1xf32>
      %broadcast_in_dim3A_168 = vector.broadcast %squeeze3A_167 : f32 to vector<16xf32>
      %swap3A_169 = arith.constant 4 : i32
      %swap3A_170 = arith.index_cast %swap3A_169 : i32 to index
      %swap3A_171 = arith.constant 0 : index
      %swap3A_172 = tpu.vector_load %arg7[%swap3A_170, %swap3A_171] {strides = array<i32>} : memref<128x16xf32, #tpu.memory_space<vmem>>, vector<16xf32>,
      tpu.vector_store %arg7[%swap3A_170, %swap3A_171], %broadcast_in_dim3A_168 {strides = array<i32>} : memref<128x16xf32, #tpu.memory_space<vmem>>, vector<16xf32>,
      %slice3A_173 = vector.extract_strided_slice %add3A_140 {offsets = [5], sizes = [1], strides = [1]} : vector<16xf32> to vector<1xf32>
      %squeeze3A_174 = vector.extract %slice3A_173[0] : f32 from vector<1xf32>
      %broadcast_in_dim3A_175 = vector.broadcast %squeeze3A_174 : f32 to vector<16xf32>
      %swap3A_176 = arith.constant 5 : i32
      %swap3A_177 = arith.index_cast %swap3A_176 : i32 to index
      %swap3A_178 = arith.constant 0 : index
      %swap3A_179 = tpu.vector_load %arg7[%swap3A_177, %swap3A_178] {strides = array<i32>} : memref<128x16xf32, #tpu.memory_space<vmem>>, vector<16xf32>,
      tpu.vector_store %arg7[%swap3A_177, %swap3A_178], %broadcast_in_dim3A_175 {strides = array<i32>} : memref<128x16xf32, #tpu.memory_space<vmem>>, vector<16xf32>,
      %slice3A_180 = vector.extract_strided_slice %add3A_140 {offsets = [6], sizes = [1], strides = [1]} : vector<16xf32> to vector<1xf32>
      %squeeze3A_181 = vector.extract %slice3A_180[0] : f32 from vector<1xf32>
      %broadcast_in_dim3A_182 = vector.broadcast %squeeze3A_181 : f32 to vector<16xf32>
      %swap3A_183 = arith.constant 6 : i32
      %swap3A_184 = arith.index_cast %swap3A_183 : i32 to index
      %swap3A_185 = arith.constant 0 : index
      %swap3A_186 = tpu.vector_load %arg7[%swap3A_184, %swap3A_185] {strides = array<i32>} : memref<128x16xf32, #tpu.memory_space<vmem>>, vector<16xf32>,
      tpu.vector_store %arg7[%swap3A_184, %swap3A_185], %broadcast_in_dim3A_182 {strides = array<i32>} : memref<128x16xf32, #tpu.memory_space<vmem>>, vector<16xf32>,
      %slice3A_187 = vector.extract_strided_slice %add3A_140 {offsets = [7], sizes = [1], strides = [1]} : vector<16xf32> to vector<1xf32>
      %squeeze3A_188 = vector.extract %slice3A_187[0] : f32 from vector<1xf32>
      %broadcast_in_dim3A_189 = vector.broadcast %squeeze3A_188 : f32 to vector<16xf32>
      %swap3A_190 = arith.constant 7 : i32
      %swap3A_191 = arith.index_cast %swap3A_190 : i32 to index
      %swap3A_192 = arith.constant 0 : index
      %swap3A_193 = tpu.vector_load %arg7[%swap3A_191, %swap3A_192] {strides = array<i32>} : memref<128x16xf32, #tpu.memory_space<vmem>>, vector<16xf32>,
      tpu.vector_store %arg7[%swap3A_191, %swap3A_192], %broadcast_in_dim3A_189 {strides = array<i32>} : memref<128x16xf32, #tpu.memory_space<vmem>>, vector<16xf32>,
      %slice3A_194 = vector.extract_strided_slice %add3A_140 {offsets = [8], sizes = [1], strides = [1]} : vector<16xf32> to vector<1xf32>
      %squeeze3A_195 = vector.extract %slice3A_194[0] : f32 from vector<1xf32>
      %broadcast_in_dim3A_196 = vector.broadcast %squeeze3A_195 : f32 to vector<16xf32>
      %swap3A_197 = arith.constant 8 : i32
      %swap3A_198 = arith.index_cast %swap3A_197 : i32 to index
      %swap3A_199 = arith.constant 0 : index
      %swap3A_200 = tpu.vector_load %arg7[%swap3A_198, %swap3A_199] {strides = array<i32>} : memref<128x16xf32, #tpu.memory_space<vmem>>, vector<16xf32>,
      tpu.vector_store %arg7[%swap3A_198, %swap3A_199], %broadcast_in_dim3A_196 {strides = array<i32>} : memref<128x16xf32, #tpu.memory_space<vmem>>, vector<16xf32>,
      %slice3A_201 = vector.extract_strided_slice %add3A_140 {offsets = [9], sizes = [1], strides = [1]} : vector<16xf32> to vector<1xf32>
      %squeeze3A_202 = vector.extract %slice3A_201[0] : f32 from vector<1xf32>
      %broadcast_in_dim3A_203 = vector.broadcast %squeeze3A_202 : f32 to vector<16xf32>
      %swap3A_204 = arith.constant 9 : i32
      %swap3A_205 = arith.index_cast %swap3A_204 : i32 to index
      %swap3A_206 = arith.constant 0 : index
      %swap3A_207 = tpu.vector_load %arg7[%swap3A_205, %swap3A_206] {strides = array<i32>} : memref<128x16xf32, #tpu.memory_space<vmem>>, vector<16xf32>,
      tpu.vector_store %arg7[%swap3A_205, %swap3A_206], %broadcast_in_dim3A_203 {strides = array<i32>} : memref<128x16xf32, #tpu.memory_space<vmem>>, vector<16xf32>,
      %slice3A_208 = vector.extract_strided_slice %add3A_140 {offsets = [10], sizes = [1], strides = [1]} : vector<16xf32> to vector<1xf32>
      %squeeze3A_209 = vector.extract %slice3A_208[0] : f32 from vector<1xf32>
      %broadcast_in_dim3A_210 = vector.broadcast %squeeze3A_209 : f32 to vector<16xf32>
      %swap3A_211 = arith.constant 10 : i32
      %swap3A_212 = arith.index_cast %swap3A_211 : i32 to index
      %swap3A_213 = arith.constant 0 : index
      %swap3A_214 = tpu.vector_load %arg7[%swap3A_212, %swap3A_213] {strides = array<i32>} : memref<128x16xf32, #tpu.memory_space<vmem>>, vector<16xf32>,
      tpu.vector_store %arg7[%swap3A_212, %swap3A_213], %broadcast_in_dim3A_210 {strides = array<i32>} : memref<128x16xf32, #tpu.memory_space<vmem>>, vector<16xf32>,
      %slice3A_215 = vector.extract_strided_slice %add3A_140 {offsets = [11], sizes = [1], strides = [1]} : vector<16xf32> to vector<1xf32>
      %squeeze3A_216 = vector.extract %slice3A_215[0] : f32 from vector<1xf32>
      %broadcast_in_dim3A_217 = vector.broadcast %squeeze3A_216 : f32 to vector<16xf32>
      %swap3A_218 = arith.constant 11 : i32
      %swap3A_219 = arith.index_cast %swap3A_218 : i32 to index
      %swap3A_220 = arith.constant 0 : index
      %swap3A_221 = tpu.vector_load %arg7[%swap3A_219, %swap3A_220] {strides = array<i32>} : memref<128x16xf32, #tpu.memory_space<vmem>>, vector<16xf32>,
      tpu.vector_store %arg7[%swap3A_219, %swap3A_220], %broadcast_in_dim3A_217 {strides = array<i32>} : memref<128x16xf32, #tpu.memory_space<vmem>>, vector<16xf32>,
      %slice3A_222 = vector.extract_strided_slice %add3A_140 {offsets = [12], sizes = [1], strides = [1]} : vector<16xf32> to vector<1xf32>
      %squeeze3A_223 = vector.extract %slice3A_222[0] : f32 from vector<1xf32>
      %broadcast_in_dim3A_224 = vector.broadcast %squeeze3A_223 : f32 to vector<16xf32>
      %swap3A_225 = arith.constant 12 : i32
      %swap3A_226 = arith.index_cast %swap3A_225 : i32 to index
      %swap3A_227 = arith.constant 0 : index
      %swap3A_228 = tpu.vector_load %arg7[%swap3A_226, %swap3A_227] {strides = array<i32>} : memref<128x16xf32, #tpu.memory_space<vmem>>, vector<16xf32>,
      tpu.vector_store %arg7[%swap3A_226, %swap3A_227], %broadcast_in_dim3A_224 {strides = array<i32>} : memref<128x16xf32, #tpu.memory_space<vmem>>, vector<16xf32>,
      %slice3A_229 = vector.extract_strided_slice %add3A_140 {offsets = [13], sizes = [1], strides = [1]} : vector<16xf32> to vector<1xf32>
      %squeeze3A_230 = vector.extract %slice3A_229[0] : f32 from vector<1xf32>
      %broadcast_in_dim3A_231 = vector.broadcast %squeeze3A_230 : f32 to vector<16xf32>
      %swap3A_232 = arith.constant 13 : i32
      %swap3A_233 = arith.index_cast %swap3A_232 : i32 to index
      %swap3A_234 = arith.constant 0 : index
      %swap3A_235 = tpu.vector_load %arg7[%swap3A_233, %swap3A_234] {strides = array<i32>} : memref<128x16xf32, #tpu.memory_space<vmem>>, vector<16xf32>,
      tpu.vector_store %arg7[%swap3A_233, %swap3A_234], %broadcast_in_dim3A_231 {strides = array<i32>} : memref<128x16xf32, #tpu.memory_space<vmem>>, vector<16xf32>,
      %slice3A_236 = vector.extract_strided_slice %add3A_140 {offsets = [14], sizes = [1], strides = [1]} : vector<16xf32> to vector<1xf32>
      %squeeze3A_237 = vector.extract %slice3A_236[0] : f32 from vector<1xf32>
      %broadcast_in_dim3A_238 = vector.broadcast %squeeze3A_237 : f32 to vector<16xf32>
      %swap3A_239 = arith.constant 14 : i32
      %swap3A_240 = arith.index_cast %swap3A_239 : i32 to index
      %swap3A_241 = arith.constant 0 : index
      %swap3A_242 = tpu.vector_load %arg7[%swap3A_240, %swap3A_241] {strides = array<i32>} : memref<128x16xf32, #tpu.memory_space<vmem>>, vector<16xf32>,
      tpu.vector_store %arg7[%swap3A_240, %swap3A_241], %broadcast_in_dim3A_238 {strides = array<i32>} : memref<128x16xf32, #tpu.memory_space<vmem>>, vector<16xf32>,
      %slice3A_243 = vector.extract_strided_slice %add3A_140 {offsets = [15], sizes = [1], strides = [1]} : vector<16xf32> to vector<1xf32>
      %squeeze3A_244 = vector.extract %slice3A_243[0] : f32 from vector<1xf32>
      %broadcast_in_dim3A_245 = vector.broadcast %squeeze3A_244 : f32 to vector<16xf32>
      %swap3A_246 = arith.constant 15 : i32
      %swap3A_247 = arith.index_cast %swap3A_246 : i32 to index
      %swap3A_248 = arith.constant 0 : index
      %swap3A_249 = tpu.vector_load %arg7[%swap3A_247, %swap3A_248] {strides = array<i32>} : memref<128x16xf32, #tpu.memory_space<vmem>>, vector<16xf32>,
      tpu.vector_store %arg7[%swap3A_247, %swap3A_248], %broadcast_in_dim3A_245 {strides = array<i32>} : memref<128x16xf32, #tpu.memory_space<vmem>>, vector<16xf32>,
      %get3A_250 = arith.constant 0 : i32
      %get3A_251 = arith.constant 0 : i32
      %get3A_252 = arith.index_cast %get3A_250 : i32 to index
      %get3A_253 = arith.index_cast %get3A_251 : i32 to index
      %get3A_254 = arith.constant 16 : index
      %get3A_255 = tpu.vector_load %arg6[%get3A_252, %get3A_253, %get3A_254] {strides = array<i32>} : memref<16x1x128xf32, #tpu.memory_space<vmem>>, vector<16xf32>,
      %get3A_256 = arith.constant 1 : i32
      %get3A_257 = arith.constant 0 : i32
      %get3A_258 = arith.index_cast %get3A_256 : i32 to index
      %get3A_259 = arith.index_cast %get3A_257 : i32 to index
      %get3A_260 = arith.constant 16 : index
      %get3A_261 = tpu.vector_load %arg6[%get3A_258, %get3A_259, %get3A_260] {strides = array<i32>} : memref<16x1x128xf32, #tpu.memory_space<vmem>>, vector<16xf32>,
      %add3A_262 = arith.addf %get3A_255, %get3A_261 : vector<16xf32>
      %get3A_263 = arith.constant 2 : i32
      %get3A_264 = arith.constant 0 : i32
      %get3A_265 = arith.index_cast %get3A_263 : i32 to index
      %get3A_266 = arith.index_cast %get3A_264 : i32 to index
      %get3A_267 = arith.constant 16 : index
      %get3A_268 = tpu.vector_load %arg6[%get3A_265, %get3A_266, %get3A_267] {strides = array<i32>} : memref<16x1x128xf32, #tpu.memory_space<vmem>>, vector<16xf32>,
      %add3A_269 = arith.addf %add3A_262, %get3A_268 : vector<16xf32>
      %get3A_270 = arith.constant 3 : i32
      %get3A_271 = arith.constant 0 : i32
      %get3A_272 = arith.index_cast %get3A_270 : i32 to index
      %get3A_273 = arith.index_cast %get3A_271 : i32 to index
      %get3A_274 = arith.constant 16 : index
      %get3A_275 = tpu.vector_load %arg6[%get3A_272, %get3A_273, %get3A_274] {strides = array<i32>} : memref<16x1x128xf32, #tpu.memory_space<vmem>>, vector<16xf32>,
      %add3A_276 = arith.addf %add3A_269, %get3A_275 : vector<16xf32>
      %get3A_277 = arith.constant 4 : i32
      %get3A_278 = arith.constant 0 : i32
      %get3A_279 = arith.index_cast %get3A_277 : i32 to index
      %get3A_280 = arith.index_cast %get3A_278 : i32 to index
      %get3A_281 = arith.constant 16 : index
      %get3A_282 = tpu.vector_load %arg6[%get3A_279, %get3A_280, %get3A_281] {strides = array<i32>} : memref<16x1x128xf32, #tpu.memory_space<vmem>>, vector<16xf32>,
      %add3A_283 = arith.addf %add3A_276, %get3A_282 : vector<16xf32>
      %get3A_284 = arith.constant 5 : i32
      %get3A_285 = arith.constant 0 : i32
      %get3A_286 = arith.index_cast %get3A_284 : i32 to index
      %get3A_287 = arith.index_cast %get3A_285 : i32 to index
      %get3A_288 = arith.constant 16 : index
      %get3A_289 = tpu.vector_load %arg6[%get3A_286, %get3A_287, %get3A_288] {strides = array<i32>} : memref<16x1x128xf32, #tpu.memory_space<vmem>>, vector<16xf32>,
      %add3A_290 = arith.addf %add3A_283, %get3A_289 : vector<16xf32>
      %get3A_291 = arith.constant 6 : i32
      %get3A_292 = arith.constant 0 : i32
      %get3A_293 = arith.index_cast %get3A_291 : i32 to index
      %get3A_294 = arith.index_cast %get3A_292 : i32 to index
      %get3A_295 = arith.constant 16 : index
      %get3A_296 = tpu.vector_load %arg6[%get3A_293, %get3A_294, %get3A_295] {strides = array<i32>} : memref<16x1x128xf32, #tpu.memory_space<vmem>>, vector<16xf32>,
      %add3A_297 = arith.addf %add3A_290, %get3A_296 : vector<16xf32>
      %get3A_298 = arith.constant 7 : i32
      %get3A_299 = arith.constant 0 : i32
      %get3A_300 = arith.index_cast %get3A_298 : i32 to index
      %get3A_301 = arith.index_cast %get3A_299 : i32 to index
      %get3A_302 = arith.constant 16 : index
      %get3A_303 = tpu.vector_load %arg6[%get3A_300, %get3A_301, %get3A_302] {strides = array<i32>} : memref<16x1x128xf32, #tpu.memory_space<vmem>>, vector<16xf32>,
      %add3A_304 = arith.addf %add3A_297, %get3A_303 : vector<16xf32>
      %get3A_305 = arith.constant 8 : i32
      %get3A_306 = arith.constant 0 : i32
      %get3A_307 = arith.index_cast %get3A_305 : i32 to index
      %get3A_308 = arith.index_cast %get3A_306 : i32 to index
      %get3A_309 = arith.constant 16 : index
      %get3A_310 = tpu.vector_load %arg6[%get3A_307, %get3A_308, %get3A_309] {strides = array<i32>} : memref<16x1x128xf32, #tpu.memory_space<vmem>>, vector<16xf32>,
      %add3A_311 = arith.addf %add3A_304, %get3A_310 : vector<16xf32>
      %get3A_312 = arith.constant 9 : i32
      %get3A_313 = arith.constant 0 : i32
      %get3A_314 = arith.index_cast %get3A_312 : i32 to index
      %get3A_315 = arith.index_cast %get3A_313 : i32 to index
      %get3A_316 = arith.constant 16 : index
      %get3A_317 = tpu.vector_load %arg6[%get3A_314, %get3A_315, %get3A_316] {strides = array<i32>} : memref<16x1x128xf32, #tpu.memory_space<vmem>>, vector<16xf32>,
      %add3A_318 = arith.addf %add3A_311, %get3A_317 : vector<16xf32>
      %get3A_319 = arith.constant 10 : i32
      %get3A_320 = arith.constant 0 : i32
      %get3A_321 = arith.index_cast %get3A_319 : i32 to index
      %get3A_322 = arith.index_cast %get3A_320 : i32 to index
      %get3A_323 = arith.constant 16 : index
      %get3A_324 = tpu.vector_load %arg6[%get3A_321, %get3A_322, %get3A_323] {strides = array<i32>} : memref<16x1x128xf32, #tpu.memory_space<vmem>>, vector<16xf32>,
      %add3A_325 = arith.addf %add3A_318, %get3A_324 : vector<16xf32>
      %get3A_326 = arith.constant 11 : i32
      %get3A_327 = arith.constant 0 : i32
      %get3A_328 = arith.index_cast %get3A_326 : i32 to index
      %get3A_329 = arith.index_cast %get3A_327 : i32 to index
      %get3A_330 = arith.constant 16 : index
      %get3A_331 = tpu.vector_load %arg6[%get3A_328, %get3A_329, %get3A_330] {strides = array<i32>} : memref<16x1x128xf32, #tpu.memory_space<vmem>>, vector<16xf32>,
      %add3A_332 = arith.addf %add3A_325, %get3A_331 : vector<16xf32>
      %get3A_333 = arith.constant 12 : i32
      %get3A_334 = arith.constant 0 : i32
      %get3A_335 = arith.index_cast %get3A_333 : i32 to index
      %get3A_336 = arith.index_cast %get3A_334 : i32 to index
      %get3A_337 = arith.constant 16 : index
      %get3A_338 = tpu.vector_load %arg6[%get3A_335, %get3A_336, %get3A_337] {strides = array<i32>} : memref<16x1x128xf32, #tpu.memory_space<vmem>>, vector<16xf32>,
      %add3A_339 = arith.addf %add3A_332, %get3A_338 : vector<16xf32>
      %get3A_340 = arith.constant 13 : i32
      %get3A_341 = arith.constant 0 : i32
      %get3A_342 = arith.index_cast %get3A_340 : i32 to index
      %get3A_343 = arith.index_cast %get3A_341 : i32 to index
      %get3A_344 = arith.constant 16 : index
      %get3A_345 = tpu.vector_load %arg6[%get3A_342, %get3A_343, %get3A_344] {strides = array<i32>} : memref<16x1x128xf32, #tpu.memory_space<vmem>>, vector<16xf32>,
      %add3A_346 = arith.addf %add3A_339, %get3A_345 : vector<16xf32>
      %get3A_347 = arith.constant 14 : i32
      %get3A_348 = arith.constant 0 : i32
      %get3A_349 = arith.index_cast %get3A_347 : i32 to index
      %get3A_350 = arith.index_cast %get3A_348 : i32 to index
      %get3A_351 = arith.constant 16 : index
      %get3A_352 = tpu.vector_load %arg6[%get3A_349, %get3A_350, %get3A_351] {strides = array<i32>} : memref<16x1x128xf32, #tpu.memory_space<vmem>>, vector<16xf32>,
      %add3A_353 = arith.addf %add3A_346, %get3A_352 : vector<16xf32>
      %get3A_354 = arith.constant 15 : i32
      %get3A_355 = arith.constant 0 : i32
      %get3A_356 = arith.index_cast %get3A_354 : i32 to index
      %get3A_357 = arith.index_cast %get3A_355 : i32 to index
      %get3A_358 = arith.constant 16 : index
      %get3A_359 = tpu.vector_load %arg6[%get3A_356, %get3A_357, %get3A_358] {strides = array<i32>} : memref<16x1x128xf32, #tpu.memory_space<vmem>>, vector<16xf32>,
      %add3A_360 = arith.addf %add3A_353, %get3A_359 : vector<16xf32>
      %slice3A_361 = vector.extract_strided_slice %add3A_360 {offsets = [0], sizes = [1], strides = [1]} : vector<16xf32> to vector<1xf32>
      %squeeze3A_362 = vector.extract %slice3A_361[0] : f32 from vector<1xf32>
      %broadcast_in_dim3A_363 = vector.broadcast %squeeze3A_362 : f32 to vector<16xf32>
      %swap3A_364 = arith.constant 16 : i32
      %swap3A_365 = arith.index_cast %swap3A_364 : i32 to index
      %swap3A_366 = arith.constant 0 : index
      %swap3A_367 = tpu.vector_load %arg7[%swap3A_365, %swap3A_366] {strides = array<i32>} : memref<128x16xf32, #tpu.memory_space<vmem>>, vector<16xf32>,
      tpu.vector_store %arg7[%swap3A_365, %swap3A_366], %broadcast_in_dim3A_363 {strides = array<i32>} : memref<128x16xf32, #tpu.memory_space<vmem>>, vector<16xf32>,
      %slice3A_368 = vector.extract_strided_slice %add3A_360 {offsets = [1], sizes = [1], strides = [1]} : vector<16xf32> to vector<1xf32>
      %squeeze3A_369 = vector.extract %slice3A_368[0] : f32 from vector<1xf32>
      %broadcast_in_dim3A_370 = vector.broadcast %squeeze3A_369 : f32 to vector<16xf32>
      %swap3A_371 = arith.constant 17 : i32
      %swap3A_372 = arith.index_cast %swap3A_371 : i32 to index
      %swap3A_373 = arith.constant 0 : index
      %swap3A_374 = tpu.vector_load %arg7[%swap3A_372, %swap3A_373] {strides = array<i32>} : memref<128x16xf32, #tpu.memory_space<vmem>>, vector<16xf32>,
      tpu.vector_store %arg7[%swap3A_372, %swap3A_373], %broadcast_in_dim3A_370 {strides = array<i32>} : memref<128x16xf32, #tpu.memory_space<vmem>>, vector<16xf32>,
      %slice3A_375 = vector.extract_strided_slice %add3A_360 {offsets = [2], sizes = [1], strides = [1]} : vector<16xf32> to vector<1xf32>
      %squeeze3A_376 = vector.extract %slice3A_375[0] : f32 from vector<1xf32>
      %broadcast_in_dim3A_377 = vector.broadcast %squeeze3A_376 : f32 to vector<16xf32>
      %swap3A_378 = arith.constant 18 : i32
      %swap3A_379 = arith.index_cast %swap3A_378 : i32 to index
      %swap3A_380 = arith.constant 0 : index
      %swap3A_381 = tpu.vector_load %arg7[%swap3A_379, %swap3A_380] {strides = array<i32>} : memref<128x16xf32, #tpu.memory_space<vmem>>, vector<16xf32>,
      tpu.vector_store %arg7[%swap3A_379, %swap3A_380], %broadcast_in_dim3A_377 {strides = array<i32>} : memref<128x16xf32, #tpu.memory_space<vmem>>, vector<16xf32>,
      %slice3A_382 = vector.extract_strided_slice %add3A_360 {offsets = [3], sizes = [1], strides = [1]} : vector<16xf32> to vector<1xf32>
      %squeeze3A_383 = vector.extract %slice3A_382[0] : f32 from vector<1xf32>
      %broadcast_in_dim3A_384 = vector.broadcast %squeeze3A_383 : f32 to vector<16xf32>
      %swap3A_385 = arith.constant 19 : i32
      %swap3A_386 = arith.index_cast %swap3A_385 : i32 to index
      %swap3A_387 = arith.constant 0 : index
      %swap3A_388 = tpu.vector_load %arg7[%swap3A_386, %swap3A_387] {strides = array<i32>} : memref<128x16xf32, #tpu.memory_space<vmem>>, vector<16xf32>,
      tpu.vector_store %arg7[%swap3A_386, %swap3A_387], %broadcast_in_dim3A_384 {strides = array<i32>} : memref<128x16xf32, #tpu.memory_space<vmem>>, vector<16xf32>,
      %slice3A_389 = vector.extract_strided_slice %add3A_360 {offsets = [4], sizes = [1], strides = [1]} : vector<16xf32> to vector<1xf32>
      %squeeze3A_390 = vector.extract %slice3A_389[0] : f32 from vector<1xf32>
      %broadcast_in_dim3A_391 = vector.broadcast %squeeze3A_390 : f32 to vector<16xf32>
      %swap3A_392 = arith.constant 20 : i32
      %swap3A_393 = arith.index_cast %swap3A_392 : i32 to index
      %swap3A_394 = arith.constant 0 : index
      %swap3A_395 = tpu.vector_load %arg7[%swap3A_393, %swap3A_394] {strides = array<i32>} : memref<128x16xf32, #tpu.memory_space<vmem>>, vector<16xf32>,
      tpu.vector_store %arg7[%swap3A_393, %swap3A_394], %broadcast_in_dim3A_391 {strides = array<i32>} : memref<128x16xf32, #tpu.memory_space<vmem>>, vector<16xf32>,
      %slice3A_396 = vector.extract_strided_slice %add3A_360 {offsets = [5], sizes = [1], strides = [1]} : vector<16xf32> to vector<1xf32>
      %squeeze3A_397 = vector.extract %slice3A_396[0] : f32 from vector<1xf32>
      %broadcast_in_dim3A_398 = vector.broadcast %squeeze3A_397 : f32 to vector<16xf32>
      %swap3A_399 = arith.constant 21 : i32
      %swap3A_400 = arith.index_cast %swap3A_399 : i32 to index
      %swap3A_401 = arith.constant 0 : index
      %swap3A_402 = tpu.vector_load %arg7[%swap3A_400, %swap3A_401] {strides = array<i32>} : memref<128x16xf32, #tpu.memory_space<vmem>>, vector<16xf32>,
      tpu.vector_store %arg7[%swap3A_400, %swap3A_401], %broadcast_in_dim3A_398 {strides = array<i32>} : memref<128x16xf32, #tpu.memory_space<vmem>>, vector<16xf32>,
      %slice3A_403 = vector.extract_strided_slice %add3A_360 {offsets = [6], sizes = [1], strides = [1]} : vector<16xf32> to vector<1xf32>
      %squeeze3A_404 = vector.extract %slice3A_403[0] : f32 from vector<1xf32>
      %broadcast_in_dim3A_405 = vector.broadcast %squeeze3A_404 : f32 to vector<16xf32>
      %swap3A_406 = arith.constant 22 : i32
      %swap3A_407 = arith.index_cast %swap3A_406 : i32 to index
      %swap3A_408 = arith.constant 0 : index
      %swap3A_409 = tpu.vector_load %arg7[%swap3A_407, %swap3A_408] {strides = array<i32>} : memref<128x16xf32, #tpu.memory_space<vmem>>, vector<16xf32>,
      tpu.vector_store %arg7[%swap3A_407, %swap3A_408], %broadcast_in_dim3A_405 {strides = array<i32>} : memref<128x16xf32, #tpu.memory_space<vmem>>, vector<16xf32>,
      %slice3A_410 = vector.extract_strided_slice %add3A_360 {offsets = [7], sizes = [1], strides = [1]} : vector<16xf32> to vector<1xf32>
      %squeeze3A_411 = vector.extract %slice3A_410[0] : f32 from vector<1xf32>
      %broadcast_in_dim3A_412 = vector.broadcast %squeeze3A_411 : f32 to vector<16xf32>
      %swap3A_413 = arith.constant 23 : i32
      %swap3A_414 = arith.index_cast %swap3A_413 : i32 to index
      %swap3A_415 = arith.constant 0 : index
      %swap3A_416 = tpu.vector_load %arg7[%swap3A_414, %swap3A_415] {strides = array<i32>} : memref<128x16xf32, #tpu.memory_space<vmem>>, vector<16xf32>,
      tpu.vector_store %arg7[%swap3A_414, %swap3A_415], %broadcast_in_dim3A_412 {strides = array<i32>} : memref<128x16xf32, #tpu.memory_space<vmem>>, vector<16xf32>,
      %slice3A_417 = vector.extract_strided_slice %add3A_360 {offsets = [8], sizes = [1], strides = [1]} : vector<16xf32> to vector<1xf32>
      %squeeze3A_418 = vector.extract %slice3A_417[0] : f32 from vector<1xf32>
      %broadcast_in_dim3A_419 = vector.broadcast %squeeze3A_418 : f32 to vector<16xf32>
      %swap3A_420 = arith.constant 24 : i32
      %swap3A_421 = arith.index_cast %swap3A_420 : i32 to index
      %swap3A_422 = arith.constant 0 : index
      %swap3A_423 = tpu.vector_load %arg7[%swap3A_421, %swap3A_422] {strides = array<i32>} : memref<128x16xf32, #tpu.memory_space<vmem>>, vector<16xf32>,
      tpu.vector_store %arg7[%swap3A_421, %swap3A_422], %broadcast_in_dim3A_419 {strides = array<i32>} : memref<128x16xf32, #tpu.memory_space<vmem>>, vector<16xf32>,
      %slice3A_424 = vector.extract_strided_slice %add3A_360 {offsets = [9], sizes = [1], strides = [1]} : vector<16xf32> to vector<1xf32>
      %squeeze3A_425 = vector.extract %slice3A_424[0] : f32 from vector<1xf32>
      %broadcast_in_dim3A_426 = vector.broadcast %squeeze3A_425 : f32 to vector<16xf32>
      %swap3A_427 = arith.constant 25 : i32
      %swap3A_428 = arith.index_cast %swap3A_427 : i32 to index
      %swap3A_429 = arith.constant 0 : index
      %swap3A_430 = tpu.vector_load %arg7[%swap3A_428, %swap3A_429] {strides = array<i32>} : memref<128x16xf32, #tpu.memory_space<vmem>>, vector<16xf32>,
      tpu.vector_store %arg7[%swap3A_428, %swap3A_429], %broadcast_in_dim3A_426 {strides = array<i32>} : memref<128x16xf32, #tpu.memory_space<vmem>>, vector<16xf32>,
      %slice3A_431 = vector.extract_strided_slice %add3A_360 {offsets = [10], sizes = [1], strides = [1]} : vector<16xf32> to vector<1xf32>
      %squeeze3A_432 = vector.extract %slice3A_431[0] : f32 from vector<1xf32>
      %broadcast_in_dim3A_433 = vector.broadcast %squeeze3A_432 : f32 to vector<16xf32>
      %swap3A_434 = arith.constant 26 : i32
      %swap3A_435 = arith.index_cast %swap3A_434 : i32 to index
      %swap3A_436 = arith.constant 0 : index
      %swap3A_437 = tpu.vector_load %arg7[%swap3A_435, %swap3A_436] {strides = array<i32>} : memref<128x16xf32, #tpu.memory_space<vmem>>, vector<16xf32>,
      tpu.vector_store %arg7[%swap3A_435, %swap3A_436], %broadcast_in_dim3A_433 {strides = array<i32>} : memref<128x16xf32, #tpu.memory_space<vmem>>, vector<16xf32>,
      %slice3A_438 = vector.extract_strided_slice %add3A_360 {offsets = [11], sizes = [1], strides = [1]} : vector<16xf32> to vector<1xf32>
      %squeeze3A_439 = vector.extract %slice3A_438[0] : f32 from vector<1xf32>
      %broadcast_in_dim3A_440 = vector.broadcast %squeeze3A_439 : f32 to vector<16xf32>
      %swap3A_441 = arith.constant 27 : i32
      %swap3A_442 = arith.index_cast %swap3A_441 : i32 to index
      %swap3A_443 = arith.constant 0 : index
      %swap3A_444 = tpu.vector_load %arg7[%swap3A_442, %swap3A_443] {strides = array<i32>} : memref<128x16xf32, #tpu.memory_space<vmem>>, vector<16xf32>,
      tpu.vector_store %arg7[%swap3A_442, %swap3A_443], %broadcast_in_dim3A_440 {strides = array<i32>} : memref<128x16xf32, #tpu.memory_space<vmem>>, vector<16xf32>,
      %slice3A_445 = vector.extract_strided_slice %add3A_360 {offsets = [12], sizes = [1], strides = [1]} : vector<16xf32> to vector<1xf32>
      %squeeze3A_446 = vector.extract %slice3A_445[0] : f32 from vector<1xf32>
      %broadcast_in_dim3A_447 = vector.broadcast %squeeze3A_446 : f32 to vector<16xf32>
      %swap3A_448 = arith.constant 28 : i32
      %swap3A_449 = arith.index_cast %swap3A_448 : i32 to index
      %swap3A_450 = arith.constant 0 : index
      %swap3A_451 = tpu.vector_load %arg7[%swap3A_449, %swap3A_450] {strides = array<i32>} : memref<128x16xf32, #tpu.memory_space<vmem>>, vector<16xf32>,
      tpu.vector_store %arg7[%swap3A_449, %swap3A_450], %broadcast_in_dim3A_447 {strides = array<i32>} : memref<128x16xf32, #tpu.memory_space<vmem>>, vector<16xf32>,
      %slice3A_452 = vector.extract_strided_slice %add3A_360 {offsets = [13], sizes = [1], strides = [1]} : vector<16xf32> to vector<1xf32>
      %squeeze3A_453 = vector.extract %slice3A_452[0] : f32 from vector<1xf32>
      %broadcast_in_dim3A_454 = vector.broadcast %squeeze3A_453 : f32 to vector<16xf32>
      %swap3A_455 = arith.constant 29 : i32
      %swap3A_456 = arith.index_cast %swap3A_455 : i32 to index
      %swap3A_457 = arith.constant 0 : index
      %swap3A_458 = tpu.vector_load %arg7[%swap3A_456, %swap3A_457] {strides = array<i32>} : memref<128x16xf32, #tpu.memory_space<vmem>>, vector<16xf32>,
      tpu.vector_store %arg7[%swap3A_456, %swap3A_457], %broadcast_in_dim3A_454 {strides = array<i32>} : memref<128x16xf32, #tpu.memory_space<vmem>>, vector<16xf32>,
      %slice3A_459 = vector.extract_strided_slice %add3A_360 {offsets = [14], sizes = [1], strides = [1]} : vector<16xf32> to vector<1xf32>
      %squeeze3A_460 = vector.extract %slice3A_459[0] : f32 from vector<1xf32>
      %broadcast_in_dim3A_461 = vector.broadcast %squeeze3A_460 : f32 to vector<16xf32>
      %swap3A_462 = arith.constant 30 : i32
      %swap3A_463 = arith.index_cast %swap3A_462 : i32 to index
      %swap3A_464 = arith.constant 0 : index
      %swap3A_465 = tpu.vector_load %arg7[%swap3A_463, %swap3A_464] {strides = array<i32>} : memref<128x16xf32, #tpu.memory_space<vmem>>, vector<16xf32>,
      tpu.vector_store %arg7[%swap3A_463, %swap3A_464], %broadcast_in_dim3A_461 {strides = array<i32>} : memref<128x16xf32, #tpu.memory_space<vmem>>, vector<16xf32>,
      %slice3A_466 = vector.extract_strided_slice %add3A_360 {offsets = [15], sizes = [1], strides = [1]} : vector<16xf32> to vector<1xf32>
      %squeeze3A_467 = vector.extract %slice3A_466[0] : f32 from vector<1xf32>
      %broadcast_in_dim3A_468 = vector.broadcast %squeeze3A_467 : f32 to vector<16xf32>
      %swap3A_469 = arith.constant 31 : i32
      %swap3A_470 = arith.index_cast %swap3A_469 : i32 to index
      %swap3A_471 = arith.constant 0 : index
      %swap3A_472 = tpu.vector_load %arg7[%swap3A_470, %swap3A_471] {strides = array<i32>} : memref<128x16xf32, #tpu.memory_space<vmem>>, vector<16xf32>,
      tpu.vector_store %arg7[%swap3A_470, %swap3A_471], %broadcast_in_dim3A_468 {strides = array<i32>} : memref<128x16xf32, #tpu.memory_space<vmem>>, vector<16xf32>,
      %get3A_473 = arith.constant 0 : i32
      %get3A_474 = arith.constant 0 : i32
      %get3A_475 = arith.index_cast %get3A_473 : i32 to index
      %get3A_476 = arith.index_cast %get3A_474 : i32 to index
      %get3A_477 = arith.constant 32 : index
      %get3A_478 = tpu.vector_load %arg6[%get3A_475, %get3A_476, %get3A_477] {strides = array<i32>} : memref<16x1x128xf32, #tpu.memory_space<vmem>>, vector<16xf32>,
      %get3A_479 = arith.constant 1 : i32
      %get3A_480 = arith.constant 0 : i32
      %get3A_481 = arith.index_cast %get3A_479 : i32 to index
      %get3A_482 = arith.index_cast %get3A_480 : i32 to index
      %get3A_483 = arith.constant 32 : index
      %get3A_484 = tpu.vector_load %arg6[%get3A_481, %get3A_482, %get3A_483] {strides = array<i32>} : memref<16x1x128xf32, #tpu.memory_space<vmem>>, vector<16xf32>,
      %add3A_485 = arith.addf %get3A_478, %get3A_484 : vector<16xf32>
      %get3A_486 = arith.constant 2 : i32
      %get3A_487 = arith.constant 0 : i32
      %get3A_488 = arith.index_cast %get3A_486 : i32 to index
      %get3A_489 = arith.index_cast %get3A_487 : i32 to index
      %get3A_490 = arith.constant 32 : index
      %get3A_491 = tpu.vector_load %arg6[%get3A_488, %get3A_489, %get3A_490] {strides = array<i32>} : memref<16x1x128xf32, #tpu.memory_space<vmem>>, vector<16xf32>,
      %add3A_492 = arith.addf %add3A_485, %get3A_491 : vector<16xf32>
      %get3A_493 = arith.constant 3 : i32
      %get3A_494 = arith.constant 0 : i32
      %get3A_495 = arith.index_cast %get3A_493 : i32 to index
      %get3A_496 = arith.index_cast %get3A_494 : i32 to index
      %get3A_497 = arith.constant 32 : index
      %get3A_498 = tpu.vector_load %arg6[%get3A_495, %get3A_496, %get3A_497] {strides = array<i32>} : memref<16x1x128xf32, #tpu.memory_space<vmem>>, vector<16xf32>,
      %add3A_499 = arith.addf %add3A_492, %get3A_498 : vector<16xf32>
      %get3A_500 = arith.constant 4 : i32
      %get3A_501 = arith.constant 0 : i32
      %get3A_502 = arith.index_cast %get3A_500 : i32 to index
      %get3A_503 = arith.index_cast %get3A_501 : i32 to index
      %get3A_504 = arith.constant 32 : index
      %get3A_505 = tpu.vector_load %arg6[%get3A_502, %get3A_503, %get3A_504] {strides = array<i32>} : memref<16x1x128xf32, #tpu.memory_space<vmem>>, vector<16xf32>,
      %add3A_506 = arith.addf %add3A_499, %get3A_505 : vector<16xf32>
      %get3A_507 = arith.constant 5 : i32
      %get3A_508 = arith.constant 0 : i32
      %get3A_509 = arith.index_cast %get3A_507 : i32 to index
      %get3A_510 = arith.index_cast %get3A_508 : i32 to index
      %get3A_511 = arith.constant 32 : index
      %get3A_512 = tpu.vector_load %arg6[%get3A_509, %get3A_510, %get3A_511] {strides = array<i32>} : memref<16x1x128xf32, #tpu.memory_space<vmem>>, vector<16xf32>,
      %add3A_513 = arith.addf %add3A_506, %get3A_512 : vector<16xf32>
      %get3A_514 = arith.constant 6 : i32
      %get3A_515 = arith.constant 0 : i32
      %get3A_516 = arith.index_cast %get3A_514 : i32 to index
      %get3A_517 = arith.index_cast %get3A_515 : i32 to index
      %get3A_518 = arith.constant 32 : index
      %get3A_519 = tpu.vector_load %arg6[%get3A_516, %get3A_517, %get3A_518] {strides = array<i32>} : memref<16x1x128xf32, #tpu.memory_space<vmem>>, vector<16xf32>,
      %add3A_520 = arith.addf %add3A_513, %get3A_519 : vector<16xf32>
      %get3A_521 = arith.constant 7 : i32
      %get3A_522 = arith.constant 0 : i32
      %get3A_523 = arith.index_cast %get3A_521 : i32 to index
      %get3A_524 = arith.index_cast %get3A_522 : i32 to index
      %get3A_525 = arith.constant 32 : index
      %get3A_526 = tpu.vector_load %arg6[%get3A_523, %get3A_524, %get3A_525] {strides = array<i32>} : memref<16x1x128xf32, #tpu.memory_space<vmem>>, vector<16xf32>,
      %add3A_527 = arith.addf %add3A_520, %get3A_526 : vector<16xf32>
      %get3A_528 = arith.constant 8 : i32
      %get3A_529 = arith.constant 0 : i32
      %get3A_530 = arith.index_cast %get3A_528 : i32 to index
      %get3A_531 = arith.index_cast %get3A_529 : i32 to index
      %get3A_532 = arith.constant 32 : index
      %get3A_533 = tpu.vector_load %arg6[%get3A_530, %get3A_531, %get3A_532] {strides = array<i32>} : memref<16x1x128xf32, #tpu.memory_space<vmem>>, vector<16xf32>,
      %add3A_534 = arith.addf %add3A_527, %get3A_533 : vector<16xf32>
      %get3A_535 = arith.constant 9 : i32
      %get3A_536 = arith.constant 0 : i32
      %get3A_537 = arith.index_cast %get3A_535 : i32 to index
      %get3A_538 = arith.index_cast %get3A_536 : i32 to index
      %get3A_539 = arith.constant 32 : index
      %get3A_540 = tpu.vector_load %arg6[%get3A_537, %get3A_538, %get3A_539] {strides = array<i32>} : memref<16x1x128xf32, #tpu.memory_space<vmem>>, vector<16xf32>,
      %add3A_541 = arith.addf %add3A_534, %get3A_540 : vector<16xf32>
      %get3A_542 = arith.constant 10 : i32
      %get3A_543 = arith.constant 0 : i32
      %get3A_544 = arith.index_cast %get3A_542 : i32 to index
      %get3A_545 = arith.index_cast %get3A_543 : i32 to index
      %get3A_546 = arith.constant 32 : index
      %get3A_547 = tpu.vector_load %arg6[%get3A_544, %get3A_545, %get3A_546] {strides = array<i32>} : memref<16x1x128xf32, #tpu.memory_space<vmem>>, vector<16xf32>,
      %add3A_548 = arith.addf %add3A_541, %get3A_547 : vector<16xf32>
      %get3A_549 = arith.constant 11 : i32
      %get3A_550 = arith.constant 0 : i32
      %get3A_551 = arith.index_cast %get3A_549 : i32 to index
      %get3A_552 = arith.index_cast %get3A_550 : i32 to index
      %get3A_553 = arith.constant 32 : index
      %get3A_554 = tpu.vector_load %arg6[%get3A_551, %get3A_552, %get3A_553] {strides = array<i32>} : memref<16x1x128xf32, #tpu.memory_space<vmem>>, vector<16xf32>,
      %add3A_555 = arith.addf %add3A_548, %get3A_554 : vector<16xf32>
      %get3A_556 = arith.constant 12 : i32
      %get3A_557 = arith.constant 0 : i32
      %get3A_558 = arith.index_cast %get3A_556 : i32 to index
      %get3A_559 = arith.index_cast %get3A_557 : i32 to index
      %get3A_560 = arith.constant 32 : index
      %get3A_561 = tpu.vector_load %arg6[%get3A_558, %get3A_559, %get3A_560] {strides = array<i32>} : memref<16x1x128xf32, #tpu.memory_space<vmem>>, vector<16xf32>,
      %add3A_562 = arith.addf %add3A_555, %get3A_561 : vector<16xf32>
      %get3A_563 = arith.constant 13 : i32
      %get3A_564 = arith.constant 0 : i32
      %get3A_565 = arith.index_cast %get3A_563 : i32 to index
      %get3A_566 = arith.index_cast %get3A_564 : i32 to index
      %get3A_567 = arith.constant 32 : index
      %get3A_568 = tpu.vector_load %arg6[%get3A_565, %get3A_566, %get3A_567] {strides = array<i32>} : memref<16x1x128xf32, #tpu.memory_space<vmem>>, vector<16xf32>,
      %add3A_569 = arith.addf %add3A_562, %get3A_568 : vector<16xf32>
      %get3A_570 = arith.constant 14 : i32
      %get3A_571 = arith.constant 0 : i32
      %get3A_572 = arith.index_cast %get3A_570 : i32 to index
      %get3A_573 = arith.index_cast %get3A_571 : i32 to index
      %get3A_574 = arith.constant 32 : index
      %get3A_575 = tpu.vector_load %arg6[%get3A_572, %get3A_573, %get3A_574] {strides = array<i32>} : memref<16x1x128xf32, #tpu.memory_space<vmem>>, vector<16xf32>,
      %add3A_576 = arith.addf %add3A_569, %get3A_575 : vector<16xf32>
      %get3A_577 = arith.constant 15 : i32
      %get3A_578 = arith.constant 0 : i32
      %get3A_579 = arith.index_cast %get3A_577 : i32 to index
      %get3A_580 = arith.index_cast %get3A_578 : i32 to index
      %get3A_581 = arith.constant 32 : index
      %get3A_582 = tpu.vector_load %arg6[%get3A_579, %get3A_580, %get3A_581] {strides = array<i32>} : memref<16x1x128xf32, #tpu.memory_space<vmem>>, vector<16xf32>,
      %add3A_583 = arith.addf %add3A_576, %get3A_582 : vector<16xf32>
      %slice3A_584 = vector.extract_strided_slice %add3A_583 {offsets = [0], sizes = [1], strides = [1]} : vector<16xf32> to vector<1xf32>
      %squeeze3A_585 = vector.extract %slice3A_584[0] : f32 from vector<1xf32>
      %broadcast_in_dim3A_586 = vector.broadcast %squeeze3A_585 : f32 to vector<16xf32>
      %swap3A_587 = arith.constant 32 : i32
      %swap3A_588 = arith.index_cast %swap3A_587 : i32 to index
      %swap3A_589 = arith.constant 0 : index
      %swap3A_590 = tpu.vector_load %arg7[%swap3A_588, %swap3A_589] {strides = array<i32>} : memref<128x16xf32, #tpu.memory_space<vmem>>, vector<16xf32>,
      tpu.vector_store %arg7[%swap3A_588, %swap3A_589], %broadcast_in_dim3A_586 {strides = array<i32>} : memref<128x16xf32, #tpu.memory_space<vmem>>, vector<16xf32>,
      %slice3A_591 = vector.extract_strided_slice %add3A_583 {offsets = [1], sizes = [1], strides = [1]} : vector<16xf32> to vector<1xf32>
      %squeeze3A_592 = vector.extract %slice3A_591[0] : f32 from vector<1xf32>
      %broadcast_in_dim3A_593 = vector.broadcast %squeeze3A_592 : f32 to vector<16xf32>
      %swap3A_594 = arith.constant 33 : i32
      %swap3A_595 = arith.index_cast %swap3A_594 : i32 to index
      %swap3A_596 = arith.constant 0 : index
      %swap3A_597 = tpu.vector_load %arg7[%swap3A_595, %swap3A_596] {strides = array<i32>} : memref<128x16xf32, #tpu.memory_space<vmem>>, vector<16xf32>,
      tpu.vector_store %arg7[%swap3A_595, %swap3A_596], %broadcast_in_dim3A_593 {strides = array<i32>} : memref<128x16xf32, #tpu.memory_space<vmem>>, vector<16xf32>,
      %slice3A_598 = vector.extract_strided_slice %add3A_583 {offsets = [2], sizes = [1], strides = [1]} : vector<16xf32> to vector<1xf32>
      %squeeze3A_599 = vector.extract %slice3A_598[0] : f32 from vector<1xf32>
      %broadcast_in_dim3A_600 = vector.broadcast %squeeze3A_599 : f32 to vector<16xf32>
      %swap3A_601 = arith.constant 34 : i32
      %swap3A_602 = arith.index_cast %swap3A_601 : i32 to index
      %swap3A_603 = arith.constant 0 : index
      %swap3A_604 = tpu.vector_load %arg7[%swap3A_602, %swap3A_603] {strides = array<i32>} : memref<128x16xf32, #tpu.memory_space<vmem>>, vector<16xf32>,
      tpu.vector_store %arg7[%swap3A_602, %swap3A_603], %broadcast_in_dim3A_600 {strides = array<i32>} : memref<128x16xf32, #tpu.memory_space<vmem>>, vector<16xf32>,
      %slice3A_605 = vector.extract_strided_slice %add3A_583 {offsets = [3], sizes = [1], strides = [1]} : vector<16xf32> to vector<1xf32>
      %squeeze3A_606 = vector.extract %slice3A_605[0] : f32 from vector<1xf32>
      %broadcast_in_dim3A_607 = vector.broadcast %squeeze3A_606 : f32 to vector<16xf32>
      %swap3A_608 = arith.constant 35 : i32
      %swap3A_609 = arith.index_cast %swap3A_608 : i32 to index
      %swap3A_610 = arith.constant 0 : index
      %swap3A_611 = tpu.vector_load %arg7[%swap3A_609, %swap3A_610] {strides = array<i32>} : memref<128x16xf32, #tpu.memory_space<vmem>>, vector<16xf32>,
      tpu.vector_store %arg7[%swap3A_609, %swap3A_610], %broadcast_in_dim3A_607 {strides = array<i32>} : memref<128x16xf32, #tpu.memory_space<vmem>>, vector<16xf32>,
      %slice3A_612 = vector.extract_strided_slice %add3A_583 {offsets = [4], sizes = [1], strides = [1]} : vector<16xf32> to vector<1xf32>
      %squeeze3A_613 = vector.extract %slice3A_612[0] : f32 from vector<1xf32>
      %broadcast_in_dim3A_614 = vector.broadcast %squeeze3A_613 : f32 to vector<16xf32>
      %swap3A_615 = arith.constant 36 : i32
      %swap3A_616 = arith.index_cast %swap3A_615 : i32 to index
      %swap3A_617 = arith.constant 0 : index
      %swap3A_618 = tpu.vector_load %arg7[%swap3A_616, %swap3A_617] {strides = array<i32>} : memref<128x16xf32, #tpu.memory_space<vmem>>, vector<16xf32>,
      tpu.vector_store %arg7[%swap3A_616, %swap3A_617], %broadcast_in_dim3A_614 {strides = array<i32>} : memref<128x16xf32, #tpu.memory_space<vmem>>, vector<16xf32>,
      %slice3A_619 = vector.extract_strided_slice %add3A_583 {offsets = [5], sizes = [1], strides = [1]} : vector<16xf32> to vector<1xf32>
      %squeeze3A_620 = vector.extract %slice3A_619[0] : f32 from vector<1xf32>
      %broadcast_in_dim3A_621 = vector.broadcast %squeeze3A_620 : f32 to vector<16xf32>
      %swap3A_622 = arith.constant 37 : i32
      %swap3A_623 = arith.index_cast %swap3A_622 : i32 to index
      %swap3A_624 = arith.constant 0 : index
      %swap3A_625 = tpu.vector_load %arg7[%swap3A_623, %swap3A_624] {strides = array<i32>} : memref<128x16xf32, #tpu.memory_space<vmem>>, vector<16xf32>,
      tpu.vector_store %arg7[%swap3A_623, %swap3A_624], %broadcast_in_dim3A_621 {strides = array<i32>} : memref<128x16xf32, #tpu.memory_space<vmem>>, vector<16xf32>,
      %slice3A_626 = vector.extract_strided_slice %add3A_583 {offsets = [6], sizes = [1], strides = [1]} : vector<16xf32> to vector<1xf32>
      %squeeze3A_627 = vector.extract %slice3A_626[0] : f32 from vector<1xf32>
      %broadcast_in_dim3A_628 = vector.broadcast %squeeze3A_627 : f32 to vector<16xf32>
      %swap3A_629 = arith.constant 38 : i32
      %swap3A_630 = arith.index_cast %swap3A_629 : i32 to index
      %swap3A_631 = arith.constant 0 : index
      %swap3A_632 = tpu.vector_load %arg7[%swap3A_630, %swap3A_631] {strides = array<i32>} : memref<128x16xf32, #tpu.memory_space<vmem>>, vector<16xf32>,
      tpu.vector_store %arg7[%swap3A_630, %swap3A_631], %broadcast_in_dim3A_628 {strides = array<i32>} : memref<128x16xf32, #tpu.memory_space<vmem>>, vector<16xf32>,
      %slice3A_633 = vector.extract_strided_slice %add3A_583 {offsets = [7], sizes = [1], strides = [1]} : vector<16xf32> to vector<1xf32>
      %squeeze3A_634 = vector.extract %slice3A_633[0] : f32 from vector<1xf32>
      %broadcast_in_dim3A_635 = vector.broadcast %squeeze3A_634 : f32 to vector<16xf32>
      %swap3A_636 = arith.constant 39 : i32
      %swap3A_637 = arith.index_cast %swap3A_636 : i32 to index
      %swap3A_638 = arith.constant 0 : index
      %swap3A_639 = tpu.vector_load %arg7[%swap3A_637, %swap3A_638] {strides = array<i32>} : memref<128x16xf32, #tpu.memory_space<vmem>>, vector<16xf32>,
      tpu.vector_store %arg7[%swap3A_637, %swap3A_638], %broadcast_in_dim3A_635 {strides = array<i32>} : memref<128x16xf32, #tpu.memory_space<vmem>>, vector<16xf32>,
      %slice3A_640 = vector.extract_strided_slice %add3A_583 {offsets = [8], sizes = [1], strides = [1]} : vector<16xf32> to vector<1xf32>
      %squeeze3A_641 = vector.extract %slice3A_640[0] : f32 from vector<1xf32>
      %broadcast_in_dim3A_642 = vector.broadcast %squeeze3A_641 : f32 to vector<16xf32>
      %swap3A_643 = arith.constant 40 : i32
      %swap3A_644 = arith.index_cast %swap3A_643 : i32 to index
      %swap3A_645 = arith.constant 0 : index
      %swap3A_646 = tpu.vector_load %arg7[%swap3A_644, %swap3A_645] {strides = array<i32>} : memref<128x16xf32, #tpu.memory_space<vmem>>, vector<16xf32>,
      tpu.vector_store %arg7[%swap3A_644, %swap3A_645], %broadcast_in_dim3A_642 {strides = array<i32>} : memref<128x16xf32, #tpu.memory_space<vmem>>, vector<16xf32>,
      %slice3A_647 = vector.extract_strided_slice %add3A_583 {offsets = [9], sizes = [1], strides = [1]} : vector<16xf32> to vector<1xf32>
      %squeeze3A_648 = vector.extract %slice3A_647[0] : f32 from vector<1xf32>
      %broadcast_in_dim3A_649 = vector.broadcast %squeeze3A_648 : f32 to vector<16xf32>
      %swap3A_650 = arith.constant 41 : i32
      %swap3A_651 = arith.index_cast %swap3A_650 : i32 to index
      %swap3A_652 = arith.constant 0 : index
      %swap3A_653 = tpu.vector_load %arg7[%swap3A_651, %swap3A_652] {strides = array<i32>} : memref<128x16xf32, #tpu.memory_space<vmem>>, vector<16xf32>,
      tpu.vector_store %arg7[%swap3A_651, %swap3A_652], %broadcast_in_dim3A_649 {strides = array<i32>} : memref<128x16xf32, #tpu.memory_space<vmem>>, vector<16xf32>,
      %slice3A_654 = vector.extract_strided_slice %add3A_583 {offsets = [10], sizes = [1], strides = [1]} : vector<16xf32> to vector<1xf32>
      %squeeze3A_655 = vector.extract %slice3A_654[0] : f32 from vector<1xf32>
      %broadcast_in_dim3A_656 = vector.broadcast %squeeze3A_655 : f32 to vector<16xf32>
      %swap3A_657 = arith.constant 42 : i32
      %swap3A_658 = arith.index_cast %swap3A_657 : i32 to index
      %swap3A_659 = arith.constant 0 : index
      %swap3A_660 = tpu.vector_load %arg7[%swap3A_658, %swap3A_659] {strides = array<i32>} : memref<128x16xf32, #tpu.memory_space<vmem>>, vector<16xf32>,
      tpu.vector_store %arg7[%swap3A_658, %swap3A_659], %broadcast_in_dim3A_656 {strides = array<i32>} : memref<128x16xf32, #tpu.memory_space<vmem>>, vector<16xf32>,
      %slice3A_661 = vector.extract_strided_slice %add3A_583 {offsets = [11], sizes = [1], strides = [1]} : vector<16xf32> to vector<1xf32>
      %squeeze3A_662 = vector.extract %slice3A_661[0] : f32 from vector<1xf32>
      %broadcast_in_dim3A_663 = vector.broadcast %squeeze3A_662 : f32 to vector<16xf32>
      %swap3A_664 = arith.constant 43 : i32
      %swap3A_665 = arith.index_cast %swap3A_664 : i32 to index
      %swap3A_666 = arith.constant 0 : index
      %swap3A_667 = tpu.vector_load %arg7[%swap3A_665, %swap3A_666] {strides = array<i32>} : memref<128x16xf32, #tpu.memory_space<vmem>>, vector<16xf32>,
      tpu.vector_store %arg7[%swap3A_665, %swap3A_666], %broadcast_in_dim3A_663 {strides = array<i32>} : memref<128x16xf32, #tpu.memory_space<vmem>>, vector<16xf32>,
      %slice3A_668 = vector.extract_strided_slice %add3A_583 {offsets = [12], sizes = [1], strides = [1]} : vector<16xf32> to vector<1xf32>
      %squeeze3A_669 = vector.extract %slice3A_668[0] : f32 from vector<1xf32>
      %broadcast_in_dim3A_670 = vector.broadcast %squeeze3A_669 : f32 to vector<16xf32>
      %swap3A_671 = arith.constant 44 : i32
      %swap3A_672 = arith.index_cast %swap3A_671 : i32 to index
      %swap3A_673 = arith.constant 0 : index
      %swap3A_674 = tpu.vector_load %arg7[%swap3A_672, %swap3A_673] {strides = array<i32>} : memref<128x16xf32, #tpu.memory_space<vmem>>, vector<16xf32>,
      tpu.vector_store %arg7[%swap3A_672, %swap3A_673], %broadcast_in_dim3A_670 {strides = array<i32>} : memref<128x16xf32, #tpu.memory_space<vmem>>, vector<16xf32>,
      %slice3A_675 = vector.extract_strided_slice %add3A_583 {offsets = [13], sizes = [1], strides = [1]} : vector<16xf32> to vector<1xf32>
      %squeeze3A_676 = vector.extract %slice3A_675[0] : f32 from vector<1xf32>
      %broadcast_in_dim3A_677 = vector.broadcast %squeeze3A_676 : f32 to vector<16xf32>
      %swap3A_678 = arith.constant 45 : i32
      %swap3A_679 = arith.index_cast %swap3A_678 : i32 to index
      %swap3A_680 = arith.constant 0 : index
      %swap3A_681 = tpu.vector_load %arg7[%swap3A_679, %swap3A_680] {strides = array<i32>} : memref<128x16xf32, #tpu.memory_space<vmem>>, vector<16xf32>,
      tpu.vector_store %arg7[%swap3A_679, %swap3A_680], %broadcast_in_dim3A_677 {strides = array<i32>} : memref<128x16xf32, #tpu.memory_space<vmem>>, vector<16xf32>,
      %slice3A_682 = vector.extract_strided_slice %add3A_583 {offsets = [14], sizes = [1], strides = [1]} : vector<16xf32> to vector<1xf32>
      %squeeze3A_683 = vector.extract %slice3A_682[0] : f32 from vector<1xf32>
      %broadcast_in_dim3A_684 = vector.broadcast %squeeze3A_683 : f32 to vector<16xf32>
      %swap3A_685 = arith.constant 46 : i32
      %swap3A_686 = arith.index_cast %swap3A_685 : i32 to index
      %swap3A_687 = arith.constant 0 : index
      %swap3A_688 = tpu.vector_load %arg7[%swap3A_686, %swap3A_687] {strides = array<i32>} : memref<128x16xf32, #tpu.memory_space<vmem>>, vector<16xf32>,
      tpu.vector_store %arg7[%swap3A_686, %swap3A_687], %broadcast_in_dim3A_684 {strides = array<i32>} : memref<128x16xf32, #tpu.memory_space<vmem>>, vector<16xf32>,
      %slice3A_689 = vector.extract_strided_slice %add3A_583 {offsets = [15], sizes = [1], strides = [1]} : vector<16xf32> to vector<1xf32>
      %squeeze3A_690 = vector.extract %slice3A_689[0] : f32 from vector<1xf32>
      %broadcast_in_dim3A_691 = vector.broadcast %squeeze3A_690 : f32 to vector<16xf32>
      %swap3A_692 = arith.constant 47 : i32
      %swap3A_693 = arith.index_cast %swap3A_692 : i32 to index
      %swap3A_694 = arith.constant 0 : index
      %swap3A_695 = tpu.vector_load %arg7[%swap3A_693, %swap3A_694] {strides = array<i32>} : memref<128x16xf32, #tpu.memory_space<vmem>>, vector<16xf32>,
      tpu.vector_store %arg7[%swap3A_693, %swap3A_694], %broadcast_in_dim3A_691 {strides = array<i32>} : memref<128x16xf32, #tpu.memory_space<vmem>>, vector<16xf32>,
      %get3A_696 = arith.constant 0 : i32
      %get3A_697 = arith.constant 0 : i32
      %get3A_698 = arith.index_cast %get3A_696 : i32 to index
      %get3A_699 = arith.index_cast %get3A_697 : i32 to index
      %get3A_700 = arith.constant 48 : index
      %get3A_701 = tpu.vector_load %arg6[%get3A_698, %get3A_699, %get3A_700] {strides = array<i32>} : memref<16x1x128xf32, #tpu.memory_space<vmem>>, vector<16xf32>,
      %get3A_702 = arith.constant 1 : i32
      %get3A_703 = arith.constant 0 : i32
      %get3A_704 = arith.index_cast %get3A_702 : i32 to index
      %get3A_705 = arith.index_cast %get3A_703 : i32 to index
      %get3A_706 = arith.constant 48 : index
      %get3A_707 = tpu.vector_load %arg6[%get3A_704, %get3A_705, %get3A_706] {strides = array<i32>} : memref<16x1x128xf32, #tpu.memory_space<vmem>>, vector<16xf32>,
      %add3A_708 = arith.addf %get3A_701, %get3A_707 : vector<16xf32>
      %get3A_709 = arith.constant 2 : i32
      %get3A_710 = arith.constant 0 : i32
      %get3A_711 = arith.index_cast %get3A_709 : i32 to index
      %get3A_712 = arith.index_cast %get3A_710 : i32 to index
      %get3A_713 = arith.constant 48 : index
      %get3A_714 = tpu.vector_load %arg6[%get3A_711, %get3A_712, %get3A_713] {strides = array<i32>} : memref<16x1x128xf32, #tpu.memory_space<vmem>>, vector<16xf32>,
      %add3A_715 = arith.addf %add3A_708, %get3A_714 : vector<16xf32>
      %get3A_716 = arith.constant 3 : i32
      %get3A_717 = arith.constant 0 : i32
      %get3A_718 = arith.index_cast %get3A_716 : i32 to index
      %get3A_719 = arith.index_cast %get3A_717 : i32 to index
      %get3A_720 = arith.constant 48 : index
      %get3A_721 = tpu.vector_load %arg6[%get3A_718, %get3A_719, %get3A_720] {strides = array<i32>} : memref<16x1x128xf32, #tpu.memory_space<vmem>>, vector<16xf32>,
      %add3A_722 = arith.addf %add3A_715, %get3A_721 : vector<16xf32>
      %get3A_723 = arith.constant 4 : i32
      %get3A_724 = arith.constant 0 : i32
      %get3A_725 = arith.index_cast %get3A_723 : i32 to index
      %get3A_726 = arith.index_cast %get3A_724 : i32 to index
      %get3A_727 = arith.constant 48 : index
      %get3A_728 = tpu.vector_load %arg6[%get3A_725, %get3A_726, %get3A_727] {strides = array<i32>} : memref<16x1x128xf32, #tpu.memory_space<vmem>>, vector<16xf32>,
      %add3A_729 = arith.addf %add3A_722, %get3A_728 : vector<16xf32>
      %get3A_730 = arith.constant 5 : i32
      %get3A_731 = arith.constant 0 : i32
      %get3A_732 = arith.index_cast %get3A_730 : i32 to index
      %get3A_733 = arith.index_cast %get3A_731 : i32 to index
      %get3A_734 = arith.constant 48 : index
      %get3A_735 = tpu.vector_load %arg6[%get3A_732, %get3A_733, %get3A_734] {strides = array<i32>} : memref<16x1x128xf32, #tpu.memory_space<vmem>>, vector<16xf32>,
      %add3A_736 = arith.addf %add3A_729, %get3A_735 : vector<16xf32>
      %get3A_737 = arith.constant 6 : i32
      %get3A_738 = arith.constant 0 : i32
      %get3A_739 = arith.index_cast %get3A_737 : i32 to index
      %get3A_740 = arith.index_cast %get3A_738 : i32 to index
      %get3A_741 = arith.constant 48 : index
      %get3A_742 = tpu.vector_load %arg6[%get3A_739, %get3A_740, %get3A_741] {strides = array<i32>} : memref<16x1x128xf32, #tpu.memory_space<vmem>>, vector<16xf32>,
      %add3A_743 = arith.addf %add3A_736, %get3A_742 : vector<16xf32>
      %get3A_744 = arith.constant 7 : i32
      %get3A_745 = arith.constant 0 : i32
      %get3A_746 = arith.index_cast %get3A_744 : i32 to index
      %get3A_747 = arith.index_cast %get3A_745 : i32 to index
      %get3A_748 = arith.constant 48 : index
      %get3A_749 = tpu.vector_load %arg6[%get3A_746, %get3A_747, %get3A_748] {strides = array<i32>} : memref<16x1x128xf32, #tpu.memory_space<vmem>>, vector<16xf32>,
      %add3A_750 = arith.addf %add3A_743, %get3A_749 : vector<16xf32>
      %get3A_751 = arith.constant 8 : i32
      %get3A_752 = arith.constant 0 : i32
      %get3A_753 = arith.index_cast %get3A_751 : i32 to index
      %get3A_754 = arith.index_cast %get3A_752 : i32 to index
      %get3A_755 = arith.constant 48 : index
      %get3A_756 = tpu.vector_load %arg6[%get3A_753, %get3A_754, %get3A_755] {strides = array<i32>} : memref<16x1x128xf32, #tpu.memory_space<vmem>>, vector<16xf32>,
      %add3A_757 = arith.addf %add3A_750, %get3A_756 : vector<16xf32>
      %get3A_758 = arith.constant 9 : i32
      %get3A_759 = arith.constant 0 : i32
      %get3A_760 = arith.index_cast %get3A_758 : i32 to index
      %get3A_761 = arith.index_cast %get3A_759 : i32 to index
      %get3A_762 = arith.constant 48 : index
      %get3A_763 = tpu.vector_load %arg6[%get3A_760, %get3A_761, %get3A_762] {strides = array<i32>} : memref<16x1x128xf32, #tpu.memory_space<vmem>>, vector<16xf32>,
      %add3A_764 = arith.addf %add3A_757, %get3A_763 : vector<16xf32>
      %get3A_765 = arith.constant 10 : i32
      %get3A_766 = arith.constant 0 : i32
      %get3A_767 = arith.index_cast %get3A_765 : i32 to index
      %get3A_768 = arith.index_cast %get3A_766 : i32 to index
      %get3A_769 = arith.constant 48 : index
      %get3A_770 = tpu.vector_load %arg6[%get3A_767, %get3A_768, %get3A_769] {strides = array<i32>} : memref<16x1x128xf32, #tpu.memory_space<vmem>>, vector<16xf32>,
      %add3A_771 = arith.addf %add3A_764, %get3A_770 : vector<16xf32>
      %get3A_772 = arith.constant 11 : i32
      %get3A_773 = arith.constant 0 : i32
      %get3A_774 = arith.index_cast %get3A_772 : i32 to index
      %get3A_775 = arith.index_cast %get3A_773 : i32 to index
      %get3A_776 = arith.constant 48 : index
      %get3A_777 = tpu.vector_load %arg6[%get3A_774, %get3A_775, %get3A_776] {strides = array<i32>} : memref<16x1x128xf32, #tpu.memory_space<vmem>>, vector<16xf32>,
      %add3A_778 = arith.addf %add3A_771, %get3A_777 : vector<16xf32>
      %get3A_779 = arith.constant 12 : i32
      %get3A_780 = arith.constant 0 : i32
      %get3A_781 = arith.index_cast %get3A_779 : i32 to index
      %get3A_782 = arith.index_cast %get3A_780 : i32 to index
      %get3A_783 = arith.constant 48 : index
      %get3A_784 = tpu.vector_load %arg6[%get3A_781, %get3A_782, %get3A_783] {strides = array<i32>} : memref<16x1x128xf32, #tpu.memory_space<vmem>>, vector<16xf32>,
      %add3A_785 = arith.addf %add3A_778, %get3A_784 : vector<16xf32>
      %get3A_786 = arith.constant 13 : i32
      %get3A_787 = arith.constant 0 : i32
      %get3A_788 = arith.index_cast %get3A_786 : i32 to index
      %get3A_789 = arith.index_cast %get3A_787 : i32 to index
      %get3A_790 = arith.constant 48 : index
      %get3A_791 = tpu.vector_load %arg6[%get3A_788, %get3A_789, %get3A_790] {strides = array<i32>} : memref<16x1x128xf32, #tpu.memory_space<vmem>>, vector<16xf32>,
      %add3A_792 = arith.addf %add3A_785, %get3A_791 : vector<16xf32>
      %get3A_793 = arith.constant 14 : i32
      %get3A_794 = arith.constant 0 : i32
      %get3A_795 = arith.index_cast %get3A_793 : i32 to index
      %get3A_796 = arith.index_cast %get3A_794 : i32 to index
      %get3A_797 = arith.constant 48 : index
      %get3A_798 = tpu.vector_load %arg6[%get3A_795, %get3A_796, %get3A_797] {strides = array<i32>} : memref<16x1x128xf32, #tpu.memory_space<vmem>>, vector<16xf32>,
      %add3A_799 = arith.addf %add3A_792, %get3A_798 : vector<16xf32>
      %get3A_800 = arith.constant 15 : i32
      %get3A_801 = arith.constant 0 : i32
      %get3A_802 = arith.index_cast %get3A_800 : i32 to index
      %get3A_803 = arith.index_cast %get3A_801 : i32 to index
      %get3A_804 = arith.constant 48 : index
      %get3A_805 = tpu.vector_load %arg6[%get3A_802, %get3A_803, %get3A_804] {strides = array<i32>} : memref<16x1x128xf32, #tpu.memory_space<vmem>>, vector<16xf32>,
      %add3A_806 = arith.addf %add3A_799, %get3A_805 : vector<16xf32>
      %slice3A_807 = vector.extract_strided_slice %add3A_806 {offsets = [0], sizes = [1], strides = [1]} : vector<16xf32> to vector<1xf32>
      %squeeze3A_808 = vector.extract %slice3A_807[0] : f32 from vector<1xf32>
      %broadcast_in_dim3A_809 = vector.broadcast %squeeze3A_808 : f32 to vector<16xf32>
      %swap3A_810 = arith.constant 48 : i32
      %swap3A_811 = arith.index_cast %swap3A_810 : i32 to index
      %swap3A_812 = arith.constant 0 : index
      %swap3A_813 = tpu.vector_load %arg7[%swap3A_811, %swap3A_812] {strides = array<i32>} : memref<128x16xf32, #tpu.memory_space<vmem>>, vector<16xf32>,
      tpu.vector_store %arg7[%swap3A_811, %swap3A_812], %broadcast_in_dim3A_809 {strides = array<i32>} : memref<128x16xf32, #tpu.memory_space<vmem>>, vector<16xf32>,
      %slice3A_814 = vector.extract_strided_slice %add3A_806 {offsets = [1], sizes = [1], strides = [1]} : vector<16xf32> to vector<1xf32>
      %squeeze3A_815 = vector.extract %slice3A_814[0] : f32 from vector<1xf32>
      %broadcast_in_dim3A_816 = vector.broadcast %squeeze3A_815 : f32 to vector<16xf32>
      %swap3A_817 = arith.constant 49 : i32
      %swap3A_818 = arith.index_cast %swap3A_817 : i32 to index
      %swap3A_819 = arith.constant 0 : index
      %swap3A_820 = tpu.vector_load %arg7[%swap3A_818, %swap3A_819] {strides = array<i32>} : memref<128x16xf32, #tpu.memory_space<vmem>>, vector<16xf32>,
      tpu.vector_store %arg7[%swap3A_818, %swap3A_819], %broadcast_in_dim3A_816 {strides = array<i32>} : memref<128x16xf32, #tpu.memory_space<vmem>>, vector<16xf32>,
      %slice3A_821 = vector.extract_strided_slice %add3A_806 {offsets = [2], sizes = [1], strides = [1]} : vector<16xf32> to vector<1xf32>
      %squeeze3A_822 = vector.extract %slice3A_821[0] : f32 from vector<1xf32>
      %broadcast_in_dim3A_823 = vector.broadcast %squeeze3A_822 : f32 to vector<16xf32>
      %swap3A_824 = arith.constant 50 : i32
      %swap3A_825 = arith.index_cast %swap3A_824 : i32 to index
      %swap3A_826 = arith.constant 0 : index
      %swap3A_827 = tpu.vector_load %arg7[%swap3A_825, %swap3A_826] {strides = array<i32>} : memref<128x16xf32, #tpu.memory_space<vmem>>, vector<16xf32>,
      tpu.vector_store %arg7[%swap3A_825, %swap3A_826], %broadcast_in_dim3A_823 {strides = array<i32>} : memref<128x16xf32, #tpu.memory_space<vmem>>, vector<16xf32>,
      %slice3A_828 = vector.extract_strided_slice %add3A_806 {offsets = [3], sizes = [1], strides = [1]} : vector<16xf32> to vector<1xf32>
      %squeeze3A_829 = vector.extract %slice3A_828[0] : f32 from vector<1xf32>
      %broadcast_in_dim3A_830 = vector.broadcast %squeeze3A_829 : f32 to vector<16xf32>
      %swap3A_831 = arith.constant 51 : i32
      %swap3A_832 = arith.index_cast %swap3A_831 : i32 to index
      %swap3A_833 = arith.constant 0 : index
      %swap3A_834 = tpu.vector_load %arg7[%swap3A_832, %swap3A_833] {strides = array<i32>} : memref<128x16xf32, #tpu.memory_space<vmem>>, vector<16xf32>,
      tpu.vector_store %arg7[%swap3A_832, %swap3A_833], %broadcast_in_dim3A_830 {strides = array<i32>} : memref<128x16xf32, #tpu.memory_space<vmem>>, vector<16xf32>,
      %slice3A_835 = vector.extract_strided_slice %add3A_806 {offsets = [4], sizes = [1], strides = [1]} : vector<16xf32> to vector<1xf32>
      %squeeze3A_836 = vector.extract %slice3A_835[0] : f32 from vector<1xf32>
      %broadcast_in_dim3A_837 = vector.broadcast %squeeze3A_836 : f32 to vector<16xf32>
      %swap3A_838 = arith.constant 52 : i32
      %swap3A_839 = arith.index_cast %swap3A_838 : i32 to index
      %swap3A_840 = arith.constant 0 : index
      %swap3A_841 = tpu.vector_load %arg7[%swap3A_839, %swap3A_840] {strides = array<i32>} : memref<128x16xf32, #tpu.memory_space<vmem>>, vector<16xf32>,
      tpu.vector_store %arg7[%swap3A_839, %swap3A_840], %broadcast_in_dim3A_837 {strides = array<i32>} : memref<128x16xf32, #tpu.memory_space<vmem>>, vector<16xf32>,
      %slice3A_842 = vector.extract_strided_slice %add3A_806 {offsets = [5], sizes = [1], strides = [1]} : vector<16xf32> to vector<1xf32>
      %squeeze3A_843 = vector.extract %slice3A_842[0] : f32 from vector<1xf32>
      %broadcast_in_dim3A_844 = vector.broadcast %squeeze3A_843 : f32 to vector<16xf32>
      %swap3A_845 = arith.constant 53 : i32
      %swap3A_846 = arith.index_cast %swap3A_845 : i32 to index
      %swap3A_847 = arith.constant 0 : index
      %swap3A_848 = tpu.vector_load %arg7[%swap3A_846, %swap3A_847] {strides = array<i32>} : memref<128x16xf32, #tpu.memory_space<vmem>>, vector<16xf32>,
      tpu.vector_store %arg7[%swap3A_846, %swap3A_847], %broadcast_in_dim3A_844 {strides = array<i32>} : memref<128x16xf32, #tpu.memory_space<vmem>>, vector<16xf32>,
      %slice3A_849 = vector.extract_strided_slice %add3A_806 {offsets = [6], sizes = [1], strides = [1]} : vector<16xf32> to vector<1xf32>
      %squeeze3A_850 = vector.extract %slice3A_849[0] : f32 from vector<1xf32>
      %broadcast_in_dim3A_851 = vector.broadcast %squeeze3A_850 : f32 to vector<16xf32>
      %swap3A_852 = arith.constant 54 : i32
      %swap3A_853 = arith.index_cast %swap3A_852 : i32 to index
      %swap3A_854 = arith.constant 0 : index
      %swap3A_855 = tpu.vector_load %arg7[%swap3A_853, %swap3A_854] {strides = array<i32>} : memref<128x16xf32, #tpu.memory_space<vmem>>, vector<16xf32>,
      tpu.vector_store %arg7[%swap3A_853, %swap3A_854], %broadcast_in_dim3A_851 {strides = array<i32>} : memref<128x16xf32, #tpu.memory_space<vmem>>, vector<16xf32>,
      %slice3A_856 = vector.extract_strided_slice %add3A_806 {offsets = [7], sizes = [1], strides = [1]} : vector<16xf32> to vector<1xf32>
      %squeeze3A_857 = vector.extract %slice3A_856[0] : f32 from vector<1xf32>
      %broadcast_in_dim3A_858 = vector.broadcast %squeeze3A_857 : f32 to vector<16xf32>
      %swap3A_859 = arith.constant 55 : i32
      %swap3A_860 = arith.index_cast %swap3A_859 : i32 to index
      %swap3A_861 = arith.constant 0 : index
      %swap3A_862 = tpu.vector_load %arg7[%swap3A_860, %swap3A_861] {strides = array<i32>} : memref<128x16xf32, #tpu.memory_space<vmem>>, vector<16xf32>,
      tpu.vector_store %arg7[%swap3A_860, %swap3A_861], %broadcast_in_dim3A_858 {strides = array<i32>} : memref<128x16xf32, #tpu.memory_space<vmem>>, vector<16xf32>,
      %slice3A_863 = vector.extract_strided_slice %add3A_806 {offsets = [8], sizes = [1], strides = [1]} : vector<16xf32> to vector<1xf32>
      %squeeze3A_864 = vector.extract %slice3A_863[0] : f32 from vector<1xf32>
      %broadcast_in_dim3A_865 = vector.broadcast %squeeze3A_864 : f32 to vector<16xf32>
      %swap3A_866 = arith.constant 56 : i32
      %swap3A_867 = arith.index_cast %swap3A_866 : i32 to index
      %swap3A_868 = arith.constant 0 : index
      %swap3A_869 = tpu.vector_load %arg7[%swap3A_867, %swap3A_868] {strides = array<i32>} : memref<128x16xf32, #tpu.memory_space<vmem>>, vector<16xf32>,
      tpu.vector_store %arg7[%swap3A_867, %swap3A_868], %broadcast_in_dim3A_865 {strides = array<i32>} : memref<128x16xf32, #tpu.memory_space<vmem>>, vector<16xf32>,
      %slice3A_870 = vector.extract_strided_slice %add3A_806 {offsets = [9], sizes = [1], strides = [1]} : vector<16xf32> to vector<1xf32>
      %squeeze3A_871 = vector.extract %slice3A_870[0] : f32 from vector<1xf32>
      %broadcast_in_dim3A_872 = vector.broadcast %squeeze3A_871 : f32 to vector<16xf32>
      %swap3A_873 = arith.constant 57 : i32
      %swap3A_874 = arith.index_cast %swap3A_873 : i32 to index
      %swap3A_875 = arith.constant 0 : index
      %swap3A_876 = tpu.vector_load %arg7[%swap3A_874, %swap3A_875] {strides = array<i32>} : memref<128x16xf32, #tpu.memory_space<vmem>>, vector<16xf32>,
      tpu.vector_store %arg7[%swap3A_874, %swap3A_875], %broadcast_in_dim3A_872 {strides = array<i32>} : memref<128x16xf32, #tpu.memory_space<vmem>>, vector<16xf32>,
      %slice3A_877 = vector.extract_strided_slice %add3A_806 {offsets = [10], sizes = [1], strides = [1]} : vector<16xf32> to vector<1xf32>
      %squeeze3A_878 = vector.extract %slice3A_877[0] : f32 from vector<1xf32>
      %broadcast_in_dim3A_879 = vector.broadcast %squeeze3A_878 : f32 to vector<16xf32>
      %swap3A_880 = arith.constant 58 : i32
      %swap3A_881 = arith.index_cast %swap3A_880 : i32 to index
      %swap3A_882 = arith.constant 0 : index
      %swap3A_883 = tpu.vector_load %arg7[%swap3A_881, %swap3A_882] {strides = array<i32>} : memref<128x16xf32, #tpu.memory_space<vmem>>, vector<16xf32>,
      tpu.vector_store %arg7[%swap3A_881, %swap3A_882], %broadcast_in_dim3A_879 {strides = array<i32>} : memref<128x16xf32, #tpu.memory_space<vmem>>, vector<16xf32>,
      %slice3A_884 = vector.extract_strided_slice %add3A_806 {offsets = [11], sizes = [1], strides = [1]} : vector<16xf32> to vector<1xf32>
      %squeeze3A_885 = vector.extract %slice3A_884[0] : f32 from vector<1xf32>
      %broadcast_in_dim3A_886 = vector.broadcast %squeeze3A_885 : f32 to vector<16xf32>
      %swap3A_887 = arith.constant 59 : i32
      %swap3A_888 = arith.index_cast %swap3A_887 : i32 to index
      %swap3A_889 = arith.constant 0 : index
      %swap3A_890 = tpu.vector_load %arg7[%swap3A_888, %swap3A_889] {strides = array<i32>} : memref<128x16xf32, #tpu.memory_space<vmem>>, vector<16xf32>,
      tpu.vector_store %arg7[%swap3A_888, %swap3A_889], %broadcast_in_dim3A_886 {strides = array<i32>} : memref<128x16xf32, #tpu.memory_space<vmem>>, vector<16xf32>,
      %slice3A_891 = vector.extract_strided_slice %add3A_806 {offsets = [12], sizes = [1], strides = [1]} : vector<16xf32> to vector<1xf32>
      %squeeze3A_892 = vector.extract %slice3A_891[0] : f32 from vector<1xf32>
      %broadcast_in_dim3A_893 = vector.broadcast %squeeze3A_892 : f32 to vector<16xf32>
      %swap3A_894 = arith.constant 60 : i32
      %swap3A_895 = arith.index_cast %swap3A_894 : i32 to index
      %swap3A_896 = arith.constant 0 : index
      %swap3A_897 = tpu.vector_load %arg7[%swap3A_895, %swap3A_896] {strides = array<i32>} : memref<128x16xf32, #tpu.memory_space<vmem>>, vector<16xf32>,
      tpu.vector_store %arg7[%swap3A_895, %swap3A_896], %broadcast_in_dim3A_893 {strides = array<i32>} : memref<128x16xf32, #tpu.memory_space<vmem>>, vector<16xf32>,
      %slice3A_898 = vector.extract_strided_slice %add3A_806 {offsets = [13], sizes = [1], strides = [1]} : vector<16xf32> to vector<1xf32>
      %squeeze3A_899 = vector.extract %slice3A_898[0] : f32 from vector<1xf32>
      %broadcast_in_dim3A_900 = vector.broadcast %squeeze3A_899 : f32 to vector<16xf32>
      %swap3A_901 = arith.constant 61 : i32
      %swap3A_902 = arith.index_cast %swap3A_901 : i32 to index
      %swap3A_903 = arith.constant 0 : index
      %swap3A_904 = tpu.vector_load %arg7[%swap3A_902, %swap3A_903] {strides = array<i32>} : memref<128x16xf32, #tpu.memory_space<vmem>>, vector<16xf32>,
      tpu.vector_store %arg7[%swap3A_902, %swap3A_903], %broadcast_in_dim3A_900 {strides = array<i32>} : memref<128x16xf32, #tpu.memory_space<vmem>>, vector<16xf32>,
      %slice3A_905 = vector.extract_strided_slice %add3A_806 {offsets = [14], sizes = [1], strides = [1]} : vector<16xf32> to vector<1xf32>
      %squeeze3A_906 = vector.extract %slice3A_905[0] : f32 from vector<1xf32>
      %broadcast_in_dim3A_907 = vector.broadcast %squeeze3A_906 : f32 to vector<16xf32>
      %swap3A_908 = arith.constant 62 : i32
      %swap3A_909 = arith.index_cast %swap3A_908 : i32 to index
      %swap3A_910 = arith.constant 0 : index
      %swap3A_911 = tpu.vector_load %arg7[%swap3A_909, %swap3A_910] {strides = array<i32>} : memref<128x16xf32, #tpu.memory_space<vmem>>, vector<16xf32>,
      tpu.vector_store %arg7[%swap3A_909, %swap3A_910], %broadcast_in_dim3A_907 {strides = array<i32>} : memref<128x16xf32, #tpu.memory_space<vmem>>, vector<16xf32>,
      %slice3A_912 = vector.extract_strided_slice %add3A_806 {offsets = [15], sizes = [1], strides = [1]} : vector<16xf32> to vector<1xf32>
      %squeeze3A_913 = vector.extract %slice3A_912[0] : f32 from vector<1xf32>
      %broadcast_in_dim3A_914 = vector.broadcast %squeeze3A_913 : f32 to vector<16xf32>
      %swap3A_915 = arith.constant 63 : i32
      %swap3A_916 = arith.index_cast %swap3A_915 : i32 to index
      %swap3A_917 = arith.constant 0 : index
      %swap3A_918 = tpu.vector_load %arg7[%swap3A_916, %swap3A_917] {strides = array<i32>} : memref<128x16xf32, #tpu.memory_space<vmem>>, vector<16xf32>,
      tpu.vector_store %arg7[%swap3A_916, %swap3A_917], %broadcast_in_dim3A_914 {strides = array<i32>} : memref<128x16xf32, #tpu.memory_space<vmem>>, vector<16xf32>,
      %get3A_919 = arith.constant 0 : i32
      %get3A_920 = arith.constant 0 : i32
      %get3A_921 = arith.index_cast %get3A_919 : i32 to index
      %get3A_922 = arith.index_cast %get3A_920 : i32 to index
      %get3A_923 = arith.constant 64 : index
      %get3A_924 = tpu.vector_load %arg6[%get3A_921, %get3A_922, %get3A_923] {strides = array<i32>} : memref<16x1x128xf32, #tpu.memory_space<vmem>>, vector<16xf32>,
      %get3A_925 = arith.constant 1 : i32
      %get3A_926 = arith.constant 0 : i32
      %get3A_927 = arith.index_cast %get3A_925 : i32 to index
      %get3A_928 = arith.index_cast %get3A_926 : i32 to index
      %get3A_929 = arith.constant 64 : index
      %get3A_930 = tpu.vector_load %arg6[%get3A_927, %get3A_928, %get3A_929] {strides = array<i32>} : memref<16x1x128xf32, #tpu.memory_space<vmem>>, vector<16xf32>,
      %add3A_931 = arith.addf %get3A_924, %get3A_930 : vector<16xf32>
      %get3A_932 = arith.constant 2 : i32
      %get3A_933 = arith.constant 0 : i32
      %get3A_934 = arith.index_cast %get3A_932 : i32 to index
      %get3A_935 = arith.index_cast %get3A_933 : i32 to index
      %get3A_936 = arith.constant 64 : index
      %get3A_937 = tpu.vector_load %arg6[%get3A_934, %get3A_935, %get3A_936] {strides = array<i32>} : memref<16x1x128xf32, #tpu.memory_space<vmem>>, vector<16xf32>,
      %add3A_938 = arith.addf %add3A_931, %get3A_937 : vector<16xf32>
      %get3A_939 = arith.constant 3 : i32
      %get3A_940 = arith.constant 0 : i32
      %get3A_941 = arith.index_cast %get3A_939 : i32 to index
      %get3A_942 = arith.index_cast %get3A_940 : i32 to index
      %get3A_943 = arith.constant 64 : index
      %get3A_944 = tpu.vector_load %arg6[%get3A_941, %get3A_942, %get3A_943] {strides = array<i32>} : memref<16x1x128xf32, #tpu.memory_space<vmem>>, vector<16xf32>,
      %add3A_945 = arith.addf %add3A_938, %get3A_944 : vector<16xf32>
      %get3A_946 = arith.constant 4 : i32
      %get3A_947 = arith.constant 0 : i32
      %get3A_948 = arith.index_cast %get3A_946 : i32 to index
      %get3A_949 = arith.index_cast %get3A_947 : i32 to index
      %get3A_950 = arith.constant 64 : index
      %get3A_951 = tpu.vector_load %arg6[%get3A_948, %get3A_949, %get3A_950] {strides = array<i32>} : memref<16x1x128xf32, #tpu.memory_space<vmem>>, vector<16xf32>,
      %add3A_952 = arith.addf %add3A_945, %get3A_951 : vector<16xf32>
      %get3A_953 = arith.constant 5 : i32
      %get3A_954 = arith.constant 0 : i32
      %get3A_955 = arith.index_cast %get3A_953 : i32 to index
      %get3A_956 = arith.index_cast %get3A_954 : i32 to index
      %get3A_957 = arith.constant 64 : index
      %get3A_958 = tpu.vector_load %arg6[%get3A_955, %get3A_956, %get3A_957] {strides = array<i32>} : memref<16x1x128xf32, #tpu.memory_space<vmem>>, vector<16xf32>,
      %add3A_959 = arith.addf %add3A_952, %get3A_958 : vector<16xf32>
      %get3A_960 = arith.constant 6 : i32
      %get3A_961 = arith.constant 0 : i32
      %get3A_962 = arith.index_cast %get3A_960 : i32 to index
      %get3A_963 = arith.index_cast %get3A_961 : i32 to index
      %get3A_964 = arith.constant 64 : index
      %get3A_965 = tpu.vector_load %arg6[%get3A_962, %get3A_963, %get3A_964] {strides = array<i32>} : memref<16x1x128xf32, #tpu.memory_space<vmem>>, vector<16xf32>,
      %add3A_966 = arith.addf %add3A_959, %get3A_965 : vector<16xf32>
      %get3A_967 = arith.constant 7 : i32
      %get3A_968 = arith.constant 0 : i32
      %get3A_969 = arith.index_cast %get3A_967 : i32 to index
      %get3A_970 = arith.index_cast %get3A_968 : i32 to index
      %get3A_971 = arith.constant 64 : index
      %get3A_972 = tpu.vector_load %arg6[%get3A_969, %get3A_970, %get3A_971] {strides = array<i32>} : memref<16x1x128xf32, #tpu.memory_space<vmem>>, vector<16xf32>,
      %add3A_973 = arith.addf %add3A_966, %get3A_972 : vector<16xf32>
      %get3A_974 = arith.constant 8 : i32
      %get3A_975 = arith.constant 0 : i32
      %get3A_976 = arith.index_cast %get3A_974 : i32 to index
      %get3A_977 = arith.index_cast %get3A_975 : i32 to index
      %get3A_978 = arith.constant 64 : index
      %get3A_979 = tpu.vector_load %arg6[%get3A_976, %get3A_977, %get3A_978] {strides = array<i32>} : memref<16x1x128xf32, #tpu.memory_space<vmem>>, vector<16xf32>,
      %add3A_980 = arith.addf %add3A_973, %get3A_979 : vector<16xf32>
      %get3A_981 = arith.constant 9 : i32
      %get3A_982 = arith.constant 0 : i32
      %get3A_983 = arith.index_cast %get3A_981 : i32 to index
      %get3A_984 = arith.index_cast %get3A_982 : i32 to index
      %get3A_985 = arith.constant 64 : index
      %get3A_986 = tpu.vector_load %arg6[%get3A_983, %get3A_984, %get3A_985] {strides = array<i32>} : memref<16x1x128xf32, #tpu.memory_space<vmem>>, vector<16xf32>,
      %add3A_987 = arith.addf %add3A_980, %get3A_986 : vector<16xf32>
      %get3A_988 = arith.constant 10 : i32
      %get3A_989 = arith.constant 0 : i32
      %get3A_990 = arith.index_cast %get3A_988 : i32 to index
      %get3A_991 = arith.index_cast %get3A_989 : i32 to index
      %get3A_992 = arith.constant 64 : index
      %get3A_993 = tpu.vector_load %arg6[%get3A_990, %get3A_991, %get3A_992] {strides = array<i32>} : memref<16x1x128xf32, #tpu.memory_space<vmem>>, vector<16xf32>,
      %add3A_994 = arith.addf %add3A_987, %get3A_993 : vector<16xf32>
      %get3A_995 = arith.constant 11 : i32
      %get3A_996 = arith.constant 0 : i32
      %get3A_997 = arith.index_cast %get3A_995 : i32 to index
      %get3A_998 = arith.index_cast %get3A_996 : i32 to index
      %get3A_999 = arith.constant 64 : index
      %get3A_1000 = tpu.vector_load %arg6[%get3A_997, %get3A_998, %get3A_999] {strides = array<i32>} : memref<16x1x128xf32, #tpu.memory_space<vmem>>, vector<16xf32>,
      %add3A_1001 = arith.addf %add3A_994, %get3A_1000 : vector<16xf32>
      %get3A_1002 = arith.constant 12 : i32
      %get3A_1003 = arith.constant 0 : i32
      %get3A_1004 = arith.index_cast %get3A_1002 : i32 to index
      %get3A_1005 = arith.index_cast %get3A_1003 : i32 to index
      %get3A_1006 = arith.constant 64 : index
      %get3A_1007 = tpu.vector_load %arg6[%get3A_1004, %get3A_1005, %get3A_1006] {strides = array<i32>} : memref<16x1x128xf32, #tpu.memory_space<vmem>>, vector<16xf32>,
      %add3A_1008 = arith.addf %add3A_1001, %get3A_1007 : vector<16xf32>
      %get3A_1009 = arith.constant 13 : i32
      %get3A_1010 = arith.constant 0 : i32
      %get3A_1011 = arith.index_cast %get3A_1009 : i32 to index
      %get3A_1012 = arith.index_cast %get3A_1010 : i32 to index
      %get3A_1013 = arith.constant 64 : index
      %get3A_1014 = tpu.vector_load %arg6[%get3A_1011, %get3A_1012, %get3A_1013] {strides = array<i32>} : memref<16x1x128xf32, #tpu.memory_space<vmem>>, vector<16xf32>,
      %add3A_1015 = arith.addf %add3A_1008, %get3A_1014 : vector<16xf32>
      %get3A_1016 = arith.constant 14 : i32
      %get3A_1017 = arith.constant 0 : i32
      %get3A_1018 = arith.index_cast %get3A_1016 : i32 to index
      %get3A_1019 = arith.index_cast %get3A_1017 : i32 to index
      %get3A_1020 = arith.constant 64 : index
      %get3A_1021 = tpu.vector_load %arg6[%get3A_1018, %get3A_1019, %get3A_1020] {strides = array<i32>} : memref<16x1x128xf32, #tpu.memory_space<vmem>>, vector<16xf32>,
      %add3A_1022 = arith.addf %add3A_1015, %get3A_1021 : vector<16xf32>
      %get3A_1023 = arith.constant 15 : i32
      %get3A_1024 = arith.constant 0 : i32
      %get3A_1025 = arith.index_cast %get3A_1023 : i32 to index
      %get3A_1026 = arith.index_cast %get3A_1024 : i32 to index
      %get3A_1027 = arith.constant 64 : index
      %get3A_1028 = tpu.vector_load %arg6[%get3A_1025, %get3A_1026, %get3A_1027] {strides = array<i32>} : memref<16x1x128xf32, #tpu.memory_space<vmem>>, vector<16xf32>,
      %add3A_1029 = arith.addf %add3A_1022, %get3A_1028 : vector<16xf32>
      %slice3A_1030 = vector.extract_strided_slice %add3A_1029 {offsets = [0], sizes = [1], strides = [1]} : vector<16xf32> to vector<1xf32>
      %squeeze3A_1031 = vector.extract %slice3A_1030[0] : f32 from vector<1xf32>
      %broadcast_in_dim3A_1032 = vector.broadcast %squeeze3A_1031 : f32 to vector<16xf32>
      %swap3A_1033 = arith.constant 64 : i32
      %swap3A_1034 = arith.index_cast %swap3A_1033 : i32 to index
      %swap3A_1035 = arith.constant 0 : index
      %swap3A_1036 = tpu.vector_load %arg7[%swap3A_1034, %swap3A_1035] {strides = array<i32>} : memref<128x16xf32, #tpu.memory_space<vmem>>, vector<16xf32>,
      tpu.vector_store %arg7[%swap3A_1034, %swap3A_1035], %broadcast_in_dim3A_1032 {strides = array<i32>} : memref<128x16xf32, #tpu.memory_space<vmem>>, vector<16xf32>,
      %slice3A_1037 = vector.extract_strided_slice %add3A_1029 {offsets = [1], sizes = [1], strides = [1]} : vector<16xf32> to vector<1xf32>
      %squeeze3A_1038 = vector.extract %slice3A_1037[0] : f32 from vector<1xf32>
      %broadcast_in_dim3A_1039 = vector.broadcast %squeeze3A_1038 : f32 to vector<16xf32>
      %swap3A_1040 = arith.constant 65 : i32
      %swap3A_1041 = arith.index_cast %swap3A_1040 : i32 to index
      %swap3A_1042 = arith.constant 0 : index
      %swap3A_1043 = tpu.vector_load %arg7[%swap3A_1041, %swap3A_1042] {strides = array<i32>} : memref<128x16xf32, #tpu.memory_space<vmem>>, vector<16xf32>,
      tpu.vector_store %arg7[%swap3A_1041, %swap3A_1042], %broadcast_in_dim3A_1039 {strides = array<i32>} : memref<128x16xf32, #tpu.memory_space<vmem>>, vector<16xf32>,
      %slice3A_1044 = vector.extract_strided_slice %add3A_1029 {offsets = [2], sizes = [1], strides = [1]} : vector<16xf32> to vector<1xf32>
      %squeeze3A_1045 = vector.extract %slice3A_1044[0] : f32 from vector<1xf32>
      %broadcast_in_dim3A_1046 = vector.broadcast %squeeze3A_1045 : f32 to vector<16xf32>
      %swap3A_1047 = arith.constant 66 : i32
      %swap3A_1048 = arith.index_cast %swap3A_1047 : i32 to index
      %swap3A_1049 = arith.constant 0 : index
      %swap3A_1050 = tpu.vector_load %arg7[%swap3A_1048, %swap3A_1049] {strides = array<i32>} : memref<128x16xf32, #tpu.memory_space<vmem>>, vector<16xf32>,
      tpu.vector_store %arg7[%swap3A_1048, %swap3A_1049], %broadcast_in_dim3A_1046 {strides = array<i32>} : memref<128x16xf32, #tpu.memory_space<vmem>>, vector<16xf32>,
      %slice3A_1051 = vector.extract_strided_slice %add3A_1029 {offsets = [3], sizes = [1], strides = [1]} : vector<16xf32> to vector<1xf32>
      %squeeze3A_1052 = vector.extract %slice3A_1051[0] : f32 from vector<1xf32>
      %broadcast_in_dim3A_1053 = vector.broadcast %squeeze3A_1052 : f32 to vector<16xf32>
      %swap3A_1054 = arith.constant 67 : i32
      %swap3A_1055 = arith.index_cast %swap3A_1054 : i32 to index
      %swap3A_1056 = arith.constant 0 : index
      %swap3A_1057 = tpu.vector_load %arg7[%swap3A_1055, %swap3A_1056] {strides = array<i32>} : memref<128x16xf32, #tpu.memory_space<vmem>>, vector<16xf32>,
      tpu.vector_store %arg7[%swap3A_1055, %swap3A_1056], %broadcast_in_dim3A_1053 {strides = array<i32>} : memref<128x16xf32, #tpu.memory_space<vmem>>, vector<16xf32>,
      %slice3A_1058 = vector.extract_strided_slice %add3A_1029 {offsets = [4], sizes = [1], strides = [1]} : vector<16xf32> to vector<1xf32>
      %squeeze3A_1059 = vector.extract %slice3A_1058[0] : f32 from vector<1xf32>
      %broadcast_in_dim3A_1060 = vector.broadcast %squeeze3A_1059 : f32 to vector<16xf32>
      %swap3A_1061 = arith.constant 68 : i32
      %swap3A_1062 = arith.index_cast %swap3A_1061 : i32 to index
      %swap3A_1063 = arith.constant 0 : index
      %swap3A_1064 = tpu.vector_load %arg7[%swap3A_1062, %swap3A_1063] {strides = array<i32>} : memref<128x16xf32, #tpu.memory_space<vmem>>, vector<16xf32>,
      tpu.vector_store %arg7[%swap3A_1062, %swap3A_1063], %broadcast_in_dim3A_1060 {strides = array<i32>} : memref<128x16xf32, #tpu.memory_space<vmem>>, vector<16xf32>,
      %slice3A_1065 = vector.extract_strided_slice %add3A_1029 {offsets = [5], sizes = [1], strides = [1]} : vector<16xf32> to vector<1xf32>
      %squeeze3A_1066 = vector.extract %slice3A_1065[0] : f32 from vector<1xf32>
      %broadcast_in_dim3A_1067 = vector.broadcast %squeeze3A_1066 : f32 to vector<16xf32>
      %swap3A_1068 = arith.constant 69 : i32
      %swap3A_1069 = arith.index_cast %swap3A_1068 : i32 to index
      %swap3A_1070 = arith.constant 0 : index
      %swap3A_1071 = tpu.vector_load %arg7[%swap3A_1069, %swap3A_1070] {strides = array<i32>} : memref<128x16xf32, #tpu.memory_space<vmem>>, vector<16xf32>,
      tpu.vector_store %arg7[%swap3A_1069, %swap3A_1070], %broadcast_in_dim3A_1067 {strides = array<i32>} : memref<128x16xf32, #tpu.memory_space<vmem>>, vector<16xf32>,
      %slice3A_1072 = vector.extract_strided_slice %add3A_1029 {offsets = [6], sizes = [1], strides = [1]} : vector<16xf32> to vector<1xf32>
      %squeeze3A_1073 = vector.extract %slice3A_1072[0] : f32 from vector<1xf32>
      %broadcast_in_dim3A_1074 = vector.broadcast %squeeze3A_1073 : f32 to vector<16xf32>
      %swap3A_1075 = arith.constant 70 : i32
      %swap3A_1076 = arith.index_cast %swap3A_1075 : i32 to index
      %swap3A_1077 = arith.constant 0 : index
      %swap3A_1078 = tpu.vector_load %arg7[%swap3A_1076, %swap3A_1077] {strides = array<i32>} : memref<128x16xf32, #tpu.memory_space<vmem>>, vector<16xf32>,
      tpu.vector_store %arg7[%swap3A_1076, %swap3A_1077], %broadcast_in_dim3A_1074 {strides = array<i32>} : memref<128x16xf32, #tpu.memory_space<vmem>>, vector<16xf32>,
      %slice3A_1079 = vector.extract_strided_slice %add3A_1029 {offsets = [7], sizes = [1], strides = [1]} : vector<16xf32> to vector<1xf32>
      %squeeze3A_1080 = vector.extract %slice3A_1079[0] : f32 from vector<1xf32>
      %broadcast_in_dim3A_1081 = vector.broadcast %squeeze3A_1080 : f32 to vector<16xf32>
      %swap3A_1082 = arith.constant 71 : i32
      %swap3A_1083 = arith.index_cast %swap3A_1082 : i32 to index
      %swap3A_1084 = arith.constant 0 : index
      %swap3A_1085 = tpu.vector_load %arg7[%swap3A_1083, %swap3A_1084] {strides = array<i32>} : memref<128x16xf32, #tpu.memory_space<vmem>>, vector<16xf32>,
      tpu.vector_store %arg7[%swap3A_1083, %swap3A_1084], %broadcast_in_dim3A_1081 {strides = array<i32>} : memref<128x16xf32, #tpu.memory_space<vmem>>, vector<16xf32>,
      %slice3A_1086 = vector.extract_strided_slice %add3A_1029 {offsets = [8], sizes = [1], strides = [1]} : vector<16xf32> to vector<1xf32>
      %squeeze3A_1087 = vector.extract %slice3A_1086[0] : f32 from vector<1xf32>
      %broadcast_in_dim3A_1088 = vector.broadcast %squeeze3A_1087 : f32 to vector<16xf32>
      %swap3A_1089 = arith.constant 72 : i32
      %swap3A_1090 = arith.index_cast %swap3A_1089 : i32 to index
      %swap3A_1091 = arith.constant 0 : index
      %swap3A_1092 = tpu.vector_load %arg7[%swap3A_1090, %swap3A_1091] {strides = array<i32>} : memref<128x16xf32, #tpu.memory_space<vmem>>, vector<16xf32>,
      tpu.vector_store %arg7[%swap3A_1090, %swap3A_1091], %broadcast_in_dim3A_1088 {strides = array<i32>} : memref<128x16xf32, #tpu.memory_space<vmem>>, vector<16xf32>,
      %slice3A_1093 = vector.extract_strided_slice %add3A_1029 {offsets = [9], sizes = [1], strides = [1]} : vector<16xf32> to vector<1xf32>
      %squeeze3A_1094 = vector.extract %slice3A_1093[0] : f32 from vector<1xf32>
      %broadcast_in_dim3A_1095 = vector.broadcast %squeeze3A_1094 : f32 to vector<16xf32>
      %swap3A_1096 = arith.constant 73 : i32
      %swap3A_1097 = arith.index_cast %swap3A_1096 : i32 to index
      %swap3A_1098 = arith.constant 0 : index
      %swap3A_1099 = tpu.vector_load %arg7[%swap3A_1097, %swap3A_1098] {strides = array<i32>} : memref<128x16xf32, #tpu.memory_space<vmem>>, vector<16xf32>,
      tpu.vector_store %arg7[%swap3A_1097, %swap3A_1098], %broadcast_in_dim3A_1095 {strides = array<i32>} : memref<128x16xf32, #tpu.memory_space<vmem>>, vector<16xf32>,
      %slice3A_1100 = vector.extract_strided_slice %add3A_1029 {offsets = [10], sizes = [1], strides = [1]} : vector<16xf32> to vector<1xf32>
      %squeeze3A_1101 = vector.extract %slice3A_1100[0] : f32 from vector<1xf32>
      %broadcast_in_dim3A_1102 = vector.broadcast %squeeze3A_1101 : f32 to vector<16xf32>
      %swap3A_1103 = arith.constant 74 : i32
      %swap3A_1104 = arith.index_cast %swap3A_1103 : i32 to index
      %swap3A_1105 = arith.constant 0 : index
      %swap3A_1106 = tpu.vector_load %arg7[%swap3A_1104, %swap3A_1105] {strides = array<i32>} : memref<128x16xf32, #tpu.memory_space<vmem>>, vector<16xf32>,
      tpu.vector_store %arg7[%swap3A_1104, %swap3A_1105], %broadcast_in_dim3A_1102 {strides = array<i32>} : memref<128x16xf32, #tpu.memory_space<vmem>>, vector<16xf32>,
      %slice3A_1107 = vector.extract_strided_slice %add3A_1029 {offsets = [11], sizes = [1], strides = [1]} : vector<16xf32> to vector<1xf32>
      %squeeze3A_1108 = vector.extract %slice3A_1107[0] : f32 from vector<1xf32>
      %broadcast_in_dim3A_1109 = vector.broadcast %squeeze3A_1108 : f32 to vector<16xf32>
      %swap3A_1110 = arith.constant 75 : i32
      %swap3A_1111 = arith.index_cast %swap3A_1110 : i32 to index
      %swap3A_1112 = arith.constant 0 : index
      %swap3A_1113 = tpu.vector_load %arg7[%swap3A_1111, %swap3A_1112] {strides = array<i32>} : memref<128x16xf32, #tpu.memory_space<vmem>>, vector<16xf32>,
      tpu.vector_store %arg7[%swap3A_1111, %swap3A_1112], %broadcast_in_dim3A_1109 {strides = array<i32>} : memref<128x16xf32, #tpu.memory_space<vmem>>, vector<16xf32>,
      %slice3A_1114 = vector.extract_strided_slice %add3A_1029 {offsets = [12], sizes = [1], strides = [1]} : vector<16xf32> to vector<1xf32>
      %squeeze3A_1115 = vector.extract %slice3A_1114[0] : f32 from vector<1xf32>
      %broadcast_in_dim3A_1116 = vector.broadcast %squeeze3A_1115 : f32 to vector<16xf32>
      %swap3A_1117 = arith.constant 76 : i32
      %swap3A_1118 = arith.index_cast %swap3A_1117 : i32 to index
      %swap3A_1119 = arith.constant 0 : index
      %swap3A_1120 = tpu.vector_load %arg7[%swap3A_1118, %swap3A_1119] {strides = array<i32>} : memref<128x16xf32, #tpu.memory_space<vmem>>, vector<16xf32>,
      tpu.vector_store %arg7[%swap3A_1118, %swap3A_1119], %broadcast_in_dim3A_1116 {strides = array<i32>} : memref<128x16xf32, #tpu.memory_space<vmem>>, vector<16xf32>,
      %slice3A_1121 = vector.extract_strided_slice %add3A_1029 {offsets = [13], sizes = [1], strides = [1]} : vector<16xf32> to vector<1xf32>
      %squeeze3A_1122 = vector.extract %slice3A_1121[0] : f32 from vector<1xf32>
      %broadcast_in_dim3A_1123 = vector.broadcast %squeeze3A_1122 : f32 to vector<16xf32>
      %swap3A_1124 = arith.constant 77 : i32
      %swap3A_1125 = arith.index_cast %swap3A_1124 : i32 to index
      %swap3A_1126 = arith.constant 0 : index
      %swap3A_1127 = tpu.vector_load %arg7[%swap3A_1125, %swap3A_1126] {strides = array<i32>} : memref<128x16xf32, #tpu.memory_space<vmem>>, vector<16xf32>,
      tpu.vector_store %arg7[%swap3A_1125, %swap3A_1126], %broadcast_in_dim3A_1123 {strides = array<i32>} : memref<128x16xf32, #tpu.memory_space<vmem>>, vector<16xf32>,
      %slice3A_1128 = vector.extract_strided_slice %add3A_1029 {offsets = [14], sizes = [1], strides = [1]} : vector<16xf32> to vector<1xf32>
      %squeeze3A_1129 = vector.extract %slice3A_1128[0] : f32 from vector<1xf32>
      %broadcast_in_dim3A_1130 = vector.broadcast %squeeze3A_1129 : f32 to vector<16xf32>
      %swap3A_1131 = arith.constant 78 : i32
      %swap3A_1132 = arith.index_cast %swap3A_1131 : i32 to index
      %swap3A_1133 = arith.constant 0 : index
      %swap3A_1134 = tpu.vector_load %arg7[%swap3A_1132, %swap3A_1133] {strides = array<i32>} : memref<128x16xf32, #tpu.memory_space<vmem>>, vector<16xf32>,
      tpu.vector_store %arg7[%swap3A_1132, %swap3A_1133], %broadcast_in_dim3A_1130 {strides = array<i32>} : memref<128x16xf32, #tpu.memory_space<vmem>>, vector<16xf32>,
      %slice3A_1135 = vector.extract_strided_slice %add3A_1029 {offsets = [15], sizes = [1], strides = [1]} : vector<16xf32> to vector<1xf32>
      %squeeze3A_1136 = vector.extract %slice3A_1135[0] : f32 from vector<1xf32>
      %broadcast_in_dim3A_1137 = vector.broadcast %squeeze3A_1136 : f32 to vector<16xf32>
      %swap3A_1138 = arith.constant 79 : i32
      %swap3A_1139 = arith.index_cast %swap3A_1138 : i32 to index
      %swap3A_1140 = arith.constant 0 : index
      %swap3A_1141 = tpu.vector_load %arg7[%swap3A_1139, %swap3A_1140] {strides = array<i32>} : memref<128x16xf32, #tpu.memory_space<vmem>>, vector<16xf32>,
      tpu.vector_store %arg7[%swap3A_1139, %swap3A_1140], %broadcast_in_dim3A_1137 {strides = array<i32>} : memref<128x16xf32, #tpu.memory_space<vmem>>, vector<16xf32>,
      %get3A_1142 = arith.constant 0 : i32
      %get3A_1143 = arith.constant 0 : i32
      %get3A_1144 = arith.index_cast %get3A_1142 : i32 to index
      %get3A_1145 = arith.index_cast %get3A_1143 : i32 to index
      %get3A_1146 = arith.constant 80 : index
      %get3A_1147 = tpu.vector_load %arg6[%get3A_1144, %get3A_1145, %get3A_1146] {strides = array<i32>} : memref<16x1x128xf32, #tpu.memory_space<vmem>>, vector<16xf32>,
      %get3A_1148 = arith.constant 1 : i32
      %get3A_1149 = arith.constant 0 : i32
      %get3A_1150 = arith.index_cast %get3A_1148 : i32 to index
      %get3A_1151 = arith.index_cast %get3A_1149 : i32 to index
      %get3A_1152 = arith.constant 80 : index
      %get3A_1153 = tpu.vector_load %arg6[%get3A_1150, %get3A_1151, %get3A_1152] {strides = array<i32>} : memref<16x1x128xf32, #tpu.memory_space<vmem>>, vector<16xf32>,
      %add3A_1154 = arith.addf %get3A_1147, %get3A_1153 : vector<16xf32>
      %get3A_1155 = arith.constant 2 : i32
      %get3A_1156 = arith.constant 0 : i32
      %get3A_1157 = arith.index_cast %get3A_1155 : i32 to index
      %get3A_1158 = arith.index_cast %get3A_1156 : i32 to index
      %get3A_1159 = arith.constant 80 : index
      %get3A_1160 = tpu.vector_load %arg6[%get3A_1157, %get3A_1158, %get3A_1159] {strides = array<i32>} : memref<16x1x128xf32, #tpu.memory_space<vmem>>, vector<16xf32>,
      %add3A_1161 = arith.addf %add3A_1154, %get3A_1160 : vector<16xf32>
      %get3A_1162 = arith.constant 3 : i32
      %get3A_1163 = arith.constant 0 : i32
      %get3A_1164 = arith.index_cast %get3A_1162 : i32 to index
      %get3A_1165 = arith.index_cast %get3A_1163 : i32 to index
      %get3A_1166 = arith.constant 80 : index
      %get3A_1167 = tpu.vector_load %arg6[%get3A_1164, %get3A_1165, %get3A_1166] {strides = array<i32>} : memref<16x1x128xf32, #tpu.memory_space<vmem>>, vector<16xf32>,
      %add3A_1168 = arith.addf %add3A_1161, %get3A_1167 : vector<16xf32>
      %get3A_1169 = arith.constant 4 : i32
      %get3A_1170 = arith.constant 0 : i32
      %get3A_1171 = arith.index_cast %get3A_1169 : i32 to index
      %get3A_1172 = arith.index_cast %get3A_1170 : i32 to index
      %get3A_1173 = arith.constant 80 : index
      %get3A_1174 = tpu.vector_load %arg6[%get3A_1171, %get3A_1172, %get3A_1173] {strides = array<i32>} : memref<16x1x128xf32, #tpu.memory_space<vmem>>, vector<16xf32>,
      %add3A_1175 = arith.addf %add3A_1168, %get3A_1174 : vector<16xf32>
      %get3A_1176 = arith.constant 5 : i32
      %get3A_1177 = arith.constant 0 : i32
      %get3A_1178 = arith.index_cast %get3A_1176 : i32 to index
      %get3A_1179 = arith.index_cast %get3A_1177 : i32 to index
      %get3A_1180 = arith.constant 80 : index
      %get3A_1181 = tpu.vector_load %arg6[%get3A_1178, %get3A_1179, %get3A_1180] {strides = array<i32>} : memref<16x1x128xf32, #tpu.memory_space<vmem>>, vector<16xf32>,
      %add3A_1182 = arith.addf %add3A_1175, %get3A_1181 : vector<16xf32>
      %get3A_1183 = arith.constant 6 : i32
      %get3A_1184 = arith.constant 0 : i32
      %get3A_1185 = arith.index_cast %get3A_1183 : i32 to index
      %get3A_1186 = arith.index_cast %get3A_1184 : i32 to index
      %get3A_1187 = arith.constant 80 : index
      %get3A_1188 = tpu.vector_load %arg6[%get3A_1185, %get3A_1186, %get3A_1187] {strides = array<i32>} : memref<16x1x128xf32, #tpu.memory_space<vmem>>, vector<16xf32>,
      %add3A_1189 = arith.addf %add3A_1182, %get3A_1188 : vector<16xf32>
      %get3A_1190 = arith.constant 7 : i32
      %get3A_1191 = arith.constant 0 : i32
      %get3A_1192 = arith.index_cast %get3A_1190 : i32 to index
      %get3A_1193 = arith.index_cast %get3A_1191 : i32 to index
      %get3A_1194 = arith.constant 80 : index
      %get3A_1195 = tpu.vector_load %arg6[%get3A_1192, %get3A_1193, %get3A_1194] {strides = array<i32>} : memref<16x1x128xf32, #tpu.memory_space<vmem>>, vector<16xf32>,
      %add3A_1196 = arith.addf %add3A_1189, %get3A_1195 : vector<16xf32>
      %get3A_1197 = arith.constant 8 : i32
      %get3A_1198 = arith.constant 0 : i32
      %get3A_1199 = arith.index_cast %get3A_1197 : i32 to index
      %get3A_1200 = arith.index_cast %get3A_1198 : i32 to index
      %get3A_1201 = arith.constant 80 : index
      %get3A_1202 = tpu.vector_load %arg6[%get3A_1199, %get3A_1200, %get3A_1201] {strides = array<i32>} : memref<16x1x128xf32, #tpu.memory_space<vmem>>, vector<16xf32>,
      %add3A_1203 = arith.addf %add3A_1196, %get3A_1202 : vector<16xf32>
      %get3A_1204 = arith.constant 9 : i32
      %get3A_1205 = arith.constant 0 : i32
      %get3A_1206 = arith.index_cast %get3A_1204 : i32 to index
      %get3A_1207 = arith.index_cast %get3A_1205 : i32 to index
      %get3A_1208 = arith.constant 80 : index
      %get3A_1209 = tpu.vector_load %arg6[%get3A_1206, %get3A_1207, %get3A_1208] {strides = array<i32>} : memref<16x1x128xf32, #tpu.memory_space<vmem>>, vector<16xf32>,
      %add3A_1210 = arith.addf %add3A_1203, %get3A_1209 : vector<16xf32>
      %get3A_1211 = arith.constant 10 : i32
      %get3A_1212 = arith.constant 0 : i32
      %get3A_1213 = arith.index_cast %get3A_1211 : i32 to index
      %get3A_1214 = arith.index_cast %get3A_1212 : i32 to index
      %get3A_1215 = arith.constant 80 : index
      %get3A_1216 = tpu.vector_load %arg6[%get3A_1213, %get3A_1214, %get3A_1215] {strides = array<i32>} : memref<16x1x128xf32, #tpu.memory_space<vmem>>, vector<16xf32>,
      %add3A_1217 = arith.addf %add3A_1210, %get3A_1216 : vector<16xf32>
      %get3A_1218 = arith.constant 11 : i32
      %get3A_1219 = arith.constant 0 : i32
      %get3A_1220 = arith.index_cast %get3A_1218 : i32 to index
      %get3A_1221 = arith.index_cast %get3A_1219 : i32 to index
      %get3A_1222 = arith.constant 80 : index
      %get3A_1223 = tpu.vector_load %arg6[%get3A_1220, %get3A_1221, %get3A_1222] {strides = array<i32>} : memref<16x1x128xf32, #tpu.memory_space<vmem>>, vector<16xf32>,
      %add3A_1224 = arith.addf %add3A_1217, %get3A_1223 : vector<16xf32>
      %get3A_1225 = arith.constant 12 : i32
      %get3A_1226 = arith.constant 0 : i32
      %get3A_1227 = arith.index_cast %get3A_1225 : i32 to index
      %get3A_1228 = arith.index_cast %get3A_1226 : i32 to index
      %get3A_1229 = arith.constant 80 : index
      %get3A_1230 = tpu.vector_load %arg6[%get3A_1227, %get3A_1228, %get3A_1229] {strides = array<i32>} : memref<16x1x128xf32, #tpu.memory_space<vmem>>, vector<16xf32>,
      %add3A_1231 = arith.addf %add3A_1224, %get3A_1230 : vector<16xf32>
      %get3A_1232 = arith.constant 13 : i32
      %get3A_1233 = arith.constant 0 : i32
      %get3A_1234 = arith.index_cast %get3A_1232 : i32 to index
      %get3A_1235 = arith.index_cast %get3A_1233 : i32 to index
      %get3A_1236 = arith.constant 80 : index
      %get3A_1237 = tpu.vector_load %arg6[%get3A_1234, %get3A_1235, %get3A_1236] {strides = array<i32>} : memref<16x1x128xf32, #tpu.memory_space<vmem>>, vector<16xf32>,
      %add3A_1238 = arith.addf %add3A_1231, %get3A_1237 : vector<16xf32>
      %get3A_1239 = arith.constant 14 : i32
      %get3A_1240 = arith.constant 0 : i32
      %get3A_1241 = arith.index_cast %get3A_1239 : i32 to index
      %get3A_1242 = arith.index_cast %get3A_1240 : i32 to index
      %get3A_1243 = arith.constant 80 : index
      %get3A_1244 = tpu.vector_load %arg6[%get3A_1241, %get3A_1242, %get3A_1243] {strides = array<i32>} : memref<16x1x128xf32, #tpu.memory_space<vmem>>, vector<16xf32>,
      %add3A_1245 = arith.addf %add3A_1238, %get3A_1244 : vector<16xf32>
      %get3A_1246 = arith.constant 15 : i32
      %get3A_1247 = arith.constant 0 : i32
      %get3A_1248 = arith.index_cast %get3A_1246 : i32 to index
      %get3A_1249 = arith.index_cast %get3A_1247 : i32 to index
      %get3A_1250 = arith.constant 80 : index
      %get3A_1251 = tpu.vector_load %arg6[%get3A_1248, %get3A_1249, %get3A_1250] {strides = array<i32>} : memref<16x1x128xf32, #tpu.memory_space<vmem>>, vector<16xf32>,
      %add3A_1252 = arith.addf %add3A_1245, %get3A_1251 : vector<16xf32>
      %slice3A_1253 = vector.extract_strided_slice %add3A_1252 {offsets = [0], sizes = [1], strides = [1]} : vector<16xf32> to vector<1xf32>
      %squeeze3A_1254 = vector.extract %slice3A_1253[0] : f32 from vector<1xf32>
      %broadcast_in_dim3A_1255 = vector.broadcast %squeeze3A_1254 : f32 to vector<16xf32>
      %swap3A_1256 = arith.constant 80 : i32
      %swap3A_1257 = arith.index_cast %swap3A_1256 : i32 to index
      %swap3A_1258 = arith.constant 0 : index
      %swap3A_1259 = tpu.vector_load %arg7[%swap3A_1257, %swap3A_1258] {strides = array<i32>} : memref<128x16xf32, #tpu.memory_space<vmem>>, vector<16xf32>,
      tpu.vector_store %arg7[%swap3A_1257, %swap3A_1258], %broadcast_in_dim3A_1255 {strides = array<i32>} : memref<128x16xf32, #tpu.memory_space<vmem>>, vector<16xf32>,
      %slice3A_1260 = vector.extract_strided_slice %add3A_1252 {offsets = [1], sizes = [1], strides = [1]} : vector<16xf32> to vector<1xf32>
      %squeeze3A_1261 = vector.extract %slice3A_1260[0] : f32 from vector<1xf32>
      %broadcast_in_dim3A_1262 = vector.broadcast %squeeze3A_1261 : f32 to vector<16xf32>
      %swap3A_1263 = arith.constant 81 : i32
      %swap3A_1264 = arith.index_cast %swap3A_1263 : i32 to index
      %swap3A_1265 = arith.constant 0 : index
      %swap3A_1266 = tpu.vector_load %arg7[%swap3A_1264, %swap3A_1265] {strides = array<i32>} : memref<128x16xf32, #tpu.memory_space<vmem>>, vector<16xf32>,
      tpu.vector_store %arg7[%swap3A_1264, %swap3A_1265], %broadcast_in_dim3A_1262 {strides = array<i32>} : memref<128x16xf32, #tpu.memory_space<vmem>>, vector<16xf32>,
      %slice3A_1267 = vector.extract_strided_slice %add3A_1252 {offsets = [2], sizes = [1], strides = [1]} : vector<16xf32> to vector<1xf32>
      %squeeze3A_1268 = vector.extract %slice3A_1267[0] : f32 from vector<1xf32>
      %broadcast_in_dim3A_1269 = vector.broadcast %squeeze3A_1268 : f32 to vector<16xf32>
      %swap3A_1270 = arith.constant 82 : i32
      %swap3A_1271 = arith.index_cast %swap3A_1270 : i32 to index
      %swap3A_1272 = arith.constant 0 : index
      %swap3A_1273 = tpu.vector_load %arg7[%swap3A_1271, %swap3A_1272] {strides = array<i32>} : memref<128x16xf32, #tpu.memory_space<vmem>>, vector<16xf32>,
      tpu.vector_store %arg7[%swap3A_1271, %swap3A_1272], %broadcast_in_dim3A_1269 {strides = array<i32>} : memref<128x16xf32, #tpu.memory_space<vmem>>, vector<16xf32>,
      %slice3A_1274 = vector.extract_strided_slice %add3A_1252 {offsets = [3], sizes = [1], strides = [1]} : vector<16xf32> to vector<1xf32>
      %squeeze3A_1275 = vector.extract %slice3A_1274[0] : f32 from vector<1xf32>
      %broadcast_in_dim3A_1276 = vector.broadcast %squeeze3A_1275 : f32 to vector<16xf32>
      %swap3A_1277 = arith.constant 83 : i32
      %swap3A_1278 = arith.index_cast %swap3A_1277 : i32 to index
      %swap3A_1279 = arith.constant 0 : index
      %swap3A_1280 = tpu.vector_load %arg7[%swap3A_1278, %swap3A_1279] {strides = array<i32>} : memref<128x16xf32, #tpu.memory_space<vmem>>, vector<16xf32>,
      tpu.vector_store %arg7[%swap3A_1278, %swap3A_1279], %broadcast_in_dim3A_1276 {strides = array<i32>} : memref<128x16xf32, #tpu.memory_space<vmem>>, vector<16xf32>,
      %slice3A_1281 = vector.extract_strided_slice %add3A_1252 {offsets = [4], sizes = [1], strides = [1]} : vector<16xf32> to vector<1xf32>
      %squeeze3A_1282 = vector.extract %slice3A_1281[0] : f32 from vector<1xf32>
      %broadcast_in_dim3A_1283 = vector.broadcast %squeeze3A_1282 : f32 to vector<16xf32>
      %swap3A_1284 = arith.constant 84 : i32
      %swap3A_1285 = arith.index_cast %swap3A_1284 : i32 to index
      %swap3A_1286 = arith.constant 0 : index
      %swap3A_1287 = tpu.vector_load %arg7[%swap3A_1285, %swap3A_1286] {strides = array<i32>} : memref<128x16xf32, #tpu.memory_space<vmem>>, vector<16xf32>,
      tpu.vector_store %arg7[%swap3A_1285, %swap3A_1286], %broadcast_in_dim3A_1283 {strides = array<i32>} : memref<128x16xf32, #tpu.memory_space<vmem>>, vector<16xf32>,
      %slice3A_1288 = vector.extract_strided_slice %add3A_1252 {offsets = [5], sizes = [1], strides = [1]} : vector<16xf32> to vector<1xf32>
      %squeeze3A_1289 = vector.extract %slice3A_1288[0] : f32 from vector<1xf32>
      %broadcast_in_dim3A_1290 = vector.broadcast %squeeze3A_1289 : f32 to vector<16xf32>
      %swap3A_1291 = arith.constant 85 : i32
      %swap3A_1292 = arith.index_cast %swap3A_1291 : i32 to index
      %swap3A_1293 = arith.constant 0 : index
      %swap3A_1294 = tpu.vector_load %arg7[%swap3A_1292, %swap3A_1293] {strides = array<i32>} : memref<128x16xf32, #tpu.memory_space<vmem>>, vector<16xf32>,
      tpu.vector_store %arg7[%swap3A_1292, %swap3A_1293], %broadcast_in_dim3A_1290 {strides = array<i32>} : memref<128x16xf32, #tpu.memory_space<vmem>>, vector<16xf32>,
      %slice3A_1295 = vector.extract_strided_slice %add3A_1252 {offsets = [6], sizes = [1], strides = [1]} : vector<16xf32> to vector<1xf32>
      %squeeze3A_1296 = vector.extract %slice3A_1295[0] : f32 from vector<1xf32>
      %broadcast_in_dim3A_1297 = vector.broadcast %squeeze3A_1296 : f32 to vector<16xf32>
      %swap3A_1298 = arith.constant 86 : i32
      %swap3A_1299 = arith.index_cast %swap3A_1298 : i32 to index
      %swap3A_1300 = arith.constant 0 : index
      %swap3A_1301 = tpu.vector_load %arg7[%swap3A_1299, %swap3A_1300] {strides = array<i32>} : memref<128x16xf32, #tpu.memory_space<vmem>>, vector<16xf32>,
      tpu.vector_store %arg7[%swap3A_1299, %swap3A_1300], %broadcast_in_dim3A_1297 {strides = array<i32>} : memref<128x16xf32, #tpu.memory_space<vmem>>, vector<16xf32>,
      %slice3A_1302 = vector.extract_strided_slice %add3A_1252 {offsets = [7], sizes = [1], strides = [1]} : vector<16xf32> to vector<1xf32>
      %squeeze3A_1303 = vector.extract %slice3A_1302[0] : f32 from vector<1xf32>
      %broadcast_in_dim3A_1304 = vector.broadcast %squeeze3A_1303 : f32 to vector<16xf32>
      %swap3A_1305 = arith.constant 87 : i32
      %swap3A_1306 = arith.index_cast %swap3A_1305 : i32 to index
      %swap3A_1307 = arith.constant 0 : index
      %swap3A_1308 = tpu.vector_load %arg7[%swap3A_1306, %swap3A_1307] {strides = array<i32>} : memref<128x16xf32, #tpu.memory_space<vmem>>, vector<16xf32>,
      tpu.vector_store %arg7[%swap3A_1306, %swap3A_1307], %broadcast_in_dim3A_1304 {strides = array<i32>} : memref<128x16xf32, #tpu.memory_space<vmem>>, vector<16xf32>,
      %slice3A_1309 = vector.extract_strided_slice %add3A_1252 {offsets = [8], sizes = [1], strides = [1]} : vector<16xf32> to vector<1xf32>
      %squeeze3A_1310 = vector.extract %slice3A_1309[0] : f32 from vector<1xf32>
      %broadcast_in_dim3A_1311 = vector.broadcast %squeeze3A_1310 : f32 to vector<16xf32>
      %swap3A_1312 = arith.constant 88 : i32
      %swap3A_1313 = arith.index_cast %swap3A_1312 : i32 to index
      %swap3A_1314 = arith.constant 0 : index
      %swap3A_1315 = tpu.vector_load %arg7[%swap3A_1313, %swap3A_1314] {strides = array<i32>} : memref<128x16xf32, #tpu.memory_space<vmem>>, vector<16xf32>,
      tpu.vector_store %arg7[%swap3A_1313, %swap3A_1314], %broadcast_in_dim3A_1311 {strides = array<i32>} : memref<128x16xf32, #tpu.memory_space<vmem>>, vector<16xf32>,
      %slice3A_1316 = vector.extract_strided_slice %add3A_1252 {offsets = [9], sizes = [1], strides = [1]} : vector<16xf32> to vector<1xf32>
      %squeeze3A_1317 = vector.extract %slice3A_1316[0] : f32 from vector<1xf32>
      %broadcast_in_dim3A_1318 = vector.broadcast %squeeze3A_1317 : f32 to vector<16xf32>
      %swap3A_1319 = arith.constant 89 : i32
      %swap3A_1320 = arith.index_cast %swap3A_1319 : i32 to index
      %swap3A_1321 = arith.constant 0 : index
      %swap3A_1322 = tpu.vector_load %arg7[%swap3A_1320, %swap3A_1321] {strides = array<i32>} : memref<128x16xf32, #tpu.memory_space<vmem>>, vector<16xf32>,
      tpu.vector_store %arg7[%swap3A_1320, %swap3A_1321], %broadcast_in_dim3A_1318 {strides = array<i32>} : memref<128x16xf32, #tpu.memory_space<vmem>>, vector<16xf32>,
      %slice3A_1323 = vector.extract_strided_slice %add3A_1252 {offsets = [10], sizes = [1], strides = [1]} : vector<16xf32> to vector<1xf32>
      %squeeze3A_1324 = vector.extract %slice3A_1323[0] : f32 from vector<1xf32>
      %broadcast_in_dim3A_1325 = vector.broadcast %squeeze3A_1324 : f32 to vector<16xf32>
      %swap3A_1326 = arith.constant 90 : i32
      %swap3A_1327 = arith.index_cast %swap3A_1326 : i32 to index
      %swap3A_1328 = arith.constant 0 : index
      %swap3A_1329 = tpu.vector_load %arg7[%swap3A_1327, %swap3A_1328] {strides = array<i32>} : memref<128x16xf32, #tpu.memory_space<vmem>>, vector<16xf32>,
      tpu.vector_store %arg7[%swap3A_1327, %swap3A_1328], %broadcast_in_dim3A_1325 {strides = array<i32>} : memref<128x16xf32, #tpu.memory_space<vmem>>, vector<16xf32>,
      %slice3A_1330 = vector.extract_strided_slice %add3A_1252 {offsets = [11], sizes = [1], strides = [1]} : vector<16xf32> to vector<1xf32>
      %squeeze3A_1331 = vector.extract %slice3A_1330[0] : f32 from vector<1xf32>
      %broadcast_in_dim3A_1332 = vector.broadcast %squeeze3A_1331 : f32 to vector<16xf32>
      %swap3A_1333 = arith.constant 91 : i32
      %swap3A_1334 = arith.index_cast %swap3A_1333 : i32 to index
      %swap3A_1335 = arith.constant 0 : index
      %swap3A_1336 = tpu.vector_load %arg7[%swap3A_1334, %swap3A_1335] {strides = array<i32>} : memref<128x16xf32, #tpu.memory_space<vmem>>, vector<16xf32>,
      tpu.vector_store %arg7[%swap3A_1334, %swap3A_1335], %broadcast_in_dim3A_1332 {strides = array<i32>} : memref<128x16xf32, #tpu.memory_space<vmem>>, vector<16xf32>,
      %slice3A_1337 = vector.extract_strided_slice %add3A_1252 {offsets = [12], sizes = [1], strides = [1]} : vector<16xf32> to vector<1xf32>
      %squeeze3A_1338 = vector.extract %slice3A_1337[0] : f32 from vector<1xf32>
      %broadcast_in_dim3A_1339 = vector.broadcast %squeeze3A_1338 : f32 to vector<16xf32>
      %swap3A_1340 = arith.constant 92 : i32
      %swap3A_1341 = arith.index_cast %swap3A_1340 : i32 to index
      %swap3A_1342 = arith.constant 0 : index
      %swap3A_1343 = tpu.vector_load %arg7[%swap3A_1341, %swap3A_1342] {strides = array<i32>} : memref<128x16xf32, #tpu.memory_space<vmem>>, vector<16xf32>,
      tpu.vector_store %arg7[%swap3A_1341, %swap3A_1342], %broadcast_in_dim3A_1339 {strides = array<i32>} : memref<128x16xf32, #tpu.memory_space<vmem>>, vector<16xf32>,
      %slice3A_1344 = vector.extract_strided_slice %add3A_1252 {offsets = [13], sizes = [1], strides = [1]} : vector<16xf32> to vector<1xf32>
      %squeeze3A_1345 = vector.extract %slice3A_1344[0] : f32 from vector<1xf32>
      %broadcast_in_dim3A_1346 = vector.broadcast %squeeze3A_1345 : f32 to vector<16xf32>
      %swap3A_1347 = arith.constant 93 : i32
      %swap3A_1348 = arith.index_cast %swap3A_1347 : i32 to index
      %swap3A_1349 = arith.constant 0 : index
      %swap3A_1350 = tpu.vector_load %arg7[%swap3A_1348, %swap3A_1349] {strides = array<i32>} : memref<128x16xf32, #tpu.memory_space<vmem>>, vector<16xf32>,
      tpu.vector_store %arg7[%swap3A_1348, %swap3A_1349], %broadcast_in_dim3A_1346 {strides = array<i32>} : memref<128x16xf32, #tpu.memory_space<vmem>>, vector<16xf32>,
      %slice3A_1351 = vector.extract_strided_slice %add3A_1252 {offsets = [14], sizes = [1], strides = [1]} : vector<16xf32> to vector<1xf32>
      %squeeze3A_1352 = vector.extract %slice3A_1351[0] : f32 from vector<1xf32>
      %broadcast_in_dim3A_1353 = vector.broadcast %squeeze3A_1352 : f32 to vector<16xf32>
      %swap3A_1354 = arith.constant 94 : i32
      %swap3A_1355 = arith.index_cast %swap3A_1354 : i32 to index
      %swap3A_1356 = arith.constant 0 : index
      %swap3A_1357 = tpu.vector_load %arg7[%swap3A_1355, %swap3A_1356] {strides = array<i32>} : memref<128x16xf32, #tpu.memory_space<vmem>>, vector<16xf32>,
      tpu.vector_store %arg7[%swap3A_1355, %swap3A_1356], %broadcast_in_dim3A_1353 {strides = array<i32>} : memref<128x16xf32, #tpu.memory_space<vmem>>, vector<16xf32>,
      %slice3A_1358 = vector.extract_strided_slice %add3A_1252 {offsets = [15], sizes = [1], strides = [1]} : vector<16xf32> to vector<1xf32>
      %squeeze3A_1359 = vector.extract %slice3A_1358[0] : f32 from vector<1xf32>
      %broadcast_in_dim3A_1360 = vector.broadcast %squeeze3A_1359 : f32 to vector<16xf32>
      %swap3A_1361 = arith.constant 95 : i32
      %swap3A_1362 = arith.index_cast %swap3A_1361 : i32 to index
      %swap3A_1363 = arith.constant 0 : index
      %swap3A_1364 = tpu.vector_load %arg7[%swap3A_1362, %swap3A_1363] {strides = array<i32>} : memref<128x16xf32, #tpu.memory_space<vmem>>, vector<16xf32>,
      tpu.vector_store %arg7[%swap3A_1362, %swap3A_1363], %broadcast_in_dim3A_1360 {strides = array<i32>} : memref<128x16xf32, #tpu.memory_space<vmem>>, vector<16xf32>,
      %get3A_1365 = arith.constant 0 : i32
      %get3A_1366 = arith.constant 0 : i32
      %get3A_1367 = arith.index_cast %get3A_1365 : i32 to index
      %get3A_1368 = arith.index_cast %get3A_1366 : i32 to index
      %get3A_1369 = arith.constant 96 : index
      %get3A_1370 = tpu.vector_load %arg6[%get3A_1367, %get3A_1368, %get3A_1369] {strides = array<i32>} : memref<16x1x128xf32, #tpu.memory_space<vmem>>, vector<16xf32>,
      %get3A_1371 = arith.constant 1 : i32
      %get3A_1372 = arith.constant 0 : i32
      %get3A_1373 = arith.index_cast %get3A_1371 : i32 to index
      %get3A_1374 = arith.index_cast %get3A_1372 : i32 to index
      %get3A_1375 = arith.constant 96 : index
      %get3A_1376 = tpu.vector_load %arg6[%get3A_1373, %get3A_1374, %get3A_1375] {strides = array<i32>} : memref<16x1x128xf32, #tpu.memory_space<vmem>>, vector<16xf32>,
      %add3A_1377 = arith.addf %get3A_1370, %get3A_1376 : vector<16xf32>
      %get3A_1378 = arith.constant 2 : i32
      %get3A_1379 = arith.constant 0 : i32
      %get3A_1380 = arith.index_cast %get3A_1378 : i32 to index
      %get3A_1381 = arith.index_cast %get3A_1379 : i32 to index
      %get3A_1382 = arith.constant 96 : index
      %get3A_1383 = tpu.vector_load %arg6[%get3A_1380, %get3A_1381, %get3A_1382] {strides = array<i32>} : memref<16x1x128xf32, #tpu.memory_space<vmem>>, vector<16xf32>,
      %add3A_1384 = arith.addf %add3A_1377, %get3A_1383 : vector<16xf32>
      %get3A_1385 = arith.constant 3 : i32
      %get3A_1386 = arith.constant 0 : i32
      %get3A_1387 = arith.index_cast %get3A_1385 : i32 to index
      %get3A_1388 = arith.index_cast %get3A_1386 : i32 to index
      %get3A_1389 = arith.constant 96 : index
      %get3A_1390 = tpu.vector_load %arg6[%get3A_1387, %get3A_1388, %get3A_1389] {strides = array<i32>} : memref<16x1x128xf32, #tpu.memory_space<vmem>>, vector<16xf32>,
      %add3A_1391 = arith.addf %add3A_1384, %get3A_1390 : vector<16xf32>
      %get3A_1392 = arith.constant 4 : i32
      %get3A_1393 = arith.constant 0 : i32
      %get3A_1394 = arith.index_cast %get3A_1392 : i32 to index
      %get3A_1395 = arith.index_cast %get3A_1393 : i32 to index
      %get3A_1396 = arith.constant 96 : index
      %get3A_1397 = tpu.vector_load %arg6[%get3A_1394, %get3A_1395, %get3A_1396] {strides = array<i32>} : memref<16x1x128xf32, #tpu.memory_space<vmem>>, vector<16xf32>,
      %add3A_1398 = arith.addf %add3A_1391, %get3A_1397 : vector<16xf32>
      %get3A_1399 = arith.constant 5 : i32
      %get3A_1400 = arith.constant 0 : i32
      %get3A_1401 = arith.index_cast %get3A_1399 : i32 to index
      %get3A_1402 = arith.index_cast %get3A_1400 : i32 to index
      %get3A_1403 = arith.constant 96 : index
      %get3A_1404 = tpu.vector_load %arg6[%get3A_1401, %get3A_1402, %get3A_1403] {strides = array<i32>} : memref<16x1x128xf32, #tpu.memory_space<vmem>>, vector<16xf32>,
      %add3A_1405 = arith.addf %add3A_1398, %get3A_1404 : vector<16xf32>
      %get3A_1406 = arith.constant 6 : i32
      %get3A_1407 = arith.constant 0 : i32
      %get3A_1408 = arith.index_cast %get3A_1406 : i32 to index
      %get3A_1409 = arith.index_cast %get3A_1407 : i32 to index
      %get3A_1410 = arith.constant 96 : index
      %get3A_1411 = tpu.vector_load %arg6[%get3A_1408, %get3A_1409, %get3A_1410] {strides = array<i32>} : memref<16x1x128xf32, #tpu.memory_space<vmem>>, vector<16xf32>,
      %add3A_1412 = arith.addf %add3A_1405, %get3A_1411 : vector<16xf32>
      %get3A_1413 = arith.constant 7 : i32
      %get3A_1414 = arith.constant 0 : i32
      %get3A_1415 = arith.index_cast %get3A_1413 : i32 to index
      %get3A_1416 = arith.index_cast %get3A_1414 : i32 to index
      %get3A_1417 = arith.constant 96 : index
      %get3A_1418 = tpu.vector_load %arg6[%get3A_1415, %get3A_1416, %get3A_1417] {strides = array<i32>} : memref<16x1x128xf32, #tpu.memory_space<vmem>>, vector<16xf32>,
      %add3A_1419 = arith.addf %add3A_1412, %get3A_1418 : vector<16xf32>
      %get3A_1420 = arith.constant 8 : i32
      %get3A_1421 = arith.constant 0 : i32
      %get3A_1422 = arith.index_cast %get3A_1420 : i32 to index
      %get3A_1423 = arith.index_cast %get3A_1421 : i32 to index
      %get3A_1424 = arith.constant 96 : index
      %get3A_1425 = tpu.vector_load %arg6[%get3A_1422, %get3A_1423, %get3A_1424] {strides = array<i32>} : memref<16x1x128xf32, #tpu.memory_space<vmem>>, vector<16xf32>,
      %add3A_1426 = arith.addf %add3A_1419, %get3A_1425 : vector<16xf32>
      %get3A_1427 = arith.constant 9 : i32
      %get3A_1428 = arith.constant 0 : i32
      %get3A_1429 = arith.index_cast %get3A_1427 : i32 to index
      %get3A_1430 = arith.index_cast %get3A_1428 : i32 to index
      %get3A_1431 = arith.constant 96 : index
      %get3A_1432 = tpu.vector_load %arg6[%get3A_1429, %get3A_1430, %get3A_1431] {strides = array<i32>} : memref<16x1x128xf32, #tpu.memory_space<vmem>>, vector<16xf32>,
      %add3A_1433 = arith.addf %add3A_1426, %get3A_1432 : vector<16xf32>
      %get3A_1434 = arith.constant 10 : i32
      %get3A_1435 = arith.constant 0 : i32
      %get3A_1436 = arith.index_cast %get3A_1434 : i32 to index
      %get3A_1437 = arith.index_cast %get3A_1435 : i32 to index
      %get3A_1438 = arith.constant 96 : index
      %get3A_1439 = tpu.vector_load %arg6[%get3A_1436, %get3A_1437, %get3A_1438] {strides = array<i32>} : memref<16x1x128xf32, #tpu.memory_space<vmem>>, vector<16xf32>,
      %add3A_1440 = arith.addf %add3A_1433, %get3A_1439 : vector<16xf32>
      %get3A_1441 = arith.constant 11 : i32
      %get3A_1442 = arith.constant 0 : i32
      %get3A_1443 = arith.index_cast %get3A_1441 : i32 to index
      %get3A_1444 = arith.index_cast %get3A_1442 : i32 to index
      %get3A_1445 = arith.constant 96 : index
      %get3A_1446 = tpu.vector_load %arg6[%get3A_1443, %get3A_1444, %get3A_1445] {strides = array<i32>} : memref<16x1x128xf32, #tpu.memory_space<vmem>>, vector<16xf32>,
      %add3A_1447 = arith.addf %add3A_1440, %get3A_1446 : vector<16xf32>
      %get3A_1448 = arith.constant 12 : i32
      %get3A_1449 = arith.constant 0 : i32
      %get3A_1450 = arith.index_cast %get3A_1448 : i32 to index
      %get3A_1451 = arith.index_cast %get3A_1449 : i32 to index
      %get3A_1452 = arith.constant 96 : index
      %get3A_1453 = tpu.vector_load %arg6[%get3A_1450, %get3A_1451, %get3A_1452] {strides = array<i32>} : memref<16x1x128xf32, #tpu.memory_space<vmem>>, vector<16xf32>,
      %add3A_1454 = arith.addf %add3A_1447, %get3A_1453 : vector<16xf32>
      %get3A_1455 = arith.constant 13 : i32
      %get3A_1456 = arith.constant 0 : i32
      %get3A_1457 = arith.index_cast %get3A_1455 : i32 to index
      %get3A_1458 = arith.index_cast %get3A_1456 : i32 to index
      %get3A_1459 = arith.constant 96 : index
      %get3A_1460 = tpu.vector_load %arg6[%get3A_1457, %get3A_1458, %get3A_1459] {strides = array<i32>} : memref<16x1x128xf32, #tpu.memory_space<vmem>>, vector<16xf32>,
      %add3A_1461 = arith.addf %add3A_1454, %get3A_1460 : vector<16xf32>
      %get3A_1462 = arith.constant 14 : i32
      %get3A_1463 = arith.constant 0 : i32
      %get3A_1464 = arith.index_cast %get3A_1462 : i32 to index
      %get3A_1465 = arith.index_cast %get3A_1463 : i32 to index
      %get3A_1466 = arith.constant 96 : index
      %get3A_1467 = tpu.vector_load %arg6[%get3A_1464, %get3A_1465, %get3A_1466] {strides = array<i32>} : memref<16x1x128xf32, #tpu.memory_space<vmem>>, vector<16xf32>,
      %add3A_1468 = arith.addf %add3A_1461, %get3A_1467 : vector<16xf32>
      %get3A_1469 = arith.constant 15 : i32
      %get3A_1470 = arith.constant 0 : i32
      %get3A_1471 = arith.index_cast %get3A_1469 : i32 to index
      %get3A_1472 = arith.index_cast %get3A_1470 : i32 to index
      %get3A_1473 = arith.constant 96 : index
      %get3A_1474 = tpu.vector_load %arg6[%get3A_1471, %get3A_1472, %get3A_1473] {strides = array<i32>} : memref<16x1x128xf32, #tpu.memory_space<vmem>>, vector<16xf32>,
      %add3A_1475 = arith.addf %add3A_1468, %get3A_1474 : vector<16xf32>
      %slice3A_1476 = vector.extract_strided_slice %add3A_1475 {offsets = [0], sizes = [1], strides = [1]} : vector<16xf32> to vector<1xf32>
      %squeeze3A_1477 = vector.extract %slice3A_1476[0] : f32 from vector<1xf32>
      %broadcast_in_dim3A_1478 = vector.broadcast %squeeze3A_1477 : f32 to vector<16xf32>
      %swap3A_1479 = arith.constant 96 : i32
      %swap3A_1480 = arith.index_cast %swap3A_1479 : i32 to index
      %swap3A_1481 = arith.constant 0 : index
      %swap3A_1482 = tpu.vector_load %arg7[%swap3A_1480, %swap3A_1481] {strides = array<i32>} : memref<128x16xf32, #tpu.memory_space<vmem>>, vector<16xf32>,
      tpu.vector_store %arg7[%swap3A_1480, %swap3A_1481], %broadcast_in_dim3A_1478 {strides = array<i32>} : memref<128x16xf32, #tpu.memory_space<vmem>>, vector<16xf32>,
      %slice3A_1483 = vector.extract_strided_slice %add3A_1475 {offsets = [1], sizes = [1], strides = [1]} : vector<16xf32> to vector<1xf32>
      %squeeze3A_1484 = vector.extract %slice3A_1483[0] : f32 from vector<1xf32>
      %broadcast_in_dim3A_1485 = vector.broadcast %squeeze3A_1484 : f32 to vector<16xf32>
      %swap3A_1486 = arith.constant 97 : i32
      %swap3A_1487 = arith.index_cast %swap3A_1486 : i32 to index
      %swap3A_1488 = arith.constant 0 : index
      %swap3A_1489 = tpu.vector_load %arg7[%swap3A_1487, %swap3A_1488] {strides = array<i32>} : memref<128x16xf32, #tpu.memory_space<vmem>>, vector<16xf32>,
      tpu.vector_store %arg7[%swap3A_1487, %swap3A_1488], %broadcast_in_dim3A_1485 {strides = array<i32>} : memref<128x16xf32, #tpu.memory_space<vmem>>, vector<16xf32>,
      %slice3A_1490 = vector.extract_strided_slice %add3A_1475 {offsets = [2], sizes = [1], strides = [1]} : vector<16xf32> to vector<1xf32>
      %squeeze3A_1491 = vector.extract %slice3A_1490[0] : f32 from vector<1xf32>
      %broadcast_in_dim3A_1492 = vector.broadcast %squeeze3A_1491 : f32 to vector<16xf32>
      %swap3A_1493 = arith.constant 98 : i32
      %swap3A_1494 = arith.index_cast %swap3A_1493 : i32 to index
      %swap3A_1495 = arith.constant 0 : index
      %swap3A_1496 = tpu.vector_load %arg7[%swap3A_1494, %swap3A_1495] {strides = array<i32>} : memref<128x16xf32, #tpu.memory_space<vmem>>, vector<16xf32>,
      tpu.vector_store %arg7[%swap3A_1494, %swap3A_1495], %broadcast_in_dim3A_1492 {strides = array<i32>} : memref<128x16xf32, #tpu.memory_space<vmem>>, vector<16xf32>,
      %slice3A_1497 = vector.extract_strided_slice %add3A_1475 {offsets = [3], sizes = [1], strides = [1]} : vector<16xf32> to vector<1xf32>
      %squeeze3A_1498 = vector.extract %slice3A_1497[0] : f32 from vector<1xf32>
      %broadcast_in_dim3A_1499 = vector.broadcast %squeeze3A_1498 : f32 to vector<16xf32>
      %swap3A_1500 = arith.constant 99 : i32
      %swap3A_1501 = arith.index_cast %swap3A_1500 : i32 to index
      %swap3A_1502 = arith.constant 0 : index
      %swap3A_1503 = tpu.vector_load %arg7[%swap3A_1501, %swap3A_1502] {strides = array<i32>} : memref<128x16xf32, #tpu.memory_space<vmem>>, vector<16xf32>,
      tpu.vector_store %arg7[%swap3A_1501, %swap3A_1502], %broadcast_in_dim3A_1499 {strides = array<i32>} : memref<128x16xf32, #tpu.memory_space<vmem>>, vector<16xf32>,
      %slice3A_1504 = vector.extract_strided_slice %add3A_1475 {offsets = [4], sizes = [1], strides = [1]} : vector<16xf32> to vector<1xf32>
      %squeeze3A_1505 = vector.extract %slice3A_1504[0] : f32 from vector<1xf32>
      %broadcast_in_dim3A_1506 = vector.broadcast %squeeze3A_1505 : f32 to vector<16xf32>
      %swap3A_1507 = arith.constant 100 : i32
      %swap3A_1508 = arith.index_cast %swap3A_1507 : i32 to index
      %swap3A_1509 = arith.constant 0 : index
      %swap3A_1510 = tpu.vector_load %arg7[%swap3A_1508, %swap3A_1509] {strides = array<i32>} : memref<128x16xf32, #tpu.memory_space<vmem>>, vector<16xf32>,
      tpu.vector_store %arg7[%swap3A_1508, %swap3A_1509], %broadcast_in_dim3A_1506 {strides = array<i32>} : memref<128x16xf32, #tpu.memory_space<vmem>>, vector<16xf32>,
      %slice3A_1511 = vector.extract_strided_slice %add3A_1475 {offsets = [5], sizes = [1], strides = [1]} : vector<16xf32> to vector<1xf32>
      %squeeze3A_1512 = vector.extract %slice3A_1511[0] : f32 from vector<1xf32>
      %broadcast_in_dim3A_1513 = vector.broadcast %squeeze3A_1512 : f32 to vector<16xf32>
      %swap3A_1514 = arith.constant 101 : i32
      %swap3A_1515 = arith.index_cast %swap3A_1514 : i32 to index
      %swap3A_1516 = arith.constant 0 : index
      %swap3A_1517 = tpu.vector_load %arg7[%swap3A_1515, %swap3A_1516] {strides = array<i32>} : memref<128x16xf32, #tpu.memory_space<vmem>>, vector<16xf32>,
      tpu.vector_store %arg7[%swap3A_1515, %swap3A_1516], %broadcast_in_dim3A_1513 {strides = array<i32>} : memref<128x16xf32, #tpu.memory_space<vmem>>, vector<16xf32>,
      %slice3A_1518 = vector.extract_strided_slice %add3A_1475 {offsets = [6], sizes = [1], strides = [1]} : vector<16xf32> to vector<1xf32>
      %squeeze3A_1519 = vector.extract %slice3A_1518[0] : f32 from vector<1xf32>
      %broadcast_in_dim3A_1520 = vector.broadcast %squeeze3A_1519 : f32 to vector<16xf32>
      %swap3A_1521 = arith.constant 102 : i32
      %swap3A_1522 = arith.index_cast %swap3A_1521 : i32 to index
      %swap3A_1523 = arith.constant 0 : index
      %swap3A_1524 = tpu.vector_load %arg7[%swap3A_1522, %swap3A_1523] {strides = array<i32>} : memref<128x16xf32, #tpu.memory_space<vmem>>, vector<16xf32>,
      tpu.vector_store %arg7[%swap3A_1522, %swap3A_1523], %broadcast_in_dim3A_1520 {strides = array<i32>} : memref<128x16xf32, #tpu.memory_space<vmem>>, vector<16xf32>,
      %slice3A_1525 = vector.extract_strided_slice %add3A_1475 {offsets = [7], sizes = [1], strides = [1]} : vector<16xf32> to vector<1xf32>
      %squeeze3A_1526 = vector.extract %slice3A_1525[0] : f32 from vector<1xf32>
      %broadcast_in_dim3A_1527 = vector.broadcast %squeeze3A_1526 : f32 to vector<16xf32>
      %swap3A_1528 = arith.constant 103 : i32
      %swap3A_1529 = arith.index_cast %swap3A_1528 : i32 to index
      %swap3A_1530 = arith.constant 0 : index
      %swap3A_1531 = tpu.vector_load %arg7[%swap3A_1529, %swap3A_1530] {strides = array<i32>} : memref<128x16xf32, #tpu.memory_space<vmem>>, vector<16xf32>,
      tpu.vector_store %arg7[%swap3A_1529, %swap3A_1530], %broadcast_in_dim3A_1527 {strides = array<i32>} : memref<128x16xf32, #tpu.memory_space<vmem>>, vector<16xf32>,
      %slice3A_1532 = vector.extract_strided_slice %add3A_1475 {offsets = [8], sizes = [1], strides = [1]} : vector<16xf32> to vector<1xf32>
      %squeeze3A_1533 = vector.extract %slice3A_1532[0] : f32 from vector<1xf32>
      %broadcast_in_dim3A_1534 = vector.broadcast %squeeze3A_1533 : f32 to vector<16xf32>
      %swap3A_1535 = arith.constant 104 : i32
      %swap3A_1536 = arith.index_cast %swap3A_1535 : i32 to index
      %swap3A_1537 = arith.constant 0 : index
      %swap3A_1538 = tpu.vector_load %arg7[%swap3A_1536, %swap3A_1537] {strides = array<i32>} : memref<128x16xf32, #tpu.memory_space<vmem>>, vector<16xf32>,
      tpu.vector_store %arg7[%swap3A_1536, %swap3A_1537], %broadcast_in_dim3A_1534 {strides = array<i32>} : memref<128x16xf32, #tpu.memory_space<vmem>>, vector<16xf32>,
      %slice3A_1539 = vector.extract_strided_slice %add3A_1475 {offsets = [9], sizes = [1], strides = [1]} : vector<16xf32> to vector<1xf32>
      %squeeze3A_1540 = vector.extract %slice3A_1539[0] : f32 from vector<1xf32>
      %broadcast_in_dim3A_1541 = vector.broadcast %squeeze3A_1540 : f32 to vector<16xf32>
      %swap3A_1542 = arith.constant 105 : i32
      %swap3A_1543 = arith.index_cast %swap3A_1542 : i32 to index
      %swap3A_1544 = arith.constant 0 : index
      %swap3A_1545 = tpu.vector_load %arg7[%swap3A_1543, %swap3A_1544] {strides = array<i32>} : memref<128x16xf32, #tpu.memory_space<vmem>>, vector<16xf32>,
      tpu.vector_store %arg7[%swap3A_1543, %swap3A_1544], %broadcast_in_dim3A_1541 {strides = array<i32>} : memref<128x16xf32, #tpu.memory_space<vmem>>, vector<16xf32>,
      %slice3A_1546 = vector.extract_strided_slice %add3A_1475 {offsets = [10], sizes = [1], strides = [1]} : vector<16xf32> to vector<1xf32>
      %squeeze3A_1547 = vector.extract %slice3A_1546[0] : f32 from vector<1xf32>
      %broadcast_in_dim3A_1548 = vector.broadcast %squeeze3A_1547 : f32 to vector<16xf32>
      %swap3A_1549 = arith.constant 106 : i32
      %swap3A_1550 = arith.index_cast %swap3A_1549 : i32 to index
      %swap3A_1551 = arith.constant 0 : index
      %swap3A_1552 = tpu.vector_load %arg7[%swap3A_1550, %swap3A_1551] {strides = array<i32>} : memref<128x16xf32, #tpu.memory_space<vmem>>, vector<16xf32>,
      tpu.vector_store %arg7[%swap3A_1550, %swap3A_1551], %broadcast_in_dim3A_1548 {strides = array<i32>} : memref<128x16xf32, #tpu.memory_space<vmem>>, vector<16xf32>,
      %slice3A_1553 = vector.extract_strided_slice %add3A_1475 {offsets = [11], sizes = [1], strides = [1]} : vector<16xf32> to vector<1xf32>
      %squeeze3A_1554 = vector.extract %slice3A_1553[0] : f32 from vector<1xf32>
      %broadcast_in_dim3A_1555 = vector.broadcast %squeeze3A_1554 : f32 to vector<16xf32>
      %swap3A_1556 = arith.constant 107 : i32
      %swap3A_1557 = arith.index_cast %swap3A_1556 : i32 to index
      %swap3A_1558 = arith.constant 0 : index
      %swap3A_1559 = tpu.vector_load %arg7[%swap3A_1557, %swap3A_1558] {strides = array<i32>} : memref<128x16xf32, #tpu.memory_space<vmem>>, vector<16xf32>,
      tpu.vector_store %arg7[%swap3A_1557, %swap3A_1558], %broadcast_in_dim3A_1555 {strides = array<i32>} : memref<128x16xf32, #tpu.memory_space<vmem>>, vector<16xf32>,
      %slice3A_1560 = vector.extract_strided_slice %add3A_1475 {offsets = [12], sizes = [1], strides = [1]} : vector<16xf32> to vector<1xf32>
      %squeeze3A_1561 = vector.extract %slice3A_1560[0] : f32 from vector<1xf32>
      %broadcast_in_dim3A_1562 = vector.broadcast %squeeze3A_1561 : f32 to vector<16xf32>
      %swap3A_1563 = arith.constant 108 : i32
      %swap3A_1564 = arith.index_cast %swap3A_1563 : i32 to index
      %swap3A_1565 = arith.constant 0 : index
      %swap3A_1566 = tpu.vector_load %arg7[%swap3A_1564, %swap3A_1565] {strides = array<i32>} : memref<128x16xf32, #tpu.memory_space<vmem>>, vector<16xf32>,
      tpu.vector_store %arg7[%swap3A_1564, %swap3A_1565], %broadcast_in_dim3A_1562 {strides = array<i32>} : memref<128x16xf32, #tpu.memory_space<vmem>>, vector<16xf32>,
      %slice3A_1567 = vector.extract_strided_slice %add3A_1475 {offsets = [13], sizes = [1], strides = [1]} : vector<16xf32> to vector<1xf32>
      %squeeze3A_1568 = vector.extract %slice3A_1567[0] : f32 from vector<1xf32>
      %broadcast_in_dim3A_1569 = vector.broadcast %squeeze3A_1568 : f32 to vector<16xf32>
      %swap3A_1570 = arith.constant 109 : i32
      %swap3A_1571 = arith.index_cast %swap3A_1570 : i32 to index
      %swap3A_1572 = arith.constant 0 : index
      %swap3A_1573 = tpu.vector_load %arg7[%swap3A_1571, %swap3A_1572] {strides = array<i32>} : memref<128x16xf32, #tpu.memory_space<vmem>>, vector<16xf32>,
      tpu.vector_store %arg7[%swap3A_1571, %swap3A_1572], %broadcast_in_dim3A_1569 {strides = array<i32>} : memref<128x16xf32, #tpu.memory_space<vmem>>, vector<16xf32>,
      %slice3A_1574 = vector.extract_strided_slice %add3A_1475 {offsets = [14], sizes = [1], strides = [1]} : vector<16xf32> to vector<1xf32>
      %squeeze3A_1575 = vector.extract %slice3A_1574[0] : f32 from vector<1xf32>
      %broadcast_in_dim3A_1576 = vector.broadcast %squeeze3A_1575 : f32 to vector<16xf32>
      %swap3A_1577 = arith.constant 110 : i32
      %swap3A_1578 = arith.index_cast %swap3A_1577 : i32 to index
      %swap3A_1579 = arith.constant 0 : index
      %swap3A_1580 = tpu.vector_load %arg7[%swap3A_1578, %swap3A_1579] {strides = array<i32>} : memref<128x16xf32, #tpu.memory_space<vmem>>, vector<16xf32>,
      tpu.vector_store %arg7[%swap3A_1578, %swap3A_1579], %broadcast_in_dim3A_1576 {strides = array<i32>} : memref<128x16xf32, #tpu.memory_space<vmem>>, vector<16xf32>,
      %slice3A_1581 = vector.extract_strided_slice %add3A_1475 {offsets = [15], sizes = [1], strides = [1]} : vector<16xf32> to vector<1xf32>
      %squeeze3A_1582 = vector.extract %slice3A_1581[0] : f32 from vector<1xf32>
      %broadcast_in_dim3A_1583 = vector.broadcast %squeeze3A_1582 : f32 to vector<16xf32>
      %swap3A_1584 = arith.constant 111 : i32
      %swap3A_1585 = arith.index_cast %swap3A_1584 : i32 to index
      %swap3A_1586 = arith.constant 0 : index
      %swap3A_1587 = tpu.vector_load %arg7[%swap3A_1585, %swap3A_1586] {strides = array<i32>} : memref<128x16xf32, #tpu.memory_space<vmem>>, vector<16xf32>,
      tpu.vector_store %arg7[%swap3A_1585, %swap3A_1586], %broadcast_in_dim3A_1583 {strides = array<i32>} : memref<128x16xf32, #tpu.memory_space<vmem>>, vector<16xf32>,
      %get3A_1588 = arith.constant 0 : i32
      %get3A_1589 = arith.constant 0 : i32
      %get3A_1590 = arith.index_cast %get3A_1588 : i32 to index
      %get3A_1591 = arith.index_cast %get3A_1589 : i32 to index
      %get3A_1592 = arith.constant 112 : index
      %get3A_1593 = tpu.vector_load %arg6[%get3A_1590, %get3A_1591, %get3A_1592] {strides = array<i32>} : memref<16x1x128xf32, #tpu.memory_space<vmem>>, vector<16xf32>,
      %get3A_1594 = arith.constant 1 : i32
      %get3A_1595 = arith.constant 0 : i32
      %get3A_1596 = arith.index_cast %get3A_1594 : i32 to index
      %get3A_1597 = arith.index_cast %get3A_1595 : i32 to index
      %get3A_1598 = arith.constant 112 : index
      %get3A_1599 = tpu.vector_load %arg6[%get3A_1596, %get3A_1597, %get3A_1598] {strides = array<i32>} : memref<16x1x128xf32, #tpu.memory_space<vmem>>, vector<16xf32>,
      %add3A_1600 = arith.addf %get3A_1593, %get3A_1599 : vector<16xf32>
      %get3A_1601 = arith.constant 2 : i32
      %get3A_1602 = arith.constant 0 : i32
      %get3A_1603 = arith.index_cast %get3A_1601 : i32 to index
      %get3A_1604 = arith.index_cast %get3A_1602 : i32 to index
      %get3A_1605 = arith.constant 112 : index
      %get3A_1606 = tpu.vector_load %arg6[%get3A_1603, %get3A_1604, %get3A_1605] {strides = array<i32>} : memref<16x1x128xf32, #tpu.memory_space<vmem>>, vector<16xf32>,
      %add3A_1607 = arith.addf %add3A_1600, %get3A_1606 : vector<16xf32>
      %get3A_1608 = arith.constant 3 : i32
      %get3A_1609 = arith.constant 0 : i32
      %get3A_1610 = arith.index_cast %get3A_1608 : i32 to index
      %get3A_1611 = arith.index_cast %get3A_1609 : i32 to index
      %get3A_1612 = arith.constant 112 : index
      %get3A_1613 = tpu.vector_load %arg6[%get3A_1610, %get3A_1611, %get3A_1612] {strides = array<i32>} : memref<16x1x128xf32, #tpu.memory_space<vmem>>, vector<16xf32>,
      %add3A_1614 = arith.addf %add3A_1607, %get3A_1613 : vector<16xf32>
      %get3A_1615 = arith.constant 4 : i32
      %get3A_1616 = arith.constant 0 : i32
      %get3A_1617 = arith.index_cast %get3A_1615 : i32 to index
      %get3A_1618 = arith.index_cast %get3A_1616 : i32 to index
      %get3A_1619 = arith.constant 112 : index
      %get3A_1620 = tpu.vector_load %arg6[%get3A_1617, %get3A_1618, %get3A_1619] {strides = array<i32>} : memref<16x1x128xf32, #tpu.memory_space<vmem>>, vector<16xf32>,
      %add3A_1621 = arith.addf %add3A_1614, %get3A_1620 : vector<16xf32>
      %get3A_1622 = arith.constant 5 : i32
      %get3A_1623 = arith.constant 0 : i32
      %get3A_1624 = arith.index_cast %get3A_1622 : i32 to index
      %get3A_1625 = arith.index_cast %get3A_1623 : i32 to index
      %get3A_1626 = arith.constant 112 : index
      %get3A_1627 = tpu.vector_load %arg6[%get3A_1624, %get3A_1625, %get3A_1626] {strides = array<i32>} : memref<16x1x128xf32, #tpu.memory_space<vmem>>, vector<16xf32>,
      %add3A_1628 = arith.addf %add3A_1621, %get3A_1627 : vector<16xf32>
      %get3A_1629 = arith.constant 6 : i32
      %get3A_1630 = arith.constant 0 : i32
      %get3A_1631 = arith.index_cast %get3A_1629 : i32 to index
      %get3A_1632 = arith.index_cast %get3A_1630 : i32 to index
      %get3A_1633 = arith.constant 112 : index
      %get3A_1634 = tpu.vector_load %arg6[%get3A_1631, %get3A_1632, %get3A_1633] {strides = array<i32>} : memref<16x1x128xf32, #tpu.memory_space<vmem>>, vector<16xf32>,
      %add3A_1635 = arith.addf %add3A_1628, %get3A_1634 : vector<16xf32>
      %get3A_1636 = arith.constant 7 : i32
      %get3A_1637 = arith.constant 0 : i32
      %get3A_1638 = arith.index_cast %get3A_1636 : i32 to index
      %get3A_1639 = arith.index_cast %get3A_1637 : i32 to index
      %get3A_1640 = arith.constant 112 : index
      %get3A_1641 = tpu.vector_load %arg6[%get3A_1638, %get3A_1639, %get3A_1640] {strides = array<i32>} : memref<16x1x128xf32, #tpu.memory_space<vmem>>, vector<16xf32>,
      %add3A_1642 = arith.addf %add3A_1635, %get3A_1641 : vector<16xf32>
      %get3A_1643 = arith.constant 8 : i32
      %get3A_1644 = arith.constant 0 : i32
      %get3A_1645 = arith.index_cast %get3A_1643 : i32 to index
      %get3A_1646 = arith.index_cast %get3A_1644 : i32 to index
      %get3A_1647 = arith.constant 112 : index
      %get3A_1648 = tpu.vector_load %arg6[%get3A_1645, %get3A_1646, %get3A_1647] {strides = array<i32>} : memref<16x1x128xf32, #tpu.memory_space<vmem>>, vector<16xf32>,
      %add3A_1649 = arith.addf %add3A_1642, %get3A_1648 : vector<16xf32>
      %get3A_1650 = arith.constant 9 : i32
      %get3A_1651 = arith.constant 0 : i32
      %get3A_1652 = arith.index_cast %get3A_1650 : i32 to index
      %get3A_1653 = arith.index_cast %get3A_1651 : i32 to index
      %get3A_1654 = arith.constant 112 : index
      %get3A_1655 = tpu.vector_load %arg6[%get3A_1652, %get3A_1653, %get3A_1654] {strides = array<i32>} : memref<16x1x128xf32, #tpu.memory_space<vmem>>, vector<16xf32>,
      %add3A_1656 = arith.addf %add3A_1649, %get3A_1655 : vector<16xf32>
      %get3A_1657 = arith.constant 10 : i32
      %get3A_1658 = arith.constant 0 : i32
      %get3A_1659 = arith.index_cast %get3A_1657 : i32 to index
      %get3A_1660 = arith.index_cast %get3A_1658 : i32 to index
      %get3A_1661 = arith.constant 112 : index
      %get3A_1662 = tpu.vector_load %arg6[%get3A_1659, %get3A_1660, %get3A_1661] {strides = array<i32>} : memref<16x1x128xf32, #tpu.memory_space<vmem>>, vector<16xf32>,
      %add3A_1663 = arith.addf %add3A_1656, %get3A_1662 : vector<16xf32>
      %get3A_1664 = arith.constant 11 : i32
      %get3A_1665 = arith.constant 0 : i32
      %get3A_1666 = arith.index_cast %get3A_1664 : i32 to index
      %get3A_1667 = arith.index_cast %get3A_1665 : i32 to index
      %get3A_1668 = arith.constant 112 : index
      %get3A_1669 = tpu.vector_load %arg6[%get3A_1666, %get3A_1667, %get3A_1668] {strides = array<i32>} : memref<16x1x128xf32, #tpu.memory_space<vmem>>, vector<16xf32>,
      %add3A_1670 = arith.addf %add3A_1663, %get3A_1669 : vector<16xf32>
      %get3A_1671 = arith.constant 12 : i32
      %get3A_1672 = arith.constant 0 : i32
      %get3A_1673 = arith.index_cast %get3A_1671 : i32 to index
      %get3A_1674 = arith.index_cast %get3A_1672 : i32 to index
      %get3A_1675 = arith.constant 112 : index
      %get3A_1676 = tpu.vector_load %arg6[%get3A_1673, %get3A_1674, %get3A_1675] {strides = array<i32>} : memref<16x1x128xf32, #tpu.memory_space<vmem>>, vector<16xf32>,
      %add3A_1677 = arith.addf %add3A_1670, %get3A_1676 : vector<16xf32>
      %get3A_1678 = arith.constant 13 : i32
      %get3A_1679 = arith.constant 0 : i32
      %get3A_1680 = arith.index_cast %get3A_1678 : i32 to index
      %get3A_1681 = arith.index_cast %get3A_1679 : i32 to index
      %get3A_1682 = arith.constant 112 : index
      %get3A_1683 = tpu.vector_load %arg6[%get3A_1680, %get3A_1681, %get3A_1682] {strides = array<i32>} : memref<16x1x128xf32, #tpu.memory_space<vmem>>, vector<16xf32>,
      %add3A_1684 = arith.addf %add3A_1677, %get3A_1683 : vector<16xf32>
      %get3A_1685 = arith.constant 14 : i32
      %get3A_1686 = arith.constant 0 : i32
      %get3A_1687 = arith.index_cast %get3A_1685 : i32 to index
      %get3A_1688 = arith.index_cast %get3A_1686 : i32 to index
      %get3A_1689 = arith.constant 112 : index
      %get3A_1690 = tpu.vector_load %arg6[%get3A_1687, %get3A_1688, %get3A_1689] {strides = array<i32>} : memref<16x1x128xf32, #tpu.memory_space<vmem>>, vector<16xf32>,
      %add3A_1691 = arith.addf %add3A_1684, %get3A_1690 : vector<16xf32>
      %get3A_1692 = arith.constant 15 : i32
      %get3A_1693 = arith.constant 0 : i32
      %get3A_1694 = arith.index_cast %get3A_1692 : i32 to index
      %get3A_1695 = arith.index_cast %get3A_1693 : i32 to index
      %get3A_1696 = arith.constant 112 : index
      %get3A_1697 = tpu.vector_load %arg6[%get3A_1694, %get3A_1695, %get3A_1696] {strides = array<i32>} : memref<16x1x128xf32, #tpu.memory_space<vmem>>, vector<16xf32>,
      %add3A_1698 = arith.addf %add3A_1691, %get3A_1697 : vector<16xf32>
      %slice3A_1699 = vector.extract_strided_slice %add3A_1698 {offsets = [0], sizes = [1], strides = [1]} : vector<16xf32> to vector<1xf32>
      %squeeze3A_1700 = vector.extract %slice3A_1699[0] : f32 from vector<1xf32>
      %broadcast_in_dim3A_1701 = vector.broadcast %squeeze3A_1700 : f32 to vector<16xf32>
      %swap3A_1702 = arith.constant 112 : i32
      %swap3A_1703 = arith.index_cast %swap3A_1702 : i32 to index
      %swap3A_1704 = arith.constant 0 : index
      %swap3A_1705 = tpu.vector_load %arg7[%swap3A_1703, %swap3A_1704] {strides = array<i32>} : memref<128x16xf32, #tpu.memory_space<vmem>>, vector<16xf32>,
      tpu.vector_store %arg7[%swap3A_1703, %swap3A_1704], %broadcast_in_dim3A_1701 {strides = array<i32>} : memref<128x16xf32, #tpu.memory_space<vmem>>, vector<16xf32>,
      %slice3A_1706 = vector.extract_strided_slice %add3A_1698 {offsets = [1], sizes = [1], strides = [1]} : vector<16xf32> to vector<1xf32>
      %squeeze3A_1707 = vector.extract %slice3A_1706[0] : f32 from vector<1xf32>
      %broadcast_in_dim3A_1708 = vector.broadcast %squeeze3A_1707 : f32 to vector<16xf32>
      %swap3A_1709 = arith.constant 113 : i32
      %swap3A_1710 = arith.index_cast %swap3A_1709 : i32 to index
      %swap3A_1711 = arith.constant 0 : index
      %swap3A_1712 = tpu.vector_load %arg7[%swap3A_1710, %swap3A_1711] {strides = array<i32>} : memref<128x16xf32, #tpu.memory_space<vmem>>, vector<16xf32>,
      tpu.vector_store %arg7[%swap3A_1710, %swap3A_1711], %broadcast_in_dim3A_1708 {strides = array<i32>} : memref<128x16xf32, #tpu.memory_space<vmem>>, vector<16xf32>,
      %slice3A_1713 = vector.extract_strided_slice %add3A_1698 {offsets = [2], sizes = [1], strides = [1]} : vector<16xf32> to vector<1xf32>
      %squeeze3A_1714 = vector.extract %slice3A_1713[0] : f32 from vector<1xf32>
      %broadcast_in_dim3A_1715 = vector.broadcast %squeeze3A_1714 : f32 to vector<16xf32>
      %swap3A_1716 = arith.constant 114 : i32
      %swap3A_1717 = arith.index_cast %swap3A_1716 : i32 to index
      %swap3A_1718 = arith.constant 0 : index
      %swap3A_1719 = tpu.vector_load %arg7[%swap3A_1717, %swap3A_1718] {strides = array<i32>} : memref<128x16xf32, #tpu.memory_space<vmem>>, vector<16xf32>,
      tpu.vector_store %arg7[%swap3A_1717, %swap3A_1718], %broadcast_in_dim3A_1715 {strides = array<i32>} : memref<128x16xf32, #tpu.memory_space<vmem>>, vector<16xf32>,
      %slice3A_1720 = vector.extract_strided_slice %add3A_1698 {offsets = [3], sizes = [1], strides = [1]} : vector<16xf32> to vector<1xf32>
      %squeeze3A_1721 = vector.extract %slice3A_1720[0] : f32 from vector<1xf32>
      %broadcast_in_dim3A_1722 = vector.broadcast %squeeze3A_1721 : f32 to vector<16xf32>
      %swap3A_1723 = arith.constant 115 : i32
      %swap3A_1724 = arith.index_cast %swap3A_1723 : i32 to index
      %swap3A_1725 = arith.constant 0 : index
      %swap3A_1726 = tpu.vector_load %arg7[%swap3A_1724, %swap3A_1725] {strides = array<i32>} : memref<128x16xf32, #tpu.memory_space<vmem>>, vector<16xf32>,
      tpu.vector_store %arg7[%swap3A_1724, %swap3A_1725], %broadcast_in_dim3A_1722 {strides = array<i32>} : memref<128x16xf32, #tpu.memory_space<vmem>>, vector<16xf32>,
      %slice3A_1727 = vector.extract_strided_slice %add3A_1698 {offsets = [4], sizes = [1], strides = [1]} : vector<16xf32> to vector<1xf32>
      %squeeze3A_1728 = vector.extract %slice3A_1727[0] : f32 from vector<1xf32>
      %broadcast_in_dim3A_1729 = vector.broadcast %squeeze3A_1728 : f32 to vector<16xf32>
      %swap3A_1730 = arith.constant 116 : i32
      %swap3A_1731 = arith.index_cast %swap3A_1730 : i32 to index
      %swap3A_1732 = arith.constant 0 : index
      %swap3A_1733 = tpu.vector_load %arg7[%swap3A_1731, %swap3A_1732] {strides = array<i32>} : memref<128x16xf32, #tpu.memory_space<vmem>>, vector<16xf32>,
      tpu.vector_store %arg7[%swap3A_1731, %swap3A_1732], %broadcast_in_dim3A_1729 {strides = array<i32>} : memref<128x16xf32, #tpu.memory_space<vmem>>, vector<16xf32>,
      %slice3A_1734 = vector.extract_strided_slice %add3A_1698 {offsets = [5], sizes = [1], strides = [1]} : vector<16xf32> to vector<1xf32>
      %squeeze3A_1735 = vector.extract %slice3A_1734[0] : f32 from vector<1xf32>
      %broadcast_in_dim3A_1736 = vector.broadcast %squeeze3A_1735 : f32 to vector<16xf32>
      %swap3A_1737 = arith.constant 117 : i32
      %swap3A_1738 = arith.index_cast %swap3A_1737 : i32 to index
      %swap3A_1739 = arith.constant 0 : index
      %swap3A_1740 = tpu.vector_load %arg7[%swap3A_1738, %swap3A_1739] {strides = array<i32>} : memref<128x16xf32, #tpu.memory_space<vmem>>, vector<16xf32>,
      tpu.vector_store %arg7[%swap3A_1738, %swap3A_1739], %broadcast_in_dim3A_1736 {strides = array<i32>} : memref<128x16xf32, #tpu.memory_space<vmem>>, vector<16xf32>,
      %slice3A_1741 = vector.extract_strided_slice %add3A_1698 {offsets = [6], sizes = [1], strides = [1]} : vector<16xf32> to vector<1xf32>
      %squeeze3A_1742 = vector.extract %slice3A_1741[0] : f32 from vector<1xf32>
      %broadcast_in_dim3A_1743 = vector.broadcast %squeeze3A_1742 : f32 to vector<16xf32>
      %swap3A_1744 = arith.constant 118 : i32
      %swap3A_1745 = arith.index_cast %swap3A_1744 : i32 to index
      %swap3A_1746 = arith.constant 0 : index
      %swap3A_1747 = tpu.vector_load %arg7[%swap3A_1745, %swap3A_1746] {strides = array<i32>} : memref<128x16xf32, #tpu.memory_space<vmem>>, vector<16xf32>,
      tpu.vector_store %arg7[%swap3A_1745, %swap3A_1746], %broadcast_in_dim3A_1743 {strides = array<i32>} : memref<128x16xf32, #tpu.memory_space<vmem>>, vector<16xf32>,
      %slice3A_1748 = vector.extract_strided_slice %add3A_1698 {offsets = [7], sizes = [1], strides = [1]} : vector<16xf32> to vector<1xf32>
      %squeeze3A_1749 = vector.extract %slice3A_1748[0] : f32 from vector<1xf32>
      %broadcast_in_dim3A_1750 = vector.broadcast %squeeze3A_1749 : f32 to vector<16xf32>
      %swap3A_1751 = arith.constant 119 : i32
      %swap3A_1752 = arith.index_cast %swap3A_1751 : i32 to index
      %swap3A_1753 = arith.constant 0 : index
      %swap3A_1754 = tpu.vector_load %arg7[%swap3A_1752, %swap3A_1753] {strides = array<i32>} : memref<128x16xf32, #tpu.memory_space<vmem>>, vector<16xf32>,
      tpu.vector_store %arg7[%swap3A_1752, %swap3A_1753], %broadcast_in_dim3A_1750 {strides = array<i32>} : memref<128x16xf32, #tpu.memory_space<vmem>>, vector<16xf32>,
      %slice3A_1755 = vector.extract_strided_slice %add3A_1698 {offsets = [8], sizes = [1], strides = [1]} : vector<16xf32> to vector<1xf32>
      %squeeze3A_1756 = vector.extract %slice3A_1755[0] : f32 from vector<1xf32>
      %broadcast_in_dim3A_1757 = vector.broadcast %squeeze3A_1756 : f32 to vector<16xf32>
      %swap3A_1758 = arith.constant 120 : i32
      %swap3A_1759 = arith.index_cast %swap3A_1758 : i32 to index
      %swap3A_1760 = arith.constant 0 : index
      %swap3A_1761 = tpu.vector_load %arg7[%swap3A_1759, %swap3A_1760] {strides = array<i32>} : memref<128x16xf32, #tpu.memory_space<vmem>>, vector<16xf32>,
      tpu.vector_store %arg7[%swap3A_1759, %swap3A_1760], %broadcast_in_dim3A_1757 {strides = array<i32>} : memref<128x16xf32, #tpu.memory_space<vmem>>, vector<16xf32>,
      %slice3A_1762 = vector.extract_strided_slice %add3A_1698 {offsets = [9], sizes = [1], strides = [1]} : vector<16xf32> to vector<1xf32>
      %squeeze3A_1763 = vector.extract %slice3A_1762[0] : f32 from vector<1xf32>
      %broadcast_in_dim3A_1764 = vector.broadcast %squeeze3A_1763 : f32 to vector<16xf32>
      %swap3A_1765 = arith.constant 121 : i32
      %swap3A_1766 = arith.index_cast %swap3A_1765 : i32 to index
      %swap3A_1767 = arith.constant 0 : index
      %swap3A_1768 = tpu.vector_load %arg7[%swap3A_1766, %swap3A_1767] {strides = array<i32>} : memref<128x16xf32, #tpu.memory_space<vmem>>, vector<16xf32>,
      tpu.vector_store %arg7[%swap3A_1766, %swap3A_1767], %broadcast_in_dim3A_1764 {strides = array<i32>} : memref<128x16xf32, #tpu.memory_space<vmem>>, vector<16xf32>,
      %slice3A_1769 = vector.extract_strided_slice %add3A_1698 {offsets = [10], sizes = [1], strides = [1]} : vector<16xf32> to vector<1xf32>
      %squeeze3A_1770 = vector.extract %slice3A_1769[0] : f32 from vector<1xf32>
      %broadcast_in_dim3A_1771 = vector.broadcast %squeeze3A_1770 : f32 to vector<16xf32>
      %swap3A_1772 = arith.constant 122 : i32
      %swap3A_1773 = arith.index_cast %swap3A_1772 : i32 to index
      %swap3A_1774 = arith.constant 0 : index
      %swap3A_1775 = tpu.vector_load %arg7[%swap3A_1773, %swap3A_1774] {strides = array<i32>} : memref<128x16xf32, #tpu.memory_space<vmem>>, vector<16xf32>,
      tpu.vector_store %arg7[%swap3A_1773, %swap3A_1774], %broadcast_in_dim3A_1771 {strides = array<i32>} : memref<128x16xf32, #tpu.memory_space<vmem>>, vector<16xf32>,
      %slice3A_1776 = vector.extract_strided_slice %add3A_1698 {offsets = [11], sizes = [1], strides = [1]} : vector<16xf32> to vector<1xf32>
      %squeeze3A_1777 = vector.extract %slice3A_1776[0] : f32 from vector<1xf32>
      %broadcast_in_dim3A_1778 = vector.broadcast %squeeze3A_1777 : f32 to vector<16xf32>
      %swap3A_1779 = arith.constant 123 : i32
      %swap3A_1780 = arith.index_cast %swap3A_1779 : i32 to index
      %swap3A_1781 = arith.constant 0 : index
      %swap3A_1782 = tpu.vector_load %arg7[%swap3A_1780, %swap3A_1781] {strides = array<i32>} : memref<128x16xf32, #tpu.memory_space<vmem>>, vector<16xf32>,
      tpu.vector_store %arg7[%swap3A_1780, %swap3A_1781], %broadcast_in_dim3A_1778 {strides = array<i32>} : memref<128x16xf32, #tpu.memory_space<vmem>>, vector<16xf32>,
      %slice3A_1783 = vector.extract_strided_slice %add3A_1698 {offsets = [12], sizes = [1], strides = [1]} : vector<16xf32> to vector<1xf32>
      %squeeze3A_1784 = vector.extract %slice3A_1783[0] : f32 from vector<1xf32>
      %broadcast_in_dim3A_1785 = vector.broadcast %squeeze3A_1784 : f32 to vector<16xf32>
      %swap3A_1786 = arith.constant 124 : i32
      %swap3A_1787 = arith.index_cast %swap3A_1786 : i32 to index
      %swap3A_1788 = arith.constant 0 : index
      %swap3A_1789 = tpu.vector_load %arg7[%swap3A_1787, %swap3A_1788] {strides = array<i32>} : memref<128x16xf32, #tpu.memory_space<vmem>>, vector<16xf32>,
      tpu.vector_store %arg7[%swap3A_1787, %swap3A_1788], %broadcast_in_dim3A_1785 {strides = array<i32>} : memref<128x16xf32, #tpu.memory_space<vmem>>, vector<16xf32>,
      %slice3A_1790 = vector.extract_strided_slice %add3A_1698 {offsets = [13], sizes = [1], strides = [1]} : vector<16xf32> to vector<1xf32>
      %squeeze3A_1791 = vector.extract %slice3A_1790[0] : f32 from vector<1xf32>
      %broadcast_in_dim3A_1792 = vector.broadcast %squeeze3A_1791 : f32 to vector<16xf32>
      %swap3A_1793 = arith.constant 125 : i32
      %swap3A_1794 = arith.index_cast %swap3A_1793 : i32 to index
      %swap3A_1795 = arith.constant 0 : index
      %swap3A_1796 = tpu.vector_load %arg7[%swap3A_1794, %swap3A_1795] {strides = array<i32>} : memref<128x16xf32, #tpu.memory_space<vmem>>, vector<16xf32>,
      tpu.vector_store %arg7[%swap3A_1794, %swap3A_1795], %broadcast_in_dim3A_1792 {strides = array<i32>} : memref<128x16xf32, #tpu.memory_space<vmem>>, vector<16xf32>,
      %slice3A_1797 = vector.extract_strided_slice %add3A_1698 {offsets = [14], sizes = [1], strides = [1]} : vector<16xf32> to vector<1xf32>
      %squeeze3A_1798 = vector.extract %slice3A_1797[0] : f32 from vector<1xf32>
      %broadcast_in_dim3A_1799 = vector.broadcast %squeeze3A_1798 : f32 to vector<16xf32>
      %swap3A_1800 = arith.constant 126 : i32
      %swap3A_1801 = arith.index_cast %swap3A_1800 : i32 to index
      %swap3A_1802 = arith.constant 0 : index
      %swap3A_1803 = tpu.vector_load %arg7[%swap3A_1801, %swap3A_1802] {strides = array<i32>} : memref<128x16xf32, #tpu.memory_space<vmem>>, vector<16xf32>,
      tpu.vector_store %arg7[%swap3A_1801, %swap3A_1802], %broadcast_in_dim3A_1799 {strides = array<i32>} : memref<128x16xf32, #tpu.memory_space<vmem>>, vector<16xf32>,
      %slice3A_1804 = vector.extract_strided_slice %add3A_1698 {offsets = [15], sizes = [1], strides = [1]} : vector<16xf32> to vector<1xf32>
      %squeeze3A_1805 = vector.extract %slice3A_1804[0] : f32 from vector<1xf32>
      %broadcast_in_dim3A_1806 = vector.broadcast %squeeze3A_1805 : f32 to vector<16xf32>
      %swap3A_1807 = arith.constant 127 : i32
      %swap3A_1808 = arith.index_cast %swap3A_1807 : i32 to index
      %swap3A_1809 = arith.constant 0 : index
      %swap3A_1810 = tpu.vector_load %arg7[%swap3A_1808, %swap3A_1809] {strides = array<i32>} : memref<128x16xf32, #tpu.memory_space<vmem>>, vector<16xf32>,
      tpu.vector_store %arg7[%swap3A_1808, %swap3A_1809], %broadcast_in_dim3A_1806 {strides = array<i32>} : memref<128x16xf32, #tpu.memory_space<vmem>>, vector<16xf32>,
      %mul3A_1811 = arith.constant 128 : i32
      %mul3A_1812 = arith.muli %add3A_28, %mul3A_1811 : i32
      "tpu.region"() ({
        %run_scoped3A = tpu.sem_alloc : memref<!tpu.dma_semaphore, #tpu.memory_space<semaphore_mem>>
        %dma_start3A = arith.constant 0 : i32
        %dma_start3A_1813 = tpu.memref_slice %arg3[%arg0, %mul3A_1812, %dma_start3A] : memref<2x10240x16xf32, #tpu.memory_space<hbm>> -> memref<1x128x16xf32, #tpu.memory_space<hbm>>
        %dma_start3A_1814 = tpu.memref_squeeze %dma_start3A_1813 : memref<1x128x16xf32, #tpu.memory_space<hbm>> -> memref<128x16xf32, #tpu.memory_space<hbm>>
        %dma_start3A_1815 = arith.constant 0 : i32
        %dma_start3A_1816 = tpu.memref_slice %arg3[%arg0, %mul3A_1812, %dma_start3A_1815] : memref<2x10240x16xf32, #tpu.memory_space<hbm>> -> memref<1x128x16xf32, #tpu.memory_space<hbm>>
        %dma_start3A_1817 = tpu.memref_squeeze %dma_start3A_1816 : memref<1x128x16xf32, #tpu.memory_space<hbm>> -> memref<128x16xf32, #tpu.memory_space<hbm>>
        tpu.enqueue_dma source(%arg7 : memref<128x16xf32, #tpu.memory_space<vmem>>) target(%dma_start3A_1817 : memref<128x16xf32, #tpu.memory_space<hbm>>) target_semaphore(%run_scoped3A : memref<!tpu.dma_semaphore, #tpu.memory_space<semaphore_mem>>)
        %dma_wait3A = arith.constant 0 : i32
        %dma_wait3A_1818 = tpu.memref_slice %arg3[%arg0, %mul3A_1812, %dma_wait3A] : memref<2x10240x16xf32, #tpu.memory_space<hbm>> -> memref<1x128x16xf32, #tpu.memory_space<hbm>>
        %dma_wait3A_1819 = tpu.memref_squeeze %dma_wait3A_1818 : memref<1x128x16xf32, #tpu.memory_space<hbm>> -> memref<128x16xf32, #tpu.memory_space<hbm>>
        %dma_wait3A_1820 = arith.constant 0 : i32
        %dma_wait3A_1821 = tpu.memref_slice %arg3[%arg0, %mul3A_1812, %dma_wait3A_1820] : memref<2x10240x16xf32, #tpu.memory_space<hbm>> -> memref<1x128x16xf32, #tpu.memory_space<hbm>>
        %dma_wait3A_1822 = tpu.memref_squeeze %dma_wait3A_1821 : memref<1x128x16xf32, #tpu.memory_space<hbm>> -> memref<128x16xf32, #tpu.memory_space<hbm>>
        tpu.wait_dma2 semaphore(%run_scoped3A : memref<!tpu.dma_semaphore, #tpu.memory_space<semaphore_mem>>) src(%arg7 : memref<128x16xf32, #tpu.memory_space<vmem>>) dst(%dma_wait3A_1822 : memref<128x16xf32, #tpu.memory_space<hbm>>)
        tpu.yield
      }) : () -> ()
    }
    %scan3A_24 = arith.constant 5 : i32
    return
  }
}

#map = affine_map<(d0, d1) -> (0, 0)>
#map1 = affine_map<(d0, d1) -> (0, 0, 0)>
module attributes {stable_mosaic.version = 14 : i64} {
  func.func @_scatter_kernel(%arg0: i32, %arg1: i32, %arg2: memref<10000x128xf32, #tpu.memory_space<hbm>>, %arg3: memref<32x80x125xi32, #tpu.memory_space<hbm>>, %arg4: memref<32x80x125xi32, #tpu.memory_space<hbm>>, %arg5: memref<80x128xf32, #tpu.memory_space<hbm>>, %arg6: memref<2x10000x128xf32, #tpu.memory_space<hbm>>, %arg7: memref<80x125xi32, #tpu.memory_space<vmem>>, %arg8: memref<80x125xi32, #tpu.memory_space<vmem>>, %arg9: memref<125x128xf32, #tpu.memory_space<vmem>>, %arg10: memref<80x128xf32, #tpu.memory_space<vmem>>, %arg11: memref<10000x128xf32, #tpu.memory_space<vmem_shared>>, %arg12: memref<!tpu.dma_semaphore, #tpu.memory_space<semaphore_mem>>) attributes {dimension_semantics = [#tpu.dimension_semantics<core_parallel>, #tpu.dimension_semantics<subcore_parallel>], iteration_bounds = array<i64: 2, 16>, scalar_prefetch = 0 : i64, scratch_operands = 6 : i64, tpu.core_type = #tpu.core_type<sc_vector_subcore>, window_params = [{transform_indices = #map}, {transform_indices = #map1}, {transform_indices = #map1}, {transform_indices = #map}, {transform_indices = #map1}]} {
    %mul3A = arith.constant 2 : i32
    %mul3A_0 = arith.muli %arg1, %mul3A : i32
    %add3A = arith.addi %mul3A_0, %arg0 : i32
    "tpu.region"() ({
      %run_scoped3A = tpu.sem_alloc : memref<!tpu.dma_semaphore, #tpu.memory_space<semaphore_mem>>
      %dma_start3A = arith.constant 0 : i32
      %dma_start3A_19 = arith.constant 0 : i32
      %dma_start3A_20 = tpu.memref_slice %arg3[%add3A, %dma_start3A, %dma_start3A_19] : memref<32x80x125xi32, #tpu.memory_space<hbm>> -> memref<1x80x125xi32, #tpu.memory_space<hbm>>
      %dma_start3A_21 = tpu.memref_squeeze %dma_start3A_20 : memref<1x80x125xi32, #tpu.memory_space<hbm>> -> memref<80x125xi32, #tpu.memory_space<hbm>>
      %dma_start3A_22 = arith.constant 0 : i32
      %dma_start3A_23 = arith.constant 0 : i32
      %dma_start3A_24 = tpu.memref_slice %arg3[%add3A, %dma_start3A_22, %dma_start3A_23] : memref<32x80x125xi32, #tpu.memory_space<hbm>> -> memref<1x80x125xi32, #tpu.memory_space<hbm>>
      %dma_start3A_25 = tpu.memref_squeeze %dma_start3A_24 : memref<1x80x125xi32, #tpu.memory_space<hbm>> -> memref<80x125xi32, #tpu.memory_space<hbm>>
      tpu.enqueue_dma source(%dma_start3A_25 : memref<80x125xi32, #tpu.memory_space<hbm>>) target(%arg7 : memref<80x125xi32, #tpu.memory_space<vmem>>) target_semaphore(%run_scoped3A : memref<!tpu.dma_semaphore, #tpu.memory_space<semaphore_mem>>)
      %dma_wait3A = arith.constant 0 : i32
      %dma_wait3A_26 = arith.constant 0 : i32
      %dma_wait3A_27 = tpu.memref_slice %arg3[%add3A, %dma_wait3A, %dma_wait3A_26] : memref<32x80x125xi32, #tpu.memory_space<hbm>> -> memref<1x80x125xi32, #tpu.memory_space<hbm>>
      %dma_wait3A_28 = tpu.memref_squeeze %dma_wait3A_27 : memref<1x80x125xi32, #tpu.memory_space<hbm>> -> memref<80x125xi32, #tpu.memory_space<hbm>>
      %dma_wait3A_29 = arith.constant 0 : i32
      %dma_wait3A_30 = arith.constant 0 : i32
      %dma_wait3A_31 = tpu.memref_slice %arg3[%add3A, %dma_wait3A_29, %dma_wait3A_30] : memref<32x80x125xi32, #tpu.memory_space<hbm>> -> memref<1x80x125xi32, #tpu.memory_space<hbm>>
      %dma_wait3A_32 = tpu.memref_squeeze %dma_wait3A_31 : memref<1x80x125xi32, #tpu.memory_space<hbm>> -> memref<80x125xi32, #tpu.memory_space<hbm>>
      tpu.wait_dma2 semaphore(%run_scoped3A : memref<!tpu.dma_semaphore, #tpu.memory_space<semaphore_mem>>) src(%dma_wait3A_32 : memref<80x125xi32, #tpu.memory_space<hbm>>) dst(%arg7 : memref<80x125xi32, #tpu.memory_space<vmem>>)
      tpu.yield
    }) : () -> ()
    "tpu.region"() ({
      %run_scoped3A = tpu.sem_alloc : memref<!tpu.dma_semaphore, #tpu.memory_space<semaphore_mem>>
      %dma_start3A = arith.constant 0 : i32
      %dma_start3A_19 = arith.constant 0 : i32
      %dma_start3A_20 = tpu.memref_slice %arg4[%add3A, %dma_start3A, %dma_start3A_19] : memref<32x80x125xi32, #tpu.memory_space<hbm>> -> memref<1x80x125xi32, #tpu.memory_space<hbm>>
      %dma_start3A_21 = tpu.memref_squeeze %dma_start3A_20 : memref<1x80x125xi32, #tpu.memory_space<hbm>> -> memref<80x125xi32, #tpu.memory_space<hbm>>
      %dma_start3A_22 = arith.constant 0 : i32
      %dma_start3A_23 = arith.constant 0 : i32
      %dma_start3A_24 = tpu.memref_slice %arg4[%add3A, %dma_start3A_22, %dma_start3A_23] : memref<32x80x125xi32, #tpu.memory_space<hbm>> -> memref<1x80x125xi32, #tpu.memory_space<hbm>>
      %dma_start3A_25 = tpu.memref_squeeze %dma_start3A_24 : memref<1x80x125xi32, #tpu.memory_space<hbm>> -> memref<80x125xi32, #tpu.memory_space<hbm>>
      tpu.enqueue_dma source(%dma_start3A_25 : memref<80x125xi32, #tpu.memory_space<hbm>>) target(%arg8 : memref<80x125xi32, #tpu.memory_space<vmem>>) target_semaphore(%run_scoped3A : memref<!tpu.dma_semaphore, #tpu.memory_space<semaphore_mem>>)
      %dma_wait3A = arith.constant 0 : i32
      %dma_wait3A_26 = arith.constant 0 : i32
      %dma_wait3A_27 = tpu.memref_slice %arg4[%add3A, %dma_wait3A, %dma_wait3A_26] : memref<32x80x125xi32, #tpu.memory_space<hbm>> -> memref<1x80x125xi32, #tpu.memory_space<hbm>>
      %dma_wait3A_28 = tpu.memref_squeeze %dma_wait3A_27 : memref<1x80x125xi32, #tpu.memory_space<hbm>> -> memref<80x125xi32, #tpu.memory_space<hbm>>
      %dma_wait3A_29 = arith.constant 0 : i32
      %dma_wait3A_30 = arith.constant 0 : i32
      %dma_wait3A_31 = tpu.memref_slice %arg4[%add3A, %dma_wait3A_29, %dma_wait3A_30] : memref<32x80x125xi32, #tpu.memory_space<hbm>> -> memref<1x80x125xi32, #tpu.memory_space<hbm>>
      %dma_wait3A_32 = tpu.memref_squeeze %dma_wait3A_31 : memref<1x80x125xi32, #tpu.memory_space<hbm>> -> memref<80x125xi32, #tpu.memory_space<hbm>>
      tpu.wait_dma2 semaphore(%run_scoped3A : memref<!tpu.dma_semaphore, #tpu.memory_space<semaphore_mem>>) src(%dma_wait3A_32 : memref<80x125xi32, #tpu.memory_space<hbm>>) dst(%arg8 : memref<80x125xi32, #tpu.memory_space<vmem>>)
      tpu.yield
    }) : () -> ()
    "tpu.region"() ({
      %run_scoped3A = tpu.sem_alloc : memref<!tpu.dma_semaphore, #tpu.memory_space<semaphore_mem>>
      tpu.enqueue_dma source(%arg5 : memref<80x128xf32, #tpu.memory_space<hbm>>) target(%arg10 : memref<80x128xf32, #tpu.memory_space<vmem>>) target_semaphore(%run_scoped3A : memref<!tpu.dma_semaphore, #tpu.memory_space<semaphore_mem>>)
      tpu.wait_dma2 semaphore(%run_scoped3A : memref<!tpu.dma_semaphore, #tpu.memory_space<semaphore_mem>>) src(%arg5 : memref<80x128xf32, #tpu.memory_space<hbm>>) dst(%arg10 : memref<80x128xf32, #tpu.memory_space<vmem>>)
      tpu.yield
    }) : () -> ()
    %scan3A = arith.constant 0 : i32
    %scan3A_1 = arith.constant 0 : i32
    %scan3A_2 = arith.constant 8 : i32
    %scan3A_3 = arith.addi %scan3A_1, %scan3A_2 : i32
    %scan3A_4 = arith.constant 1 : i32
    scf.for %scan3A_19 = %scan3A_1 to %scan3A_3 step %scan3A_4  : i32 {
      %mul3A_20 = arith.constant 16 : i32
      %mul3A_21 = arith.muli %scan3A_19, %mul3A_20 : i32
      %add3A_22 = arith.addi %arg1, %mul3A_21 : i32
      %lt3A = arith.constant 125 : i32
      %lt3A_23 = arith.cmpi slt, %add3A_22, %lt3A : i32
      %convert_element_type3A = arith.extui %lt3A_23 : i1 to i32
      %cond3A = arith.constant 0 : i32
      %cond3A_24 = arith.cmpi ne, %convert_element_type3A, %cond3A : i32
      scf.if %cond3A_24 {
        %mul3A_25 = arith.constant 80 : i32
        %mul3A_26 = arith.muli %add3A_22, %mul3A_25 : i32
        "tpu.region"() ({
          %run_scoped3A = tpu.sem_alloc : memref<!tpu.dma_semaphore, #tpu.memory_space<semaphore_mem>>
          %dma_start3A = arith.constant 0 : i32
          %dma_start3A_27 = tpu.memref_slice %arg11[%mul3A_26, %dma_start3A] : memref<10000x128xf32, #tpu.memory_space<vmem_shared>> -> memref<80x128xf32, #tpu.memory_space<vmem_shared>>
          %dma_start3A_28 = arith.constant 0 : i32
          %dma_start3A_29 = tpu.memref_slice %arg11[%mul3A_26, %dma_start3A_28] : memref<10000x128xf32, #tpu.memory_space<vmem_shared>> -> memref<80x128xf32, #tpu.memory_space<vmem_shared>>
          tpu.enqueue_dma source(%arg10 : memref<80x128xf32, #tpu.memory_space<vmem>>) target(%dma_start3A_29 : memref<80x128xf32, #tpu.memory_space<vmem_shared>>) target_semaphore(%run_scoped3A : memref<!tpu.dma_semaphore, #tpu.memory_space<semaphore_mem>>)
          %dma_wait3A = arith.constant 0 : i32
          %dma_wait3A_30 = tpu.memref_slice %arg11[%mul3A_26, %dma_wait3A] : memref<10000x128xf32, #tpu.memory_space<vmem_shared>> -> memref<80x128xf32, #tpu.memory_space<vmem_shared>>
          %dma_wait3A_31 = arith.constant 0 : i32
          %dma_wait3A_32 = tpu.memref_slice %arg11[%mul3A_26, %dma_wait3A_31] : memref<10000x128xf32, #tpu.memory_space<vmem_shared>> -> memref<80x128xf32, #tpu.memory_space<vmem_shared>>
          tpu.wait_dma2 semaphore(%run_scoped3A : memref<!tpu.dma_semaphore, #tpu.memory_space<semaphore_mem>>) src(%arg10 : memref<80x128xf32, #tpu.memory_space<vmem>>) dst(%dma_wait3A_32 : memref<80x128xf32, #tpu.memory_space<vmem_shared>>)
          tpu.yield
        }) : () -> ()
      } else {
      }
    }
    %scan3A_5 = arith.constant 8 : i32
    %barrier3A = arith.constant 0 : index
    tpu.barrier barrier_id(%barrier3A)
    %scan3A_6 = arith.constant 0 : i32
    %scan3A_7 = arith.constant 0 : i32
    %scan3A_8 = arith.constant 80 : i32
    %scan3A_9 = arith.addi %scan3A_7, %scan3A_8 : i32
    %scan3A_10 = arith.constant 1 : i32
    scf.for %scan3A_19 = %scan3A_7 to %scan3A_9 step %scan3A_10  : i32 {
      %dma_start3A = arith.constant 0 : i32
      %dma_start3A_20 = tpu.memref_slice %arg7[%scan3A_19, %dma_start3A] : memref<80x125xi32, #tpu.memory_space<vmem>> -> memref<1x125xi32, #tpu.memory_space<vmem>>
      %dma_start3A_21 = tpu.memref_squeeze %dma_start3A_20 : memref<1x125xi32, #tpu.memory_space<vmem>> -> memref<125xi32, #tpu.memory_space<vmem>>
      %dma_start3A_22 = arith.constant 0 : i32
      %dma_start3A_23 = arith.constant 0 : i32
      %dma_start3A_24 = tpu.memref_slice %arg2[%dma_start3A_22, %dma_start3A_23] : memref<10000x128xf32, #tpu.memory_space<hbm>> -> memref<10000x128xf32, #tpu.memory_space<hbm>>
      tpu.enqueue_indirect_dma source(%dma_start3A_24 : memref<10000x128xf32, #tpu.memory_space<hbm>>) target(%arg9 : memref<125x128xf32, #tpu.memory_space<vmem>>) offsets(%dma_start3A_21 : memref<125xi32, #tpu.memory_space<vmem>>) semaphore(%arg12 : memref<!tpu.dma_semaphore, #tpu.memory_space<semaphore_mem>>)
      %dma_wait3A = arith.constant 0 : i32
      %dma_wait3A_25 = tpu.memref_slice %arg7[%scan3A_19, %dma_wait3A] : memref<80x125xi32, #tpu.memory_space<vmem>> -> memref<1x125xi32, #tpu.memory_space<vmem>>
      %dma_wait3A_26 = tpu.memref_squeeze %dma_wait3A_25 : memref<1x125xi32, #tpu.memory_space<vmem>> -> memref<125xi32, #tpu.memory_space<vmem>>
      %dma_wait3A_27 = arith.constant 0 : i32
      %dma_wait3A_28 = arith.constant 0 : i32
      %dma_wait3A_29 = tpu.memref_slice %arg2[%dma_wait3A_27, %dma_wait3A_28] : memref<10000x128xf32, #tpu.memory_space<hbm>> -> memref<10000x128xf32, #tpu.memory_space<hbm>>
      tpu.wait_indirect_dma semaphore(%arg12 : memref<!tpu.dma_semaphore, #tpu.memory_space<semaphore_mem>>) src(%dma_wait3A_29 : memref<10000x128xf32, #tpu.memory_space<hbm>>) dst(%arg9 : memref<125x128xf32, #tpu.memory_space<vmem>>)
      "tpu.region"() ({
        %run_scoped3A = tpu.sem_alloc : memref<!tpu.dma_semaphore, #tpu.memory_space<semaphore_mem>>
        %dma_start3A_30 = arith.constant 0 : i32
        %dma_start3A_31 = tpu.memref_slice %arg8[%scan3A_19, %dma_start3A_30] : memref<80x125xi32, #tpu.memory_space<vmem>> -> memref<1x125xi32, #tpu.memory_space<vmem>>
        %dma_start3A_32 = tpu.memref_squeeze %dma_start3A_31 : memref<1x125xi32, #tpu.memory_space<vmem>> -> memref<125xi32, #tpu.memory_space<vmem>>
        %dma_start3A_33 = arith.constant 0 : i32
        %dma_start3A_34 = arith.constant 0 : i32
        %dma_start3A_35 = tpu.memref_slice %arg11[%dma_start3A_33, %dma_start3A_34] : memref<10000x128xf32, #tpu.memory_space<vmem_shared>> -> memref<10000x128xf32, #tpu.memory_space<vmem_shared>>
        tpu.enqueue_indirect_dma source(%arg9 : memref<125x128xf32, #tpu.memory_space<vmem>>) target(%dma_start3A_35 : memref<10000x128xf32, #tpu.memory_space<vmem_shared>>) offsets(%dma_start3A_32 : memref<125xi32, #tpu.memory_space<vmem>>) semaphore(%run_scoped3A : memref<!tpu.dma_semaphore, #tpu.memory_space<semaphore_mem>>) {add = true}
        %dma_wait3A_36 = arith.constant 0 : i32
        %dma_wait3A_37 = tpu.memref_slice %arg8[%scan3A_19, %dma_wait3A_36] : memref<80x125xi32, #tpu.memory_space<vmem>> -> memref<1x125xi32, #tpu.memory_space<vmem>>
        %dma_wait3A_38 = tpu.memref_squeeze %dma_wait3A_37 : memref<1x125xi32, #tpu.memory_space<vmem>> -> memref<125xi32, #tpu.memory_space<vmem>>
        %dma_wait3A_39 = arith.constant 0 : i32
        %dma_wait3A_40 = arith.constant 0 : i32
        %dma_wait3A_41 = tpu.memref_slice %arg11[%dma_wait3A_39, %dma_wait3A_40] : memref<10000x128xf32, #tpu.memory_space<vmem_shared>> -> memref<10000x128xf32, #tpu.memory_space<vmem_shared>>
        tpu.wait_indirect_dma semaphore(%run_scoped3A : memref<!tpu.dma_semaphore, #tpu.memory_space<semaphore_mem>>) src(%arg9 : memref<125x128xf32, #tpu.memory_space<vmem>>) dst(%dma_wait3A_41 : memref<10000x128xf32, #tpu.memory_space<vmem_shared>>)
        tpu.yield
      }) : () -> ()
    }
    %scan3A_11 = arith.constant 80 : i32
    %barrier3A_12 = arith.constant 0 : index
    tpu.barrier barrier_id(%barrier3A_12)
    %scan3A_13 = arith.constant 0 : i32
    %scan3A_14 = arith.constant 0 : i32
    %scan3A_15 = arith.constant 8 : i32
    %scan3A_16 = arith.addi %scan3A_14, %scan3A_15 : i32
    %scan3A_17 = arith.constant 1 : i32
    scf.for %scan3A_19 = %scan3A_14 to %scan3A_16 step %scan3A_17  : i32 {
      %mul3A_20 = arith.constant 16 : i32
      %mul3A_21 = arith.muli %scan3A_19, %mul3A_20 : i32
      %add3A_22 = arith.addi %arg1, %mul3A_21 : i32
      %lt3A = arith.constant 125 : i32
      %lt3A_23 = arith.cmpi slt, %add3A_22, %lt3A : i32
      %convert_element_type3A = arith.extui %lt3A_23 : i1 to i32
      %cond3A = arith.constant 0 : i32
      %cond3A_24 = arith.cmpi ne, %convert_element_type3A, %cond3A : i32
      scf.if %cond3A_24 {
        %mul3A_25 = arith.constant 80 : i32
        %mul3A_26 = arith.muli %add3A_22, %mul3A_25 : i32
        "tpu.region"() ({
          %run_scoped3A = tpu.sem_alloc : memref<!tpu.dma_semaphore, #tpu.memory_space<semaphore_mem>>
          %dma_start3A = arith.constant 0 : i32
          %dma_start3A_29 = tpu.memref_slice %arg11[%mul3A_26, %dma_start3A] : memref<10000x128xf32, #tpu.memory_space<vmem_shared>> -> memref<80x128xf32, #tpu.memory_space<vmem_shared>>
          %dma_start3A_30 = arith.constant 0 : i32
          %dma_start3A_31 = tpu.memref_slice %arg11[%mul3A_26, %dma_start3A_30] : memref<10000x128xf32, #tpu.memory_space<vmem_shared>> -> memref<80x128xf32, #tpu.memory_space<vmem_shared>>
          tpu.enqueue_dma source(%dma_start3A_31 : memref<80x128xf32, #tpu.memory_space<vmem_shared>>) target(%arg10 : memref<80x128xf32, #tpu.memory_space<vmem>>) target_semaphore(%run_scoped3A : memref<!tpu.dma_semaphore, #tpu.memory_space<semaphore_mem>>)
          %dma_wait3A = arith.constant 0 : i32
          %dma_wait3A_32 = tpu.memref_slice %arg11[%mul3A_26, %dma_wait3A] : memref<10000x128xf32, #tpu.memory_space<vmem_shared>> -> memref<80x128xf32, #tpu.memory_space<vmem_shared>>
          %dma_wait3A_33 = arith.constant 0 : i32
          %dma_wait3A_34 = tpu.memref_slice %arg11[%mul3A_26, %dma_wait3A_33] : memref<10000x128xf32, #tpu.memory_space<vmem_shared>> -> memref<80x128xf32, #tpu.memory_space<vmem_shared>>
          tpu.wait_dma2 semaphore(%run_scoped3A : memref<!tpu.dma_semaphore, #tpu.memory_space<semaphore_mem>>) src(%dma_wait3A_34 : memref<80x128xf32, #tpu.memory_space<vmem_shared>>) dst(%arg10 : memref<80x128xf32, #tpu.memory_space<vmem>>)
          tpu.yield
        }) : () -> ()
        %mul3A_27 = arith.constant 80 : i32
        %mul3A_28 = arith.muli %add3A_22, %mul3A_27 : i32
        "tpu.region"() ({
          %run_scoped3A = tpu.sem_alloc : memref<!tpu.dma_semaphore, #tpu.memory_space<semaphore_mem>>
          %dma_start3A = arith.constant 0 : i32
          %dma_start3A_29 = tpu.memref_slice %arg6[%arg0, %mul3A_28, %dma_start3A] : memref<2x10000x128xf32, #tpu.memory_space<hbm>> -> memref<1x80x128xf32, #tpu.memory_space<hbm>>
          %dma_start3A_30 = tpu.memref_squeeze %dma_start3A_29 : memref<1x80x128xf32, #tpu.memory_space<hbm>> -> memref<80x128xf32, #tpu.memory_space<hbm>>
          %dma_start3A_31 = arith.constant 0 : i32
          %dma_start3A_32 = tpu.memref_slice %arg6[%arg0, %mul3A_28, %dma_start3A_31] : memref<2x10000x128xf32, #tpu.memory_space<hbm>> -> memref<1x80x128xf32, #tpu.memory_space<hbm>>
          %dma_start3A_33 = tpu.memref_squeeze %dma_start3A_32 : memref<1x80x128xf32, #tpu.memory_space<hbm>> -> memref<80x128xf32, #tpu.memory_space<hbm>>
          tpu.enqueue_dma source(%arg10 : memref<80x128xf32, #tpu.memory_space<vmem>>) target(%dma_start3A_33 : memref<80x128xf32, #tpu.memory_space<hbm>>) target_semaphore(%run_scoped3A : memref<!tpu.dma_semaphore, #tpu.memory_space<semaphore_mem>>)
          %dma_wait3A = arith.constant 0 : i32
          %dma_wait3A_34 = tpu.memref_slice %arg6[%arg0, %mul3A_28, %dma_wait3A] : memref<2x10000x128xf32, #tpu.memory_space<hbm>> -> memref<1x80x128xf32, #tpu.memory_space<hbm>>
          %dma_wait3A_35 = tpu.memref_squeeze %dma_wait3A_34 : memref<1x80x128xf32, #tpu.memory_space<hbm>> -> memref<80x128xf32, #tpu.memory_space<hbm>>
          %dma_wait3A_36 = arith.constant 0 : i32
          %dma_wait3A_37 = tpu.memref_slice %arg6[%arg0, %mul3A_28, %dma_wait3A_36] : memref<2x10000x128xf32, #tpu.memory_space<hbm>> -> memref<1x80x128xf32, #tpu.memory_space<hbm>>
          %dma_wait3A_38 = tpu.memref_squeeze %dma_wait3A_37 : memref<1x80x128xf32, #tpu.memory_space<hbm>> -> memref<80x128xf32, #tpu.memory_space<hbm>>
          tpu.wait_dma2 semaphore(%run_scoped3A : memref<!tpu.dma_semaphore, #tpu.memory_space<semaphore_mem>>) src(%arg10 : memref<80x128xf32, #tpu.memory_space<vmem>>) dst(%dma_wait3A_38 : memref<80x128xf32, #tpu.memory_space<hbm>>)
          tpu.yield
        }) : () -> ()
      } else {
      }
    }
    %scan3A_18 = arith.constant 8 : i32
    return
  }
}

module attributes {stable_mosaic.version = 14 : i64} {
  func.func @_mm_body(%arg0: i32, %arg1: memref<1000x128xf32, #tpu.memory_space<vmem>>, %arg2: memref<128x128xf32, #tpu.memory_space<vmem>>, %arg3: memref<1000x16xf32, #tpu.memory_space<vmem>>, %arg4: memref<1000x16xf32, #tpu.memory_space<vmem>>, %arg5: memref<1000x128xf32, #tpu.memory_space<vmem>>) attributes {dimension_semantics = [#tpu.dimension_semantics<arbitrary>], iteration_bounds = array<i64: 10>, scalar_prefetch = 0 : i64, scratch_operands = 0 : i64, tpu.core_type = #tpu.core_type<tc>, window_params = [{transform_indices = @transform_0, window_bounds = array<i64: 1000, 128>}, {pipeline_mode = #tpu.pipeline_mode<synchronous>, transform_indices = @transform_1, window_bounds = array<i64: 128, 128>}, {transform_indices = @transform_2, window_bounds = array<i64: 1000, 16>}, {transform_indices = @transform_3, window_bounds = array<i64: 1000, 16>}, {transform_indices = @transform_4, window_bounds = array<i64: 1000, 128>}]} {
    %get3A = arith.constant 0 : index
    %get3A_0 = arith.constant 0 : index
    %get3A_1 = vector.load %arg3[%get3A, %get3A_0] : memref<1000x16xf32, #tpu.memory_space<vmem>>, vector<1000x1xf32>
    %get3A_2 = arith.constant 0 : index
    %get3A_3 = arith.constant 0 : index
    %get3A_4 = vector.load %arg4[%get3A_2, %get3A_3] : memref<1000x16xf32, #tpu.memory_space<vmem>>, vector<1000x1xf32>
    %add3A = arith.addf %get3A_1, %get3A_4 : vector<1000x1xf32>
    %add3A_5 = arith.constant 1.000000e+00 : f32
    %add3A_6 = vector.broadcast %add3A_5 : f32 to vector<1000x1xf32>
    %add3A_7 = arith.addf %add3A, %add3A_6 : vector<1000x1xf32>
    %rsqrt3A = math.rsqrt %add3A_7 : vector<1000x1xf32>
    %get3A_8 = arith.constant 0 : index
    %get3A_9 = arith.constant 0 : index
    %get3A_10 = vector.load %arg1[%get3A_8, %get3A_9] : memref<1000x128xf32, #tpu.memory_space<vmem>>, vector<1000x128xf32>
    %get3A_11 = arith.constant 0 : index
    %get3A_12 = arith.constant 0 : index
    %get3A_13 = vector.load %arg2[%get3A_11, %get3A_12] : memref<128x128xf32, #tpu.memory_space<vmem>>, vector<128x128xf32>
    %dot_general3A = arith.constant dense<0.000000e+00> : vector<1000x128xf32>
    %dot_general3A_14 = tpu.matmul %get3A_10, %get3A_13, %dot_general3A {dimension_numbers = #tpu.dot_dimension_numbers<[1], [0], [0], [1], [0, 0, 1, 1], [], []>, transpose_lhs_hint = false} : vector<1000x128xf32>, vector<128x128xf32>, vector<1000x128xf32> -> vector<1000x128xf32>
    %mul3A = vector.broadcast %rsqrt3A : vector<1000x1xf32> to vector<1000x128xf32>
    %mul3A_15 = arith.mulf %dot_general3A_14, %mul3A : vector<1000x128xf32>
    %swap3A = arith.constant 0 : index
    %swap3A_16 = arith.constant 0 : index
    %swap3A_17 = vector.load %arg5[%swap3A, %swap3A_16] : memref<1000x128xf32, #tpu.memory_space<vmem>>, vector<1000x128xf32>
    tpu.vector_store %arg5[%swap3A, %swap3A_16], %mul3A_15 {strides = array<i32>} : memref<1000x128xf32, #tpu.memory_space<vmem>>, vector<1000x128xf32>,
    return
  }
  func.func @transform_0(%arg0: i32) -> (i32, i32) {
    %c0_i32 = arith.constant 0 : i32
    %c0_i32_0 = arith.constant 0 : i32
    return %arg0, %c0_i32 : i32, i32
  }
  func.func @transform_1(%arg0: i32) -> (i32, i32) {
    %c0_i32 = arith.constant 0 : i32
    %c0_i32_0 = arith.constant 0 : i32
    %c0_i32_1 = arith.constant 0 : i32
    return %c0_i32, %c0_i32_0 : i32, i32
  }
  func.func @transform_2(%arg0: i32) -> (i32, i32) {
    %c0_i32 = arith.constant 0 : i32
    %c0_i32_0 = arith.constant 0 : i32
    return %arg0, %c0_i32 : i32, i32
  }
  func.func @transform_3(%arg0: i32) -> (i32, i32) {
    %c0_i32 = arith.constant 0 : i32
    %c0_i32_0 = arith.constant 0 : i32
    return %arg0, %c0_i32 : i32, i32
  }
  func.func @transform_4(%arg0: i32) -> (i32, i32) {
    %c0_i32 = arith.constant 0 : i32
    %c0_i32_0 = arith.constant 0 : i32
    return %arg0, %c0_i32 : i32, i32
  }
}

module attributes {stable_mosaic.version = 14 : i64} {
  func.func @_fin_body(%arg0: i32, %arg1: memref<1000x128xf32, #tpu.memory_space<vmem>>, %arg2: memref<1000x128xf32, #tpu.memory_space<vmem>>, %arg3: memref<1000x128xf32, #tpu.memory_space<vmem>>, %arg4: memref<1000x16xf32, #tpu.memory_space<vmem>>, %arg5: memref<1000x16xf32, #tpu.memory_space<vmem>>, %arg6: memref<1x128xf32, #tpu.memory_space<vmem>>, %arg7: memref<1000x128xf32, #tpu.memory_space<vmem>>) attributes {dimension_semantics = [#tpu.dimension_semantics<arbitrary>], iteration_bounds = array<i64: 10>, scalar_prefetch = 0 : i64, scratch_operands = 0 : i64, tpu.core_type = #tpu.core_type<tc>, window_params = [{transform_indices = @transform_0, window_bounds = array<i64: 1000, 128>}, {transform_indices = @transform_1, window_bounds = array<i64: 1000, 128>}, {transform_indices = @transform_2, window_bounds = array<i64: 1000, 128>}, {transform_indices = @transform_3, window_bounds = array<i64: 1000, 16>}, {transform_indices = @transform_4, window_bounds = array<i64: 1000, 16>}, {pipeline_mode = #tpu.pipeline_mode<synchronous>, transform_indices = @transform_5, window_bounds = array<i64: 1, 128>}, {transform_indices = @transform_6, window_bounds = array<i64: 1000, 128>}]} {
    %get3A = arith.constant 0 : index
    %get3A_0 = arith.constant 0 : index
    %get3A_1 = vector.load %arg4[%get3A, %get3A_0] : memref<1000x16xf32, #tpu.memory_space<vmem>>, vector<1000x1xf32>
    %get3A_2 = arith.constant 0 : index
    %get3A_3 = arith.constant 0 : index
    %get3A_4 = vector.load %arg5[%get3A_2, %get3A_3] : memref<1000x16xf32, #tpu.memory_space<vmem>>, vector<1000x1xf32>
    %add3A = arith.addf %get3A_1, %get3A_4 : vector<1000x1xf32>
    %add3A_5 = arith.constant 1.000000e+00 : f32
    %add3A_6 = vector.broadcast %add3A_5 : f32 to vector<1000x1xf32>
    %add3A_7 = arith.addf %add3A, %add3A_6 : vector<1000x1xf32>
    %rsqrt3A = math.rsqrt %add3A_7 : vector<1000x1xf32>
    %get3A_8 = arith.constant 0 : index
    %get3A_9 = arith.constant 0 : index
    %get3A_10 = vector.load %arg1[%get3A_8, %get3A_9] : memref<1000x128xf32, #tpu.memory_space<vmem>>, vector<1000x128xf32>
    %get3A_11 = arith.constant 0 : index
    %get3A_12 = arith.constant 0 : index
    %get3A_13 = vector.load %arg2[%get3A_11, %get3A_12] : memref<1000x128xf32, #tpu.memory_space<vmem>>, vector<1000x128xf32>
    %add3A_14 = arith.addf %get3A_10, %get3A_13 : vector<1000x128xf32>
    %get3A_15 = arith.constant 0 : index
    %get3A_16 = arith.constant 0 : index
    %get3A_17 = vector.load %arg3[%get3A_15, %get3A_16] : memref<1000x128xf32, #tpu.memory_space<vmem>>, vector<1000x128xf32>
    %add3A_18 = arith.addf %add3A_14, %get3A_17 : vector<1000x128xf32>
    %mul3A = vector.broadcast %rsqrt3A : vector<1000x1xf32> to vector<1000x128xf32>
    %mul3A_19 = arith.mulf %add3A_18, %mul3A : vector<1000x128xf32>
    %get3A_20 = arith.constant 0 : index
    %get3A_21 = arith.constant 0 : index
    %get3A_22 = vector.load %arg6[%get3A_20, %get3A_21] : memref<1x128xf32, #tpu.memory_space<vmem>>, vector<1x128xf32>
    %add3A_23 = vector.broadcast %get3A_22 : vector<1x128xf32> to vector<1000x128xf32>
    %add3A_24 = arith.addf %mul3A_19, %add3A_23 : vector<1000x128xf32>
    %swap3A = arith.constant 0 : index
    %swap3A_25 = arith.constant 0 : index
    %swap3A_26 = vector.load %arg7[%swap3A, %swap3A_25] : memref<1000x128xf32, #tpu.memory_space<vmem>>, vector<1000x128xf32>
    tpu.vector_store %arg7[%swap3A, %swap3A_25], %add3A_24 {strides = array<i32>} : memref<1000x128xf32, #tpu.memory_space<vmem>>, vector<1000x128xf32>,
    return
  }
  func.func @transform_0(%arg0: i32) -> (i32, i32) {
    %c0_i32 = arith.constant 0 : i32
    %c0_i32_0 = arith.constant 0 : i32
    return %arg0, %c0_i32 : i32, i32
  }
  func.func @transform_1(%arg0: i32) -> (i32, i32) {
    %c0_i32 = arith.constant 0 : i32
    %c0_i32_0 = arith.constant 0 : i32
    return %arg0, %c0_i32 : i32, i32
  }
  func.func @transform_2(%arg0: i32) -> (i32, i32) {
    %c0_i32 = arith.constant 0 : i32
    %c0_i32_0 = arith.constant 0 : i32
    return %arg0, %c0_i32 : i32, i32
  }
  func.func @transform_3(%arg0: i32) -> (i32, i32) {
    %c0_i32 = arith.constant 0 : i32
    %c0_i32_0 = arith.constant 0 : i32
    return %arg0, %c0_i32 : i32, i32
  }
  func.func @transform_4(%arg0: i32) -> (i32, i32) {
    %c0_i32 = arith.constant 0 : i32
    %c0_i32_0 = arith.constant 0 : i32
    return %arg0, %c0_i32 : i32, i32
  }
  func.func @transform_5(%arg0: i32) -> (i32, i32) {
    %c0_i32 = arith.constant 0 : i32
    %c0_i32_0 = arith.constant 0 : i32
    %c0_i32_1 = arith.constant 0 : i32
    return %c0_i32, %c0_i32_0 : i32, i32
  }
  func.func @transform_6(%arg0: i32) -> (i32, i32) {
    %c0_i32 = arith.constant 0 : i32
    %c0_i32_0 = arith.constant 0 : i32
    return %arg0, %c0_i32 : i32, i32
  }
}

</mosaic_0001>

<sc_bundles>
// kernel: kernel.6.cloned.1.call-start
scs
__scs_entry_jumppad:
0x0: {  	(pc) =	sbr.rel $0x88, $3  }
0x1: {  	(tag) =	ssettag $0x0;
	lr =	simm.s32 $0x1  }
0x2: {  	[smem:$0x3F9D] =	sst lr;
	_ =	strace $0xD0000000  }
0x3: {  	_ = 	snop  }
0x4: {  	_ = 	snop  }
0x5: {  	_ = 	snop  }
0x6: {  	_ = 	snop  }
0x7: {  	_ = 	snop  }
__scs_overlays_trampoline_lowered:
0x8: {  	[smem:$0x3FAC] =	sst s0  }
0x9: {  	[smem:$0x3FAD] =	sst s1  }
0xa: {  	[smem:$0x3FAE] =	sst s2  }
0xb: {  	[smem:$0x3FAF] =	sst s3  }
0xc: {  	[smem:$0x3FB0] =	sst s4  }
0xd: {  	[smem:$0x3FB1] =	sst s5  }
0xe: {  	[smem:$0x3FB2] =	sst s6  }
0xf: {  	[smem:$0x3FB3] =	sst s7  }
0x10: {  	[smem:$0x3FB4] =	sst s8  }
0x11: {  	[smem:$0x3FB5] =	sst s9;
	s0 =	simm.s32 @!p0 $0x0  }
0x12: {  	s1 =	sld [smem:$0x3F9B];
	s0 =	simm.s32 @p0 $0x1  }
0x13: {  	[smem:$0x3FB6] =	sst s0;
	s0 =	simm.s32 @!p1 $0x0  }
0x14: {  	s2 =	sld [smem:$0x3F9A];
	s0 =	simm.s32 @p1 $0x1  }
0x15: {  	[smem:$0x3FB7] =	sst s0;
	s0 =	simm.s32 @!p2 $0x0  }
0x16: {  	s3 =	sld [smem:$0x3FDB];
	s0 =	simm.s32 @p2 $0x1  }
0x17: {  	s4 =	simm.s32 $0x1BF5;
	[smem:$0x3FB9] =	sst s0  }
0x18: {  	s0 =	sld [smem:$0x3F9C];
	_ =	swait.ge [sflag:s4], $0x0  }
0x19: {  	s7 =	sld [smem:$0x3F9D]  }
0x1a: {  	s8 =	sadd.s32 $0xFFFFE003, lr  }
0x1b: {  	s9 =	sadd.s32 $0xFFFFFEF7, lr;
	s5 =	simm.s32 $0xFFFFFFFF;
	p2 =	slt.u32 s8, $0xFFFFF086  }
0x1c: {  	p1 =	slt.u32 s9, $0xF7A;
	s5 =	simm.s32 @!p2 $0x0  }
0x1d: {  	s5 =	simm.s32 @p1 $0x1;
	p0 =	seq.s32 s7, s2  }
0x1e: {  	s7 =	smul.u32 @!p0 $0xF7A, s2;
	p2 =	seq.s32 @!p0 s5, $0x0  }
0x1f: {  	s9 =	smul.u32 $0xF7A, s1;
	s8 =	simm.s32 @!p0 $0x1BF5;
	p2 =	por !p2, p0  }
0x20: {  	[sflag:s8] =	ssyncset.s32 @!p0 $0xFFFFF086;
	s6 =	sadd.s32 @!p0 s3, s7;
	s7 =	simm.s32 @!p0 $0x108  }
0x21: {  	s3 =	sadd.s32 s3, s9;
	s6 =	sadd.s32 @!p0 $0x88, s6;
	s7 =	simm.s32 @p2 $0x1082  }
0x22: {  	[simem:s7], [sflag:s8] =	dma.local @!p0 [hbm:s6], $0xF7A  }
0x23: {  	s9 =	sor.u32 $0xD0000000, s2;
	s6 =	simm.s32 $0x108;
	_ =	swait.ge @!p0 [sflag:s8], $0x0  }
0x24: {  	s3 =	sadd.s32 $0x88, s3;
	s6 =	simm.s32 @!p1 $0x1082;
	[sflag:s4] =	ssyncset.s32 $0xFFFFF086  }
0x25: {  	[simem:s6], [sflag:s4] =	dma.local [hbm:s3], $0xF7A  }
0x26: {  	[smem:$0x3F9D] =	sst s1;
	(tag) =	ssettag s2;
	_ =	strace s9  }
0x27: {  	s1 =	sld [smem:$0x3FAD]  }
0x28: {  	s2 =	sld [smem:$0x3FAE]  }
0x29: {  	s4 =	sld [smem:$0x3FB0]  }
0x2a: {  	p0 =	seq.s32 s5, $0x0;
	s5 =	sld [smem:$0x3FB1]  }
0x2b: {  	s6 =	sld [smem:$0x3FB2]  }
0x2c: {  	s7 =	sld [smem:$0x3FB3]  }
0x2d: {  	s3 =	simm.s32 $0x108;
	s8 =	sld [smem:$0x3FB4]  }
0x2e: {  	s3 =	simm.s32 @!p0 $0x1082;
	s9 =	sld [smem:$0x3FB5]  }
0x2f: {  	lr =	sadd.s32 s0, s3;
	s0 =	sld [smem:$0x3FAC]  }
0x30: {  	s3 =	sld [smem:$0x3FAF]  }
0x31: {  	[smem:$0x3FB8] =	sst s10  }
0x32: {  	s10 =	sld [smem:$0x3FB6];
	_ =	sdelay $0x3  }
0x33: {  	p0 =	seq.s32 s10, $0x1;
	s10 =	sld [smem:$0x3FB8];
	_ =	sdelay $0x3  }
0x34: {  	[smem:$0x3FB8] =	sst s10  }
0x35: {  	s10 =	sld [smem:$0x3FB7];
	_ =	sdelay $0x3  }
0x36: {  	p1 =	seq.s32 s10, $0x1;
	s10 =	sld [smem:$0x3FB8];
	_ =	sdelay $0x3  }
0x37: {  	[smem:$0x3FB8] =	sst s10  }
0x38: {  	s10 =	sld [smem:$0x3FB9]  }
0x39: {  	_ = 	snop;
	(pc) =	sbr.ind lr, $3  }
0x3a: {  	_ = 	snop  }
0x3b: {  	_ = 	snop  }
0x3c: {  	p2 =	seq.s32 s10, $0x1;
	s10 =	sld [smem:$0x3FB8]  }
0x3d: {  	_ =	shalt  }
0x3e: {  	_ =	shalt  }
0x3f: {  	_ =	shalt  }
0x40: {  	_ =	shalt  }
0x41: {  	_ =	shalt  }
0x42: {  	_ =	shalt  }
0x43: {  	_ =	shalt  }
0x44: {  	_ =	shalt  }
0x45: {  	_ =	shalt  }
0x46: {  	_ =	shalt  }
0x47: {  	_ =	shalt  }
0x48: {  	_ =	shalt  }
0x49: {  	_ =	shalt  }
0x4a: {  	_ =	shalt  }
0x4b: {  	_ =	shalt  }
0x4c: {  	_ =	shalt  }
0x4d: {  	_ =	shalt  }
0x4e: {  	_ =	shalt  }
0x4f: {  	_ =	shalt  }
0x50: {  	_ =	shalt  }
0x51: {  	_ =	shalt  }
0x52: {  	_ =	shalt  }
0x53: {  	_ =	shalt  }
0x54: {  	_ =	shalt  }
0x55: {  	_ =	shalt  }
0x56: {  	_ =	shalt  }
0x57: {  	_ =	shalt  }
0x58: {  	_ =	shalt  }
0x59: {  	_ =	shalt  }
0x5a: {  	_ =	shalt  }
0x5b: {  	_ =	shalt  }
0x5c: {  	_ =	shalt  }
0x5d: {  	_ =	shalt  }
0x5e: {  	_ =	shalt  }
0x5f: {  	_ =	shalt  }
0x60: {  	_ =	shalt  }
0x61: {  	_ =	shalt  }
0x62: {  	_ =	shalt  }
0x63: {  	_ =	shalt  }
0x64: {  	_ =	shalt  }
0x65: {  	_ =	shalt  }
0x66: {  	_ =	shalt  }
0x67: {  	_ =	shalt  }
0x68: {  	_ =	shalt  }
0x69: {  	_ =	shalt  }
0x6a: {  	_ =	shalt  }
0x6b: {  	_ =	shalt  }
0x6c: {  	_ =	shalt  }
0x6d: {  	_ =	shalt  }
0x6e: {  	_ =	shalt  }
0x6f: {  	_ =	shalt  }
0x70: {  	_ =	shalt  }
0x71: {  	_ =	shalt  }
0x72: {  	_ =	shalt  }
0x73: {  	_ =	shalt  }
0x74: {  	_ =	shalt  }
0x75: {  	_ =	shalt  }
0x76: {  	_ =	shalt  }
0x77: {  	_ =	shalt  }
0x78: {  	_ =	shalt  }
0x79: {  	_ =	shalt  }
0x7a: {  	_ =	shalt  }
0x7b: {  	_ =	shalt  }
0x7c: {  	_ =	shalt  }
0x7d: {  	_ =	shalt  }
0x7e: {  	_ =	shalt  }
0x7f: {  	_ =	shalt  }
0x80: {  	_ =	shalt  }
0x81: {  	_ =	shalt  }
0x82: {  	_ =	shalt  }
0x83: {  	_ =	shalt  }
0x84: {  	_ =	shalt  }
0x85: {  	_ =	shalt  }
0x86: {  	_ =	shalt  }
0x87: {  	_ =	shalt  }
.Lfunc_end0:
.L_simem_size_0:
called_computation_lowered:
.L_overlay_start_0:
0x88: {  	s2 =	sld [smem:$0x3FD9]  }
0x89: {  	s3 =	sld [smem:$0x3FFE];
	_ =	sdelay $0x1  }
0x8a: {  	s1 =	srdreg.scid  }
0x8b: {  	s0 =	sand.u32 $0x1, s1  }
0x8c: {  	s17 =	sshll.u32 s0, $0xA;
	s2 =	sadd.s32 s3, s2  }
0x8d: {  	s2 =	sadd.s32 s2, s17  }
0x8e: {  	[smem:$0x3FC4] =	sst s2  }
0x8f: {  	_ = 	snop  }
0x90: {  	s2 =	sld [smem:$0x3FD0];
	(tm) =	ssettm $0x1  }
0x91: {  	s18 =	sld [smem:$0x3FFB];
	_ =	sdelay $0x3  }
0x92: {  	_ =	strace s18  }
0x93: {  	s3 =	sld [smem:$0x3FFC];
	_ =	sdelay $0x3  }
0x94: {  	_ =	strace s3  }
0x95: {  	s3 =	sld [smem:$0x3FFD];
	_ =	sdelay $0x3  }
0x96: {  	_ =	strace s3  }
0x97: {  	_ =	strace $0x8FFFFFFF  }
0x98: {  	s19 =	sld [smem:$0x3FDB];
	_ =	sdelay $0x1  }
0x99: {  	s4 =	simm.s32 $_scs_section_size  }
0x9a: {  	s5 =	simm.s32 $_size__tile_overlayer_lowered;
	s6 =	simm.s32 $_tile_overlayer_lowered  }
0x9b: {  	s22 =	simm.s32 $0x1BFF;
	s21 =	sshll.u32 s6, $0x1;
	s3 =	sadd.s32 s4, s19  }
0x9c: {  	s7 =	simm.s32 $0x0;
	s20 =	sshll.u32 s5, $0x1;
	s5 =	sadd.s32 s21, s3  }
0x9d: {  	[timem:s7], [sflag:s22] =	dma.local [hbm:s5], s20  }
0x9e: {  	_ =	swait.ge [sflag:s22], s20  }
0x9f: {  	s4 =	ssub.s32 $0x0, s20;
	[sflag:s22] =	ssyncset.done $0x0  }
0xa0: {  	[sflag:s22] =	ssyncadd.s32 s4;
	_ =	sdelay $0x1  }
0xa1: {  	s23 =	simm.s32 $0x1B8B  }
0xa2: {  	_ =	swait.ge [sflag:s23], $0x1  }
0xa3: {  	[sflag:s23] =	ssyncset.done $0x0  }
0xa4: {  	s25 =	simm.s32 $0x1B8E;
	s24 =	sld [smem:$0x3FFE];
	[sflag:s23] =	ssyncadd.s32 $0xFFFFFFFF  }
0xa5: {  	s26 =	simm.s32 $execute0_lowered;
	[smem:$0x3FD2] =	sst s25  }
0xa6: {  	s5 =	sshll.u32 s26, $0x1;
	_ =	strace $0x80000046;
	[dreg:$0x1] =	wrdreg $0xFFFFFFFF  }
0xa7: {  	s28 =	simm.s32 $_size_execute0_lowered;
	s3 =	sadd.s32 s3, s5;
	[dreg:$0x0] =	wrdreg $0x0  }
0xa8: {  	s5 =	sshll.u32 s28, $0x1;
	[dreg:$0x2] =	wrdreg s3  }
0xa9: {  	[dreg:$0x3] =	wrdreg s5  }
0xaa: {  	[dreg:$0x4] =	wrdreg $0xC0  }
0xab: {  	_ =	task [dreg:s7], $0x5FFFF  }
0xac: {  	[dreg:$0x1] =	wrdreg $0xFFFFFFFF  }
0xad: {  	[dreg:$0x0] =	wrdreg $0x60  }
0xae: {  	[dreg:$0x2] =	wrdreg s2  }
0xaf: {  	[dreg:$0x3] =	wrdreg s24  }
0xb0: {  	[dreg:$0x4] =	wrdreg $0x97800  }
0xb1: {  	[dreg:$0x5] =	wrdreg $0x9  }
0xb2: {  	_ =	task.clear_ibuf [dreg:s7], $0x6FFFF;
	_ =	strace $0x90000046  }
0xb3: {  	s29 =	simm.s32 $0x9;
	_ =	strace $0x80000048  }
0xb4: {  	_ =	swait.ge [sflag:s29], $0x1  }
0xb5: {  	[sflag:s29] =	ssyncadd.s32 $0xFFFFFFFF  }
0xb6: {  	_ =	strace $0x90000048  }
0xb7: {  	_ =	sfence  }
0xb8: {  	s30 =	sld [smem:$0x0];
	_ =	sdelay $0x2  }
0xb9: {  	s31 =	sshll.u32 s1, $0xD;
	s1 =	sshrl.u32 s1, $0x2  }
0xba: {  	s3 =	sand.u32 $0x4000, s31;
	s1 =	sadd.s32 s1, s30  }
0xbb: {  	s0 =	sor.u32 s3, s0;
	s1 =	sshll.u32 s1, $0x11  }
0xbc: {  	s0 =	sor.u32 s1, s0  }
0xbd: {  	s0 =	sadd.s32 $0x8F2B, s0  }
0xbe: {  	[sflag:s0] =	ssyncadd.remote.s32 $0x1  }
0xbf: {  	_ =	sfence.sel $0xFFFF  }
0xc0: {  	[dreg:$0x0] =	wrdreg $0xFFFFFFFF;
	(pc) =	sbr.abs _section_cstart, $3  }
0xc1: {  	[dreg:$0x1] =	wrdreg $0xFFFFFFFF  }
0xc2: {  	_ =	task.clear_ibuf [dreg:s7], $0x2FFFF;
	_ =	strace $0x9FFFFFFF  }
0xc3: {  	(tm) =	ssettm $0x7FFFFFFF  }
tec
execute0_lowered:
.L_overlay_start_1:
0x0: {  	(tag) =	ssettag $0x1  }
0x1: {  	s3 =	rddreg [dreg:$0x0]  }
0x2: {  	s4 =	rddreg [dreg:$0x1];
	s0 =	srdreg.scid  }
0x3: {  	s7 =	rddreg [dreg:$0x2];
	s1 =	stileid.u32;
	s2 =	simm.s32 $0x0  }
0x4: {  	s10 =	simm.s32 $0x80;
	s11 =	simm.s32 $0x2800;
	s12 =	simm.s32 $0x4F80  }
0x5: {  	s13 =	simm.s32 $0x5780;
	s14 =	simm.s32 $0x0;
	s5 =	sand.u32 $0x1, s0  }
0x6: {  	s0 =	rddreg [dreg:$0x3];
	s8 =	sshll.u32 s1, $0x1;
	s9 =	sshll.u32 s1, $0xE  }
0x7: {  	[smem:$0x7FF] =	sst s2;
	s28 =	smul.u32 $0xA000, s1;
	s31 =	sshll.u32 s1, $0x7  }
0x8: {  	s6 =	smul.u32 $0x140000, s5;
	s8 =	sor.u32 s5, s8;
	s5 =	ssub.s32 $0x2, s5  }
0x9: {  	_ =	strace $0x80000047;
	s8 =	smul.u32 $0x4E2, s8;
	s29 =	sshrl.u32 s5, $0x1  }
0xa: {  	s30 =	sshrl.u32 s28, $0x2;
	s6 =	sor.u32 s9, s6;
	s5 =	ssub.s32 s5, s29  }
0xb: {  	s9 =	simm.s32 $0x2780;
	s6 =	sshrl.u32 s6, $0x3;
	s3 =	sadd.s32 s3, s8  }
0xc: {  	s5 =	smax.u32 s5, $0x1;
	s8 =	simm.s32 $0x1;
	s6 =	sadd.s32 s6, s4  }
0xd: {  	v0 =	vimm.f32 $0.0e+00;
	v1 =	vimm.f32 $1.000000000e+00;
	s4 =	sadd.s32 s30, s7;
	s7 =	sadd.s32 s31, s7;
	s6 =	sadd.s32 $0x1800, s6  }
.LBB2_1:
0xe: {  	s15 =	simm.s32 $0x40;
	s16 =	simm.s32 $0x0  }
.LBB2_2:
0xf: {  	p0 =	sne.s32 s15, $0x9FC0;
	[tilespmem:s16+$0x2780] =	vst v0;
	s16 =	smov.u32 s15;
	s15 =	sadd.s32 $0x40, s15  }
.Ltmp0:
0x10: {  	(pc) =	sbr.rel @p0 .LBB2_2-.Ltmp0, $2  }
0x11: {  	_ =	sdelay $0x2  }
0x12: {  	s16 =	sshra.s32 s16, $0x2  }
0x13: {  	[tilespmem:s16+$0x2780] =	vst v0;
	s15 =	simm.s32 $0x0  }
0x14: {  	[tilespmem:s15], [sflag:$0x1] =	stream.linear.gather [hbm4b:s3+s15], $0x2710, $0x38;
	[tilespmem:$0xBF80] =	vst v63  }
0x15: {  	_ =	swait.ge [sflag:s8], $0x2710  }
0x16: {  	[sflag:s8] =	ssyncset.done $0x0  }
0x17: {  	s16 =	simm.s32 $0x0;
	s15 =	simm.s32 $0x40;
	[sflag:s8] =	ssyncadd.s32 $0xFFFFD8F0  }
.LBB2_4:
0x18: {  	p0 =	sne.s32 s15, $0x9C00;
	v2 =	vld [tilespmem:s16+$0x0];
	_ =	sdelay $0x3  }
.Ltmp1:
0x19: {  	(pc) =	sbr.rel @p0 .LBB2_4-.Ltmp1, $2  }
0x1a: {  	_ =	sdelay $0x2  }
0x1b: {  	s16 =	sshra.s32 s15, $0x2;
	s15 =	sadd.s32 $0x40, s15;
	[tilespmem:v2+s9+$0x0] =	vst.idx.add.f32.msk $0xffff, v1  }
0x1c: {  	v2 =	vld [tilespmem:s16+$0x0];
	_ =	sdelay $0x7  }
0x1d: {  	[tilespmem:v2+s9+$0x0] =	vst.idx.add.f32.msk $0xffff, v1  }
0x1e: {  	[spmem:s4] =	stream.linear.scatter [tilespmem:s9], [sflag:$0x1], $0x2800, $0x38;
	[tilespmem:$0xBF80] =	vst v63  }
0x1f: {  	_ =	swait.ge [sflag:s8], $0x2800  }
0x20: {  	[sflag:s8] =	ssyncset.done $0x0  }
0x21: {  	[sflag:s8] =	ssyncadd.s32 $0xFFFFD800  }
0x22: {  	s15 =	simm.s32 $0x0;
	s16 =	smov.u32 s6;
	[bflag:$0x0] =	sbarrier.arrive $0xFFFF  }
.LBB2_6:
0x23: {  	s17 =	sshra.s32 s15, $0x2  }
0x24: {  	s17 =	sadd.s32 s17, s7  }
0x25: {  	[tilespmem:s12], [sflag:$0x1] =	stream.strided.gather [spmem:s17], $0x800, s11, s10, $0x38;
	[tilespmem:$0xBF80] =	vst v63  }
0x26: {  	_ =	swait.ge [sflag:s8], $0x800  }
0x27: {  	[sflag:s8] =	ssyncset.done $0x0  }
0x28: {  	[sflag:s8] =	ssyncadd.s32 $0xFFFFF800  }
0x29: {  	v2 =	vld [tilespmem:$0x4F80]  }
0x2a: {  	v3 =	vld [tilespmem:$0x5000]  }
0x2b: {  	v4 =	vld [tilespmem:$0x5080]  }
0x2c: {  	v5 =	vld [tilespmem:$0x5100]  }
0x2d: {  	v27 =	vld [tilespmem:$0x5200]  }
0x2e: {  	v28 =	vld [tilespmem:$0x5280]  }
0x2f: {  	v29 =	vld [tilespmem:$0x5380]  }
0x30: {  	v6 =	vld [tilespmem:$0x5400];
	v2 =	vadd.f32 v3, v2  }
0x31: {  	v3 =	vld [tilespmem:$0x5180]  }
0x32: {  	v30 =	vld [tilespmem:$0x4F90];
	v2 =	vadd.f32 v4, v2  }
0x33: {  	v7 =	vld [tilespmem:$0x5010]  }
0x34: {  	v8 =	vld [tilespmem:$0x5090];
	v2 =	vadd.f32 v5, v2  }
0x35: {  	v31 =	vld [tilespmem:$0x5500]  }
0x36: {  	v9 =	vld [tilespmem:$0x5110];
	v2 =	vadd.f32 v3, v2  }
0x37: {  	v3 =	vld [tilespmem:$0x5300]  }
0x38: {  	v32 =	vld [tilespmem:$0x5580];
	v2 =	vadd.f32 v27, v2  }
0x39: {  	v33 =	vld [tilespmem:$0x5190]  }
0x3a: {  	v41 =	vld [tilespmem:$0x4FA0];
	v2 =	vadd.f32 v28, v2  }
0x3b: {  	v42 =	vld [tilespmem:$0x5020]  }
0x3c: {  	v44 =	vld [tilespmem:$0x50A0];
	v2 =	vadd.f32 v3, v2  }
0x3d: {  	v3 =	vld [tilespmem:$0x5480]  }
0x3e: {  	v34 =	vld [tilespmem:$0x5210];
	v2 =	vadd.f32 v29, v2  }
0x3f: {  	v12 =	vld [tilespmem:$0x5120]  }
0x40: {  	v35 =	vld [tilespmem:$0x5680];
	v4 =	vadd.f32 v42, v41;
	v2 =	vadd.f32 v6, v2  }
0x41: {  	v49 =	vld [tilespmem:$0x51A0];
	v5 =	vadd.f32 v7, v30  }
0x42: {  	v53 =	vld [tilespmem:$0x5220];
	v4 =	vadd.f32 v44, v4;
	v2 =	vadd.f32 v3, v2  }
0x43: {  	v5 =	vadd.f32 v8, v5;
	v3 =	vld [tilespmem:$0x5600]  }
0x44: {  	v36 =	vld [tilespmem:$0x5290];
	v4 =	vadd.f32 v12, v4;
	v2 =	vadd.f32 v31, v2  }
0x45: {  	v57 =	vld [tilespmem:$0x52A0];
	v5 =	vadd.f32 v9, v5  }
0x46: {  	v37 =	vld [tilespmem:$0x5700];
	v4 =	vadd.f32 v49, v4;
	v2 =	vadd.f32 v32, v2  }
0x47: {  	v61 =	vld [tilespmem:$0x5320];
	v5 =	vadd.f32 v33, v5  }
0x48: {  	v38 =	vld [tilespmem:$0x5310];
	v4 =	vadd.f32 v53, v4;
	v2 =	vadd.f32 v3, v2  }
0x49: {  	v63 =	vld [tilespmem:$0x53A0];
	v3 =	vadd.f32 v34, v5  }
0x4a: {  	v39 =	vld [tilespmem:$0x5390];
	v4 =	vadd.f32 v57, v4;
	v2 =	vadd.f32 v35, v2  }
0x4b: {  	v16 =	vld [tilespmem:$0x5420];
	v3 =	vadd.f32 v36, v3  }
0x4c: {  	v40 =	vld [tilespmem:$0x5410];
	v4 =	vadd.f32 v61, v4;
	v2 =	vadd.f32 v37, v2  }
0x4d: {  	v22 =	vld [tilespmem:$0x54A0];
	v3 =	vadd.f32 v38, v3  }
0x4e: {  	v43 =	vld [tilespmem:$0x5490];
	v4 =	vadd.f32 v63, v4;
	v10 =	vbroadcast v2, $0x0  }
0x4f: {  	v25 =	vld [tilespmem:$0x5520];
	v3 =	vadd.f32 v39, v3;
	v11 =	vbroadcast v2, $0x1  }
0x50: {  	v45 =	vld [tilespmem:$0x5510];
	v4 =	vadd.f32 v16, v4;
	v46 =	vbroadcast v2, $0x2;
	[tilespmem:$0x5780] =	vst v10  }
0x51: {  	v28 =	vld [tilespmem:$0x55A0];
	v48 =	vbroadcast v2, $0x3;
	v3 =	vadd.f32 v40, v3;
	[tilespmem:$0x5800] =	vst v11  }
0x52: {  	v47 =	vld [tilespmem:$0x5590];
	v4 =	vadd.f32 v22, v4;
	v50 =	vbroadcast v2, $0x4;
	[tilespmem:$0x5880] =	vst v46  }
0x53: {  	v31 =	vld [tilespmem:$0x5620];
	v52 =	vbroadcast v2, $0x5;
	[tilespmem:$0x5900] =	vst v48;
	v3 =	vadd.f32 v43, v3  }
0x54: {  	v51 =	vld [tilespmem:$0x5610];
	v4 =	vadd.f32 v25, v4;
	v54 =	vbroadcast v2, $0x6;
	[tilespmem:$0x5980] =	vst v50  }
0x55: {  	v34 =	vld [tilespmem:$0x56A0];
	v56 =	vbroadcast v2, $0x7;
	[tilespmem:$0x5A00] =	vst v52;
	v3 =	vadd.f32 v45, v3  }
0x56: {  	v55 =	vld [tilespmem:$0x5690];
	v4 =	vadd.f32 v28, v4;
	v58 =	vbroadcast v2, $0x8;
	[tilespmem:$0x5A80] =	vst v54  }
0x57: {  	v37 =	vld [tilespmem:$0x5720];
	v60 =	vbroadcast v2, $0x9;
	[tilespmem:$0x5B00] =	vst v56;
	v3 =	vadd.f32 v47, v3  }
0x58: {  	v59 =	vld [tilespmem:$0x5710];
	v4 =	vadd.f32 v31, v4;
	v62 =	vbroadcast v2, $0xA;
	[tilespmem:$0x5B80] =	vst v58  }
0x59: {  	v15 =	vbroadcast v2, $0xB;
	[tilespmem:$0x5C00] =	vst v60;
	v3 =	vadd.f32 v51, v3  }
0x5a: {  	v18 =	vld [tilespmem:$0x4FB0];
	v4 =	vadd.f32 v34, v4;
	v17 =	vbroadcast v2, $0xC;
	[tilespmem:$0x5C80] =	vst v62  }
0x5b: {  	v20 =	vld [tilespmem:$0x5030];
	v19 =	vbroadcast v2, $0xD;
	[tilespmem:$0x5D00] =	vst v15;
	v3 =	vadd.f32 v55, v3  }
0x5c: {  	v21 =	vbroadcast v2, $0xE;
	[tilespmem:$0x5D80] =	vst v17;
	v4 =	vadd.f32 v37, v4  }
0x5d: {  	v23 =	vld [tilespmem:$0x50B0];
	v2 =	vbroadcast v2, $0xF;
	[tilespmem:$0x5E00] =	vst v19;
	v3 =	vadd.f32 v59, v3  }
0x5e: {  	[tilespmem:$0x5E80] =	vst v21;
	v50 =	vbroadcast v4, $0x2  }
0x5f: {  	v26 =	vld [tilespmem:$0x5130];
	[tilespmem:$0x5F00] =	vst v2;
	v2 =	vbroadcast v3, $0x1  }
0x60: {  	v5 =	vadd.f32 v20, v18;
	v53 =	vbroadcast v4, $0x4;
	[tilespmem:$0x6880] =	vst v50  }
0x61: {  	v29 =	vld [tilespmem:$0x51B0];
	[tilespmem:$0x6000] =	vst v2;
	v2 =	vbroadcast v3, $0x3  }
0x62: {  	v5 =	vadd.f32 v23, v5;
	v56 =	vbroadcast v4, $0x6;
	[tilespmem:$0x6980] =	vst v53  }
0x63: {  	v32 =	vld [tilespmem:$0x5230];
	[tilespmem:$0x6100] =	vst v2;
	v2 =	vbroadcast v3, $0x5  }
0x64: {  	v5 =	vadd.f32 v26, v5;
	v62 =	vbroadcast v4, $0xA;
	[tilespmem:$0x6A80] =	vst v56  }
0x65: {  	v35 =	vld [tilespmem:$0x52B0];
	[tilespmem:$0x6200] =	vst v2;
	v2 =	vbroadcast v3, $0x7  }
0x66: {  	v5 =	vadd.f32 v29, v5;
	v17 =	vbroadcast v4, $0xC;
	v20 =	vbroadcast v4, $0xE;
	[tilespmem:$0x6C80] =	vst v62  }
0x67: {  	v38 =	vld [tilespmem:$0x5330];
	v47 =	vbroadcast v4, $0x0;
	[tilespmem:$0x6300] =	vst v2;
	v2 =	vbroadcast v3, $0x9  }
0x68: {  	v41 =	vld [tilespmem:$0x5430];
	v5 =	vadd.f32 v32, v5;
	[tilespmem:$0x6D80] =	vst v17;
	v59 =	vbroadcast v4, $0x8;
	v24 =	vbroadcast v3, $0x0  }
0x69: {  	v40 =	vld [tilespmem:$0x53B0];
	v27 =	vbroadcast v3, $0x2;
	[tilespmem:$0x6400] =	vst v2;
	v2 =	vbroadcast v3, $0xB  }
0x6a: {  	v44 =	vld [tilespmem:$0x5040];
	v5 =	vadd.f32 v35, v5;
	[tilespmem:$0x6E80] =	vst v20;
	v30 =	vbroadcast v3, $0x4;
	v33 =	vbroadcast v3, $0x6  }
0x6b: {  	v43 =	vld [tilespmem:$0x4FC0];
	v36 =	vbroadcast v3, $0x8;
	[tilespmem:$0x6500] =	vst v2;
	v2 =	vbroadcast v3, $0xD  }
0x6c: {  	v46 =	vld [tilespmem:$0x54B0];
	v5 =	vadd.f32 v38, v5;
	[tilespmem:$0x6780] =	vst v47;
	v39 =	vbroadcast v3, $0xA;
	v42 =	vbroadcast v3, $0xC  }
0x6d: {  	v45 =	vbroadcast v3, $0xE;
	[tilespmem:$0x6600] =	vst v2;
	v2 =	vbroadcast v3, $0xF;
	v3 =	vld [tilespmem:$0x50C0]  }
0x6e: {  	v49 =	vld [tilespmem:$0x5140];
	v5 =	vadd.f32 v40, v5;
	[tilespmem:$0x6B80] =	vst v59  }
0x6f: {  	v48 =	vld [tilespmem:$0x5530];
	[tilespmem:$0x6700] =	vst v2;
	v2 =	vbroadcast v4, $0x1  }
0x70: {  	v52 =	vld [tilespmem:$0x51C0];
	v6 =	vadd.f32 v44, v43;
	v5 =	vadd.f32 v41, v5;
	[tilespmem:$0x5F80] =	vst v24  }
0x71: {  	v51 =	vld [tilespmem:$0x55B0];
	[tilespmem:$0x6800] =	vst v2;
	v2 =	vbroadcast v4, $0x3  }
0x72: {  	v54 =	vld [tilespmem:$0x5630];
	v5 =	vadd.f32 v46, v5;
	[tilespmem:$0x6080] =	vst v27;
	v3 =	vadd.f32 v3, v6  }
0x73: {  	v55 =	vld [tilespmem:$0x5240];
	[tilespmem:$0x6900] =	vst v2;
	v2 =	vbroadcast v4, $0x5  }
0x74: {  	v57 =	vld [tilespmem:$0x56B0];
	v5 =	vadd.f32 v48, v5;
	[tilespmem:$0x6180] =	vst v30;
	v3 =	vadd.f32 v49, v3  }
0x75: {  	v58 =	vld [tilespmem:$0x52C0];
	[tilespmem:$0x6A00] =	vst v2;
	v2 =	vbroadcast v4, $0x7  }
0x76: {  	v61 =	vld [tilespmem:$0x5340];
	v5 =	vadd.f32 v51, v5;
	[tilespmem:$0x6280] =	vst v33;
	v3 =	vadd.f32 v52, v3  }
0x77: {  	v60 =	vld [tilespmem:$0x5730];
	[tilespmem:$0x6B00] =	vst v2;
	v2 =	vbroadcast v4, $0x9  }
0x78: {  	v63 =	vld [tilespmem:$0x53C0];
	[tilespmem:$0x6380] =	vst v36;
	v5 =	vadd.f32 v54, v5;
	v3 =	vadd.f32 v55, v3  }
0x79: {  	v16 =	vld [tilespmem:$0x5440];
	[tilespmem:$0x6C00] =	vst v2;
	v2 =	vbroadcast v4, $0xB  }
0x7a: {  	v18 =	vld [tilespmem:$0x4FD0];
	[tilespmem:$0x6480] =	vst v39;
	v5 =	vadd.f32 v57, v5;
	v3 =	vadd.f32 v58, v3  }
0x7b: {  	v19 =	vld [tilespmem:$0x5050];
	[tilespmem:$0x6D00] =	vst v2;
	v2 =	vbroadcast v4, $0xD  }
0x7c: {  	v22 =	vld [tilespmem:$0x50D0];
	[tilespmem:$0x6580] =	vst v42;
	v5 =	vadd.f32 v60, v5;
	v3 =	vadd.f32 v61, v3  }
0x7d: {  	v21 =	vld [tilespmem:$0x54C0];
	[tilespmem:$0x6E00] =	vst v2;
	v2 =	vbroadcast v4, $0xF  }
0x7e: {  	v25 =	vld [tilespmem:$0x5150];
	[tilespmem:$0x6680] =	vst v45;
	v23 =	vbroadcast v5, $0x0;
	v3 =	vadd.f32 v63, v3  }
0x7f: {  	v24 =	vld [tilespmem:$0x5540];
	[tilespmem:$0x6F00] =	vst v2;
	v2 =	vbroadcast v5, $0x1  }
0x80: {  	v28 =	vld [tilespmem:$0x51D0];
	v7 =	vadd.f32 v19, v18;
	v26 =	vbroadcast v5, $0x2;
	[tilespmem:$0x6F80] =	vst v23;
	v3 =	vadd.f32 v16, v3  }
0x81: {  	v27 =	vld [tilespmem:$0x55C0];
	[tilespmem:$0x7000] =	vst v2;
	v2 =	vbroadcast v5, $0x3  }
0x82: {  	v31 =	vld [tilespmem:$0x5250];
	v29 =	vbroadcast v5, $0x4;
	[tilespmem:$0x7080] =	vst v26;
	v4 =	vadd.f32 v22, v7;
	v3 =	vadd.f32 v21, v3  }
0x83: {  	v30 =	vld [tilespmem:$0x5640];
	[tilespmem:$0x7100] =	vst v2;
	v2 =	vbroadcast v5, $0x5  }
0x84: {  	v34 =	vld [tilespmem:$0x52D0];
	v32 =	vbroadcast v5, $0x6;
	[tilespmem:$0x7180] =	vst v29;
	v4 =	vadd.f32 v25, v4;
	v3 =	vadd.f32 v24, v3  }
0x85: {  	v33 =	vld [tilespmem:$0x56C0];
	[tilespmem:$0x7200] =	vst v2;
	v2 =	vbroadcast v5, $0x7  }
0x86: {  	v37 =	vld [tilespmem:$0x5350];
	v35 =	vbroadcast v5, $0x8;
	[tilespmem:$0x7280] =	vst v32;
	v4 =	vadd.f32 v28, v4;
	v3 =	vadd.f32 v27, v3  }
0x87: {  	v36 =	vld [tilespmem:$0x5740];
	[tilespmem:$0x7300] =	vst v2;
	v2 =	vbroadcast v5, $0x9  }
0x88: {  	v40 =	vld [tilespmem:$0x5450];
	v38 =	vbroadcast v5, $0xA;
	[tilespmem:$0x7380] =	vst v35;
	v4 =	vadd.f32 v31, v4;
	v3 =	vadd.f32 v30, v3  }
0x89: {  	v39 =	vld [tilespmem:$0x53D0];
	[tilespmem:$0x7400] =	vst v2;
	v2 =	vbroadcast v5, $0xB  }
0x8a: {  	v43 =	vld [tilespmem:$0x5060];
	v41 =	vbroadcast v5, $0xC;
	[tilespmem:$0x7480] =	vst v38;
	v4 =	vadd.f32 v34, v4;
	v3 =	vadd.f32 v33, v3  }
0x8b: {  	v42 =	vld [tilespmem:$0x4FE0];
	[tilespmem:$0x7500] =	vst v2;
	v2 =	vbroadcast v5, $0xD  }
0x8c: {  	v46 =	vld [tilespmem:$0x50E0];
	v44 =	vbroadcast v5, $0xE;
	[tilespmem:$0x7580] =	vst v41;
	v4 =	vadd.f32 v37, v4;
	v3 =	vadd.f32 v36, v3  }
0x8d: {  	v45 =	vld [tilespmem:$0x54D0];
	[tilespmem:$0x7600] =	vst v2;
	v2 =	vbroadcast v5, $0xF  }
0x8e: {  	v48 =	vld [tilespmem:$0x5550];
	[tilespmem:$0x7680] =	vst v44;
	v4 =	vadd.f32 v39, v4;
	v47 =	vbroadcast v3, $0x0  }
0x8f: {  	v49 =	vld [tilespmem:$0x5160];
	[tilespmem:$0x7700] =	vst v2;
	v2 =	vbroadcast v3, $0x1  }
0x90: {  	v51 =	vld [tilespmem:$0x55D0];
	v6 =	vadd.f32 v43, v42;
	v4 =	vadd.f32 v40, v4;
	v50 =	vbroadcast v3, $0x2;
	[tilespmem:$0x7780] =	vst v47  }
0x91: {  	v52 =	vld [tilespmem:$0x51E0];
	[tilespmem:$0x7800] =	vst v2;
	v2 =	vbroadcast v3, $0x3  }
0x92: {  	v54 =	vld [tilespmem:$0x5650];
	v4 =	vadd.f32 v45, v4;
	v5 =	vadd.f32 v46, v6;
	v53 =	vbroadcast v3, $0x4;
	[tilespmem:$0x7880] =	vst v50  }
0x93: {  	v55 =	vld [tilespmem:$0x5260];
	[tilespmem:$0x7900] =	vst v2;
	v2 =	vbroadcast v3, $0x5  }
0x94: {  	v57 =	vld [tilespmem:$0x56D0];
	v56 =	vbroadcast v3, $0x6;
	v4 =	vadd.f32 v48, v4;
	v5 =	vadd.f32 v49, v5;
	[tilespmem:$0x7980] =	vst v53  }
0x95: {  	v58 =	vld [tilespmem:$0x52E0];
	[tilespmem:$0x7A00] =	vst v2;
	v2 =	vbroadcast v3, $0x7  }
0x96: {  	v60 =	vld [tilespmem:$0x5750];
	v59 =	vbroadcast v3, $0x8;
	[tilespmem:$0x7A80] =	vst v56;
	v4 =	vadd.f32 v51, v4;
	v5 =	vadd.f32 v52, v5  }
0x97: {  	v61 =	vld [tilespmem:$0x5360];
	[tilespmem:$0x7B00] =	vst v2;
	v2 =	vbroadcast v3, $0x9  }
0x98: {  	v18 =	vld [tilespmem:$0x4FF0];
	v62 =	vbroadcast v3, $0xA;
	[tilespmem:$0x7B80] =	vst v59;
	v4 =	vadd.f32 v54, v4;
	v5 =	vadd.f32 v55, v5  }
0x99: {  	v63 =	vld [tilespmem:$0x53E0];
	[tilespmem:$0x7C00] =	vst v2;
	v2 =	vbroadcast v3, $0xB  }
0x9a: {  	v19 =	vld [tilespmem:$0x5070];
	v17 =	vbroadcast v3, $0xC;
	[tilespmem:$0x7C80] =	vst v62;
	v4 =	vadd.f32 v57, v4;
	v5 =	vadd.f32 v58, v5  }
0x9b: {  	v16 =	vld [tilespmem:$0x5460];
	[tilespmem:$0x7D00] =	vst v2;
	v2 =	vbroadcast v3, $0xD  }
0x9c: {  	v21 =	vld [tilespmem:$0x54E0];
	v20 =	vbroadcast v3, $0xE;
	[tilespmem:$0x7D80] =	vst v17;
	v4 =	vadd.f32 v60, v4;
	v5 =	vadd.f32 v61, v5  }
0x9d: {  	[tilespmem:$0x7E00] =	vst v2;
	v2 =	vbroadcast v3, $0xF;
	v3 =	vld [tilespmem:$0x50F0]  }
0x9e: {  	v23 =	vld [tilespmem:$0x5560];
	[tilespmem:$0x7E80] =	vst v20;
	v22 =	vbroadcast v4, $0x0;
	v5 =	vadd.f32 v63, v5  }
0x9f: {  	v24 =	vld [tilespmem:$0x5170];
	[tilespmem:$0x7F00] =	vst v2;
	v2 =	vbroadcast v4, $0x1  }
0xa0: {  	v26 =	vld [tilespmem:$0x55E0];
	v7 =	vadd.f32 v19, v18;
	v25 =	vbroadcast v4, $0x2;
	[tilespmem:$0x7F80] =	vst v22;
	v5 =	vadd.f32 v16, v5  }
0xa1: {  	v27 =	vld [tilespmem:$0x51F0];
	[tilespmem:$0x8000] =	vst v2;
	v2 =	vbroadcast v4, $0x3  }
0xa2: {  	v29 =	vld [tilespmem:$0x5660];
	v28 =	vbroadcast v4, $0x4;
	[tilespmem:$0x8080] =	vst v25;
	v5 =	vadd.f32 v21, v5;
	v3 =	vadd.f32 v3, v7  }
0xa3: {  	v30 =	vld [tilespmem:$0x5270];
	[tilespmem:$0x8100] =	vst v2;
	v2 =	vbroadcast v4, $0x5  }
0xa4: {  	v32 =	vld [tilespmem:$0x56E0];
	v31 =	vbroadcast v4, $0x6;
	[tilespmem:$0x8180] =	vst v28;
	v5 =	vadd.f32 v23, v5;
	v3 =	vadd.f32 v24, v3  }
0xa5: {  	v33 =	vld [tilespmem:$0x52F0];
	[tilespmem:$0x8200] =	vst v2;
	v2 =	vbroadcast v4, $0x7  }
0xa6: {  	v35 =	vld [tilespmem:$0x5760];
	v34 =	vbroadcast v4, $0x8;
	[tilespmem:$0x8280] =	vst v31;
	v5 =	vadd.f32 v26, v5;
	v3 =	vadd.f32 v27, v3  }
0xa7: {  	v36 =	vld [tilespmem:$0x5370];
	[tilespmem:$0x8300] =	vst v2;
	v2 =	vbroadcast v4, $0x9  }
0xa8: {  	v37 =	vbroadcast v4, $0xA;
	[tilespmem:$0x8380] =	vst v34;
	v5 =	vadd.f32 v29, v5;
	v3 =	vadd.f32 v30, v3  }
0xa9: {  	v38 =	vld [tilespmem:$0x53F0];
	[tilespmem:$0x8400] =	vst v2;
	v2 =	vbroadcast v4, $0xB  }
0xaa: {  	v39 =	vbroadcast v4, $0xC;
	[tilespmem:$0x8480] =	vst v37;
	v5 =	vadd.f32 v32, v5;
	v3 =	vadd.f32 v33, v3  }
0xab: {  	v40 =	vld [tilespmem:$0x5470];
	[tilespmem:$0x8500] =	vst v2;
	v2 =	vbroadcast v4, $0xD  }
0xac: {  	v41 =	vbroadcast v4, $0xE;
	[tilespmem:$0x8580] =	vst v39;
	v5 =	vadd.f32 v35, v5;
	v3 =	vadd.f32 v36, v3  }
0xad: {  	v42 =	vld [tilespmem:$0x54F0];
	[tilespmem:$0x8600] =	vst v2;
	v2 =	vbroadcast v4, $0xF  }
0xae: {  	[tilespmem:$0x8680] =	vst v41;
	v43 =	vbroadcast v5, $0x0;
	v3 =	vadd.f32 v38, v3  }
0xaf: {  	v44 =	vld [tilespmem:$0x5570];
	[tilespmem:$0x8700] =	vst v2;
	v2 =	vbroadcast v5, $0x1  }
0xb0: {  	v45 =	vbroadcast v5, $0x2;
	[tilespmem:$0x8780] =	vst v43;
	v3 =	vadd.f32 v40, v3  }
0xb1: {  	v46 =	vld [tilespmem:$0x55F0];
	[tilespmem:$0x8800] =	vst v2;
	v2 =	vbroadcast v5, $0x3  }
0xb2: {  	v47 =	vbroadcast v5, $0x4;
	[tilespmem:$0x8880] =	vst v45;
	v3 =	vadd.f32 v42, v3  }
0xb3: {  	v48 =	vld [tilespmem:$0x5670];
	[tilespmem:$0x8900] =	vst v2;
	v2 =	vbroadcast v5, $0x5  }
0xb4: {  	v49 =	vbroadcast v5, $0x6;
	[tilespmem:$0x8980] =	vst v47;
	v3 =	vadd.f32 v44, v3  }
0xb5: {  	v50 =	vld [tilespmem:$0x56F0];
	[tilespmem:$0x8A00] =	vst v2;
	v2 =	vbroadcast v5, $0x7  }
0xb6: {  	v51 =	vbroadcast v5, $0x8;
	[tilespmem:$0x8A80] =	vst v49;
	v3 =	vadd.f32 v46, v3  }
0xb7: {  	v52 =	vld [tilespmem:$0x5770];
	[tilespmem:$0x8B00] =	vst v2;
	v2 =	vbroadcast v5, $0x9  }
0xb8: {  	v53 =	vbroadcast v5, $0xA;
	[tilespmem:$0x8B80] =	vst v51;
	v3 =	vadd.f32 v48, v3  }
0xb9: {  	[tilespmem:$0x8C00] =	vst v2;
	v2 =	vbroadcast v5, $0xB  }
0xba: {  	v54 =	vbroadcast v5, $0xC;
	[tilespmem:$0x8C80] =	vst v53;
	v3 =	vadd.f32 v50, v3  }
0xbb: {  	[tilespmem:$0x8D00] =	vst v2;
	v2 =	vbroadcast v5, $0xD  }
0xbc: {  	v55 =	vbroadcast v5, $0xE;
	[tilespmem:$0x8D80] =	vst v54;
	v3 =	vadd.f32 v52, v3  }
0xbd: {  	[tilespmem:$0x8E00] =	vst v2;
	v2 =	vbroadcast v5, $0xF  }
0xbe: {  	[tilespmem:$0x8E80] =	vst v55;
	v56 =	vbroadcast v3, $0x0  }
0xbf: {  	[tilespmem:$0x8F00] =	vst v2;
	v2 =	vbroadcast v3, $0x1  }
0xc0: {  	v57 =	vbroadcast v3, $0x2;
	[tilespmem:$0x8F80] =	vst v56  }
0xc1: {  	[tilespmem:$0x9000] =	vst v2;
	v2 =	vbroadcast v3, $0x3  }
0xc2: {  	v58 =	vbroadcast v3, $0x4;
	[tilespmem:$0x9080] =	vst v57  }
0xc3: {  	[tilespmem:$0x9100] =	vst v2;
	v2 =	vbroadcast v3, $0x5  }
0xc4: {  	v59 =	vbroadcast v3, $0x6;
	[tilespmem:$0x9180] =	vst v58  }
0xc5: {  	[tilespmem:$0x9200] =	vst v2;
	v2 =	vbroadcast v3, $0x7  }
0xc6: {  	v60 =	vbroadcast v3, $0x8;
	[tilespmem:$0x9280] =	vst v59  }
0xc7: {  	[tilespmem:$0x9300] =	vst v2;
	v2 =	vbroadcast v3, $0x9  }
0xc8: {  	v61 =	vbroadcast v3, $0xA;
	[tilespmem:$0x9380] =	vst v60  }
0xc9: {  	[tilespmem:$0x9400] =	vst v2;
	v2 =	vbroadcast v3, $0xB  }
0xca: {  	v62 =	vbroadcast v3, $0xC;
	[tilespmem:$0x9480] =	vst v61  }
0xcb: {  	[tilespmem:$0x9500] =	vst v2;
	v2 =	vbroadcast v3, $0xD  }
0xcc: {  	v63 =	vbroadcast v3, $0xE;
	[tilespmem:$0x9580] =	vst v62  }
0xcd: {  	[tilespmem:$0x9600] =	vst v2;
	v2 =	vbroadcast v3, $0xF  }
0xce: {  	p0 =	sne.s32 s15, $0x8000;
	[tilespmem:$0x9680] =	vst v63  }
.Ltmp2:
0xcf: {  	[tilespmem:$0x9700] =	vst v2;
	(pc) =	sbr.rel @p0 .LBB2_6-.Ltmp2, $4  }
0xd0: {  	[hbm4b:s16+s2] =	stream.linear.scatter [tilespmem:s13], [sflag:$0x1], $0x4000, $0x38;
	[tilespmem:$0xBF80] =	vst v63  }
0xd1: {  	_ =	swait.ge [sflag:s8], $0x4000  }
0xd2: {  	[sflag:s8] =	ssyncset.done $0x0  }
0xd3: {  	s15 =	sadd.s32 $0x2000, s15;
	s16 =	sadd.s32 $0x8000, s16;
	[sflag:s8] =	ssyncadd.s32 $0xFFFFC000  }
0xd4: {  	s14 =	sadd.s32 $0x1, s14  }
0xd5: {  	p0 =	sne.s32 s14, s5  }
.Ltmp3:
0xd6: {  	_ = 	snop;
	(pc) =	sbr.rel @p0 .LBB2_1-.Ltmp3, $1  }
0xd7: {  	_ =	sdelay $0x3  }
0xd8: {  	_ =	sfence.sel $0x180000  }
0xd9: {  	[bflag:$0x0] =	sbarrier.arrive $0xFFFF  }
0xda: {  	p0 =	sne.s32 s1, $0x0;
	_ =	strace $0x90000047  }
0xdb: {  	s0 =	sadd.s32 @!p0 $0x100000, s0;
	[bflag:$0x2] =	sbarrier.arrive $0xFFFF  }
0xdc: {  	[sflag:s0] =	ssyncadd.tile.s32 @!p0 $0x1;
	_ =	shalt  }
.Lfunc_end2:
_tile_overlayer_lowered:
.L_overlay_start_2:
0xdd: {  	(tag) =	ssettag $0x2  }
0xde: {  	s0 =	rddreg [dreg:$0x0];
	s2 =	stileid.u32  }
0xdf: {  	s1 =	rddreg [dreg:$0x1];
	p0 =	sne.s32 s2, $0x0  }
0xe0: {  	s3 =	rddreg [dreg:$0x2];
	[bflag:$0x3] =	sbarrier.arrive $0xFFFF;
	s2 =	simm.s32 @!p0 $0x1C01  }
0xe1: {  	[timem:s3], [sflag:s2] =	dma.local @!p0 [hbm:s0], s1  }
0xe2: {  	s0 =	simm.s32 @!p0 $0x1  }
0xe3: {  	_ =	swait.ge @!p0 [sflag:s0], s1  }
0xe4: {  	s1 =	ssub.s32 @!p0 $0x0, s1;
	[sflag:s0] =	ssyncset.done @!p0 $0x0  }
0xe5: {  	[sflag:s0] =	ssyncadd.s32 @!p0 s1  }
0xe6: {  	[bflag:$0x3] =	sbarrier.arrive $0xFFFF  }
0xe7: {  	_ =	shalt  }

// kernel: kernel.9.cloned.1.call-start
scs
__scs_entry_jumppad:
0x0: {  	(pc) =	sbr.rel $0x88, $3  }
0x1: {  	(tag) =	ssettag $0x0;
	lr =	simm.s32 $0x1  }
0x2: {  	[smem:$0x3F9D] =	sst lr;
	_ =	strace $0xD0000000  }
0x3: {  	_ = 	snop  }
0x4: {  	_ = 	snop  }
0x5: {  	_ = 	snop  }
0x6: {  	_ = 	snop  }
0x7: {  	_ = 	snop  }
__scs_overlays_trampoline_lowered:
0x8: {  	[smem:$0x3FAC] =	sst s0  }
0x9: {  	[smem:$0x3FAD] =	sst s1  }
0xa: {  	[smem:$0x3FAE] =	sst s2  }
0xb: {  	[smem:$0x3FAF] =	sst s3  }
0xc: {  	[smem:$0x3FB0] =	sst s4  }
0xd: {  	[smem:$0x3FB1] =	sst s5  }
0xe: {  	[smem:$0x3FB2] =	sst s6  }
0xf: {  	[smem:$0x3FB3] =	sst s7  }
0x10: {  	[smem:$0x3FB4] =	sst s8  }
0x11: {  	[smem:$0x3FB5] =	sst s9;
	s0 =	simm.s32 @!p0 $0x0  }
0x12: {  	s1 =	sld [smem:$0x3F9B];
	s0 =	simm.s32 @p0 $0x1  }
0x13: {  	[smem:$0x3FB6] =	sst s0;
	s0 =	simm.s32 @!p1 $0x0  }
0x14: {  	s2 =	sld [smem:$0x3F9A];
	s0 =	simm.s32 @p1 $0x1  }
0x15: {  	[smem:$0x3FB7] =	sst s0;
	s0 =	simm.s32 @!p2 $0x0  }
0x16: {  	s3 =	sld [smem:$0x3FDB];
	s0 =	simm.s32 @p2 $0x1  }
0x17: {  	s4 =	simm.s32 $0x1BF5;
	[smem:$0x3FB9] =	sst s0  }
0x18: {  	s0 =	sld [smem:$0x3F9C];
	_ =	swait.ge [sflag:s4], $0x0  }
0x19: {  	s7 =	sld [smem:$0x3F9D]  }
0x1a: {  	s8 =	sadd.s32 $0xFFFFE003, lr  }
0x1b: {  	s9 =	sadd.s32 $0xFFFFFEF7, lr;
	s5 =	simm.s32 $0xFFFFFFFF;
	p2 =	slt.u32 s8, $0xFFFFF086  }
0x1c: {  	p1 =	slt.u32 s9, $0xF7A;
	s5 =	simm.s32 @!p2 $0x0  }
0x1d: {  	s5 =	simm.s32 @p1 $0x1;
	p0 =	seq.s32 s7, s2  }
0x1e: {  	s7 =	smul.u32 @!p0 $0xF7A, s2;
	p2 =	seq.s32 @!p0 s5, $0x0  }
0x1f: {  	s9 =	smul.u32 $0xF7A, s1;
	s8 =	simm.s32 @!p0 $0x1BF5;
	p2 =	por !p2, p0  }
0x20: {  	[sflag:s8] =	ssyncset.s32 @!p0 $0xFFFFF086;
	s6 =	sadd.s32 @!p0 s3, s7;
	s7 =	simm.s32 @!p0 $0x108  }
0x21: {  	s3 =	sadd.s32 s3, s9;
	s6 =	sadd.s32 @!p0 $0x88, s6;
	s7 =	simm.s32 @p2 $0x1082  }
0x22: {  	[simem:s7], [sflag:s8] =	dma.local @!p0 [hbm:s6], $0xF7A  }
0x23: {  	s9 =	sor.u32 $0xD0000000, s2;
	s6 =	simm.s32 $0x108;
	_ =	swait.ge @!p0 [sflag:s8], $0x0  }
0x24: {  	s3 =	sadd.s32 $0x88, s3;
	s6 =	simm.s32 @!p1 $0x1082;
	[sflag:s4] =	ssyncset.s32 $0xFFFFF086  }
0x25: {  	[simem:s6], [sflag:s4] =	dma.local [hbm:s3], $0xF7A  }
0x26: {  	[smem:$0x3F9D] =	sst s1;
	(tag) =	ssettag s2;
	_ =	strace s9  }
0x27: {  	s1 =	sld [smem:$0x3FAD]  }
0x28: {  	s2 =	sld [smem:$0x3FAE]  }
0x29: {  	s4 =	sld [smem:$0x3FB0]  }
0x2a: {  	p0 =	seq.s32 s5, $0x0;
	s5 =	sld [smem:$0x3FB1]  }
0x2b: {  	s6 =	sld [smem:$0x3FB2]  }
0x2c: {  	s7 =	sld [smem:$0x3FB3]  }
0x2d: {  	s3 =	simm.s32 $0x108;
	s8 =	sld [smem:$0x3FB4]  }
0x2e: {  	s3 =	simm.s32 @!p0 $0x1082;
	s9 =	sld [smem:$0x3FB5]  }
0x2f: {  	lr =	sadd.s32 s0, s3;
	s0 =	sld [smem:$0x3FAC]  }
0x30: {  	s3 =	sld [smem:$0x3FAF]  }
0x31: {  	[smem:$0x3FB8] =	sst s10  }
0x32: {  	s10 =	sld [smem:$0x3FB6];
	_ =	sdelay $0x3  }
0x33: {  	p0 =	seq.s32 s10, $0x1;
	s10 =	sld [smem:$0x3FB8];
	_ =	sdelay $0x3  }
0x34: {  	[smem:$0x3FB8] =	sst s10  }
0x35: {  	s10 =	sld [smem:$0x3FB7];
	_ =	sdelay $0x3  }
0x36: {  	p1 =	seq.s32 s10, $0x1;
	s10 =	sld [smem:$0x3FB8];
	_ =	sdelay $0x3  }
0x37: {  	[smem:$0x3FB8] =	sst s10  }
0x38: {  	s10 =	sld [smem:$0x3FB9]  }
0x39: {  	_ = 	snop;
	(pc) =	sbr.ind lr, $3  }
0x3a: {  	_ = 	snop  }
0x3b: {  	_ = 	snop  }
0x3c: {  	p2 =	seq.s32 s10, $0x1;
	s10 =	sld [smem:$0x3FB8]  }
0x3d: {  	_ =	shalt  }
0x3e: {  	_ =	shalt  }
0x3f: {  	_ =	shalt  }
0x40: {  	_ =	shalt  }
0x41: {  	_ =	shalt  }
0x42: {  	_ =	shalt  }
0x43: {  	_ =	shalt  }
0x44: {  	_ =	shalt  }
0x45: {  	_ =	shalt  }
0x46: {  	_ =	shalt  }
0x47: {  	_ =	shalt  }
0x48: {  	_ =	shalt  }
0x49: {  	_ =	shalt  }
0x4a: {  	_ =	shalt  }
0x4b: {  	_ =	shalt  }
0x4c: {  	_ =	shalt  }
0x4d: {  	_ =	shalt  }
0x4e: {  	_ =	shalt  }
0x4f: {  	_ =	shalt  }
0x50: {  	_ =	shalt  }
0x51: {  	_ =	shalt  }
0x52: {  	_ =	shalt  }
0x53: {  	_ =	shalt  }
0x54: {  	_ =	shalt  }
0x55: {  	_ =	shalt  }
0x56: {  	_ =	shalt  }
0x57: {  	_ =	shalt  }
0x58: {  	_ =	shalt  }
0x59: {  	_ =	shalt  }
0x5a: {  	_ =	shalt  }
0x5b: {  	_ =	shalt  }
0x5c: {  	_ =	shalt  }
0x5d: {  	_ =	shalt  }
0x5e: {  	_ =	shalt  }
0x5f: {  	_ =	shalt  }
0x60: {  	_ =	shalt  }
0x61: {  	_ =	shalt  }
0x62: {  	_ =	shalt  }
0x63: {  	_ =	shalt  }
0x64: {  	_ =	shalt  }
0x65: {  	_ =	shalt  }
0x66: {  	_ =	shalt  }
0x67: {  	_ =	shalt  }
0x68: {  	_ =	shalt  }
0x69: {  	_ =	shalt  }
0x6a: {  	_ =	shalt  }
0x6b: {  	_ =	shalt  }
0x6c: {  	_ =	shalt  }
0x6d: {  	_ =	shalt  }
0x6e: {  	_ =	shalt  }
0x6f: {  	_ =	shalt  }
0x70: {  	_ =	shalt  }
0x71: {  	_ =	shalt  }
0x72: {  	_ =	shalt  }
0x73: {  	_ =	shalt  }
0x74: {  	_ =	shalt  }
0x75: {  	_ =	shalt  }
0x76: {  	_ =	shalt  }
0x77: {  	_ =	shalt  }
0x78: {  	_ =	shalt  }
0x79: {  	_ =	shalt  }
0x7a: {  	_ =	shalt  }
0x7b: {  	_ =	shalt  }
0x7c: {  	_ =	shalt  }
0x7d: {  	_ =	shalt  }
0x7e: {  	_ =	shalt  }
0x7f: {  	_ =	shalt  }
0x80: {  	_ =	shalt  }
0x81: {  	_ =	shalt  }
0x82: {  	_ =	shalt  }
0x83: {  	_ =	shalt  }
0x84: {  	_ =	shalt  }
0x85: {  	_ =	shalt  }
0x86: {  	_ =	shalt  }
0x87: {  	_ =	shalt  }
.Lfunc_end0:
.L_simem_size_0:
called_computation.1_lowered:
.L_overlay_start_0:
0x88: {  	s2 =	sld [smem:$0x3FD9]  }
0x89: {  	s3 =	sld [smem:$0x3FFE];
	_ =	sdelay $0x1  }
0x8a: {  	s1 =	srdreg.scid  }
0x8b: {  	s0 =	sand.u32 $0x1, s1  }
0x8c: {  	s17 =	sshll.u32 s0, $0xA;
	s2 =	sadd.s32 s3, s2  }
0x8d: {  	s2 =	sadd.s32 s2, s17  }
0x8e: {  	[smem:$0x3FC4] =	sst s2  }
0x8f: {  	_ = 	snop  }
0x90: {  	s2 =	sld [smem:$0x3FD0];
	(tm) =	ssettm $0x1  }
0x91: {  	s18 =	sld [smem:$0x3FFB];
	_ =	sdelay $0x3  }
0x92: {  	_ =	strace s18  }
0x93: {  	s3 =	sld [smem:$0x3FFC];
	_ =	sdelay $0x3  }
0x94: {  	_ =	strace s3  }
0x95: {  	s3 =	sld [smem:$0x3FFD];
	_ =	sdelay $0x3  }
0x96: {  	_ =	strace s3  }
0x97: {  	_ =	strace $0x8FFFFFFF  }
0x98: {  	s19 =	sld [smem:$0x3FDB];
	_ =	sdelay $0x1  }
0x99: {  	s4 =	simm.s32 $_scs_section_size  }
0x9a: {  	s5 =	simm.s32 $_size__tile_overlayer_lowered;
	s6 =	simm.s32 $_tile_overlayer_lowered  }
0x9b: {  	s22 =	simm.s32 $0x1BFF;
	s21 =	sshll.u32 s6, $0x1;
	s3 =	sadd.s32 s4, s19  }
0x9c: {  	s7 =	simm.s32 $0x0;
	s20 =	sshll.u32 s5, $0x1;
	s5 =	sadd.s32 s21, s3  }
0x9d: {  	[timem:s7], [sflag:s22] =	dma.local [hbm:s5], s20  }
0x9e: {  	_ =	swait.ge [sflag:s22], s20  }
0x9f: {  	s4 =	ssub.s32 $0x0, s20;
	[sflag:s22] =	ssyncset.done $0x0  }
0xa0: {  	[sflag:s22] =	ssyncadd.s32 s4;
	_ =	sdelay $0x1  }
0xa1: {  	s23 =	simm.s32 $0x1B8B  }
0xa2: {  	_ =	swait.ge [sflag:s23], $0x1  }
0xa3: {  	[sflag:s23] =	ssyncset.done $0x0  }
0xa4: {  	s25 =	simm.s32 $0x1B8E;
	s24 =	sld [smem:$0x3FFE];
	[sflag:s23] =	ssyncadd.s32 $0xFFFFFFFF  }
0xa5: {  	s26 =	simm.s32 $execute0_lowered;
	[smem:$0x3FD2] =	sst s25  }
0xa6: {  	s5 =	sshll.u32 s26, $0x1;
	_ =	strace $0x80000049;
	[dreg:$0x1] =	wrdreg $0xFFFFFFFF  }
0xa7: {  	s28 =	simm.s32 $_size_execute0_lowered;
	s3 =	sadd.s32 s3, s5;
	[dreg:$0x0] =	wrdreg $0x0  }
0xa8: {  	s5 =	sshll.u32 s28, $0x1;
	[dreg:$0x2] =	wrdreg s3  }
0xa9: {  	[dreg:$0x3] =	wrdreg s5  }
0xaa: {  	[dreg:$0x4] =	wrdreg $0xC0  }
0xab: {  	_ =	task [dreg:s7], $0x5FFFF  }
0xac: {  	[dreg:$0x1] =	wrdreg $0xFFFFFFFF  }
0xad: {  	[dreg:$0x0] =	wrdreg $0x60  }
0xae: {  	[dreg:$0x2] =	wrdreg s2  }
0xaf: {  	[dreg:$0x3] =	wrdreg s24  }
0xb0: {  	[dreg:$0x4] =	wrdreg $0xB8000  }
0xb1: {  	[dreg:$0x5] =	wrdreg $0x9  }
0xb2: {  	_ =	task.clear_ibuf [dreg:s7], $0x6FFFF;
	_ =	strace $0x90000049  }
0xb3: {  	s29 =	simm.s32 $0x9;
	_ =	strace $0x8000004B  }
0xb4: {  	_ =	swait.ge [sflag:s29], $0x1  }
0xb5: {  	[sflag:s29] =	ssyncadd.s32 $0xFFFFFFFF  }
0xb6: {  	_ =	strace $0x9000004B  }
0xb7: {  	_ =	sfence  }
0xb8: {  	s30 =	sld [smem:$0x0];
	_ =	sdelay $0x2  }
0xb9: {  	s31 =	sshll.u32 s1, $0xD;
	s1 =	sshrl.u32 s1, $0x2  }
0xba: {  	s3 =	sand.u32 $0x4000, s31;
	s1 =	sadd.s32 s1, s30  }
0xbb: {  	s0 =	sor.u32 s3, s0;
	s1 =	sshll.u32 s1, $0x11  }
0xbc: {  	s0 =	sor.u32 s1, s0  }
0xbd: {  	s0 =	sadd.s32 $0x8F2B, s0  }
0xbe: {  	[sflag:s0] =	ssyncadd.remote.s32 $0x1  }
0xbf: {  	_ =	sfence.sel $0xFFFF  }
0xc0: {  	[dreg:$0x0] =	wrdreg $0xFFFFFFFF;
	(pc) =	sbr.abs _section_cstart, $3  }
0xc1: {  	[dreg:$0x1] =	wrdreg $0xFFFFFFFF  }
0xc2: {  	_ =	task.clear_ibuf [dreg:s7], $0x2FFFF;
	_ =	strace $0x9FFFFFFF  }
0xc3: {  	(tm) =	ssettm $0x7FFFFFFF  }
tec
execute0_lowered:
.L_overlay_start_1:
0x0: {  	(tag) =	ssettag $0x1  }
0x1: {  	s19 =	stileid.u32  }
0x2: {  	s0 =	srdreg.scid;
	s9 =	smul.u32 $0xA000, s19  }
0x3: {  	s1 =	rddreg [dreg:$0x0];
	s0 =	sand.u32 $0x1, s0;
	s22 =	smul.u32 $0x2800, s19  }
0x4: {  	s5 =	rddreg [dreg:$0x1];
	s7 =	sor.u32 $0x10, s19;
	s6 =	smul.u32 $0x138800, s0  }
0x5: {  	s3 =	rddreg [dreg:$0x2];
	s4 =	simm.s32 $0x0;
	s10 =	smul.u32 $0xA000, s7  }
0x6: {  	s29 =	simm.s32 $0x7D;
	s11 =	sor.u32 $0x20, s19;
	s7 =	smul.u32 $0x2800, s7  }
0x7: {  	s30 =	simm.s32 $0x5000;
	s12 =	sor.u32 $0x30, s19;
	s13 =	smul.u32 $0x2800, s11  }
0x8: {  	s31 =	simm.s32 $0x1;
	s15 =	sor.u32 $0x40, s19;
	s16 =	smul.u32 $0x2800, s12  }
0x9: {  	s2 =	sshll.u32 s19, $0x1;
	s18 =	sor.u32 $0x60, s19;
	s17 =	smul.u32 $0x2800, s15  }
0xa: {  	[smem:$0x7FF] =	sst s4;
	s25 =	sor.u32 $0x70, s19;
	s24 =	smul.u32 $0x2800, s18  }
0xb: {  	s8 =	sadd.s32 $0x28A00, s5;
	s2 =	sor.u32 s0, s2;
	s26 =	smul.u32 $0x2800, s25  }
0xc: {  	_ =	strace $0x8000004A;
	s0 =	ssub.s32 $0x2, s0;
	s11 =	smul.u32 $0xA000, s11  }
0xd: {  	[dreg:$0x4] =	wrdreg s8;
	s28 =	smul.u32 $0xA000, s18;
	s14 =	sshrl.u32 s0, $0x1  }
0xe: {  	p0 =	sgt.u32 s25, $0x7C;
	s2 =	smul.u32 $0x500, s2;
	s0 =	ssub.s32 s0, s14  }
0xf: {  	s14 =	sor.u32 $0x50, s19;
	s20 =	sadd.s32 s6, s22;
	s21 =	sadd.s32 s6, s7  }
0x10: {  	s13 =	sadd.s32 s6, s13;
	s16 =	sadd.s32 s6, s16;
	s17 =	sadd.s32 s6, s17  }
0x11: {  	s22 =	sadd.s32 s6, s24;
	s24 =	smul.u32 $0xA000, s12;
	s10 =	sshrl.u32 s10, $0x2  }
0x12: {  	s7 =	sshrl.u32 s11, $0x2;
	s2 =	sadd.s32 s2, s5;
	s5 =	sadd.s32 $0x65800, s5  }
0x13: {  	s23 =	smul.u32 $0x2800, s14;
	s10 =	sadd.s32 s10, s3;
	s13 =	sshrl.u32 s13, $0x3  }
0x14: {  	s16 =	sshrl.u32 s16, $0x3;
	s18 =	sshrl.u32 s17, $0x3;
	s8 =	sadd.s32 $0x5B800, s2  }
0x15: {  	s2 =	sadd.s32 $0x51800, s2;
	s13 =	sadd.s32 s5, s13;
	[dreg:$0x5] =	wrdreg s8  }
0x16: {  	s19 =	sadd.s32 s6, s23;
	s23 =	sadd.s32 s6, s26;
	[dreg:$0x6] =	wrdreg s2  }
0x17: {  	s8 =	smax.u32 s0, $0x1;
	s26 =	sshrl.u32 s9, $0x2;
	s6 =	smul.u32 $0xA000, s15  }
0x18: {  	s0 =	sshrl.u32 s24, $0x2;
	s15 =	sshrl.u32 s21, $0x3;
	s21 =	sshrl.u32 s22, $0x3  }
0x19: {  	s2 =	simm.s32 $0x3;
	s9 =	sadd.s32 s26, s3;
	s26 =	smul.u32 $0xA000, s14  }
0x1a: {  	s14 =	sshrl.u32 s20, $0x3;
	s12 =	sadd.s32 s5, s15;
	s15 =	sadd.s32 s5, s18  }
0x1b: {  	s20 =	sshrl.u32 s19, $0x3;
	s22 =	sshrl.u32 s23, $0x3;
	s17 =	sadd.s32 s5, s21  }
0x1c: {  	s23 =	smul.u32 $0xA000, s25;
	s19 =	sadd.s32 s7, s3;
	s25 =	simm.s32 $0x2  }
0x1d: {  	s24 =	sshrl.u32 s6, $0x2;
	s11 =	sadd.s32 s5, s14;
	s14 =	sadd.s32 s5, s16  }
0x1e: {  	s16 =	sadd.s32 s5, s20;
	s18 =	sadd.s32 s5, s22;
	s20 =	sadd.s32 s0, s3  }
0x1f: {  	s0 =	simm.s32 $0x0;
	s21 =	sadd.s32 s24, s3;
	s24 =	sshrl.u32 s26, $0x2  }
0x20: {  	s26 =	sshrl.u32 s28, $0x2;
	s5 =	sshrl.u32 s23, $0x2;
	s28 =	simm.s32 $0x9000  }
0x21: {  	s22 =	sadd.s32 s24, s3;
	s23 =	sadd.s32 s26, s3;
	s24 =	sadd.s32 s5, s3  }
.LBB2_1:
0x22: {  	s5 =	rddreg [dreg:$0x5]  }
0x23: {  	[tilespmem:s4], [sflag:$0x2] =	stream.linear.gather [hbm4b:s5+s4], $0x2800, $0x38;
	[tilespmem:$0x1F080] =	vst v63  }
0x24: {  	_ =	swait.ge [sflag:s25], $0x2800  }
0x25: {  	[sflag:s25] =	ssyncset.done $0x0  }
0x26: {  	s6 =	simm.s32 $0x2800;
	s26 =	rddreg [dreg:$0x6];
	[sflag:s25] =	ssyncadd.s32 $0xFFFFD800  }
0x27: {  	[tilespmem:s6], [sflag:$0x2] =	stream.linear.gather [hbm4b:s26+s4], $0x2800, $0x38;
	[tilespmem:$0x1F080] =	vst v63  }
0x28: {  	_ =	swait.ge [sflag:s25], $0x2800  }
0x29: {  	[sflag:s25] =	ssyncset.done $0x0  }
0x2a: {  	s6 =	rddreg [dreg:$0x4];
	[sflag:s25] =	ssyncadd.s32 $0xFFFFD800  }
0x2b: {  	[tilespmem:s28], [sflag:$0x2] =	stream.linear.gather [hbm4b:s6+s4], $0x2800, $0x38;
	[tilespmem:$0x1F080] =	vst v63  }
0x2c: {  	_ =	swait.ge [sflag:s25], $0x2800  }
0x2d: {  	[sflag:s25] =	ssyncset.done $0x0  }
0x2e: {  	[sflag:s25] =	ssyncadd.s32 $0xFFFFD800  }
0x2f: {  	[spmem:s9] =	stream.linear.scatter [tilespmem:s28], [sflag:$0x2], $0x2800, $0x38;
	[tilespmem:$0x1F080] =	vst v63  }
0x30: {  	_ =	swait.ge [sflag:s25], $0x2800  }
0x31: {  	[sflag:s25] =	ssyncset.done $0x0  }
0x32: {  	[sflag:s25] =	ssyncadd.s32 $0xFFFFD800  }
0x33: {  	[spmem:s10] =	stream.linear.scatter [tilespmem:s28], [sflag:$0x2], $0x2800, $0x38;
	[tilespmem:$0x1F080] =	vst v63  }
0x34: {  	_ =	swait.ge [sflag:s25], $0x2800  }
0x35: {  	[sflag:s25] =	ssyncset.done $0x0  }
0x36: {  	[sflag:s25] =	ssyncadd.s32 $0xFFFFD800  }
0x37: {  	[spmem:s19] =	stream.linear.scatter [tilespmem:s28], [sflag:$0x2], $0x2800, $0x38;
	[tilespmem:$0x1F080] =	vst v63  }
0x38: {  	_ =	swait.ge [sflag:s25], $0x2800  }
0x39: {  	[sflag:s25] =	ssyncset.done $0x0  }
0x3a: {  	[sflag:s25] =	ssyncadd.s32 $0xFFFFD800  }
0x3b: {  	[spmem:s20] =	stream.linear.scatter [tilespmem:s28], [sflag:$0x2], $0x2800, $0x38;
	[tilespmem:$0x1F080] =	vst v63  }
0x3c: {  	_ =	swait.ge [sflag:s25], $0x2800  }
0x3d: {  	[sflag:s25] =	ssyncset.done $0x0  }
0x3e: {  	[sflag:s25] =	ssyncadd.s32 $0xFFFFD800  }
0x3f: {  	[spmem:s21] =	stream.linear.scatter [tilespmem:s28], [sflag:$0x2], $0x2800, $0x38;
	[tilespmem:$0x1F080] =	vst v63  }
0x40: {  	_ =	swait.ge [sflag:s25], $0x2800  }
0x41: {  	[sflag:s25] =	ssyncset.done $0x0  }
0x42: {  	[sflag:s25] =	ssyncadd.s32 $0xFFFFD800  }
0x43: {  	[spmem:s22] =	stream.linear.scatter [tilespmem:s28], [sflag:$0x2], $0x2800, $0x38;
	[tilespmem:$0x1F080] =	vst v63  }
0x44: {  	_ =	swait.ge [sflag:s25], $0x2800  }
0x45: {  	[sflag:s25] =	ssyncset.done $0x0  }
0x46: {  	[sflag:s25] =	ssyncadd.s32 $0xFFFFD800  }
0x47: {  	[spmem:s23] =	stream.linear.scatter [tilespmem:s28], [sflag:$0x2], $0x2800, $0x38;
	[tilespmem:$0x1F080] =	vst v63  }
0x48: {  	_ =	swait.ge [sflag:s25], $0x2800  }
0x49: {  	[sflag:s25] =	ssyncset.done $0x0  }
0x4a: {  	s5 =	simm.s32 @!p0 $0x9000;
	[sflag:s25] =	ssyncadd.s32 $0xFFFFD800  }
0x4b: {  	[spmem:s24] =	stream.linear.scatter @!p0 [tilespmem:s5], [sflag:$0x2], $0x2800, $0x38;
	[tilespmem:$0x1F080] =	vst v63  }
0x4c: {  	s5 =	simm.s32 @!p0 $0x2  }
0x4d: {  	_ =	swait.ge @!p0 [sflag:s5], $0x2800  }
0x4e: {  	[sflag:s5] =	ssyncset.done @!p0 $0x0  }
0x4f: {  	[sflag:s5] =	ssyncadd.s32 @!p0 $0xFFFFD800  }
0x50: {  	s7 =	simm.s32 $0x0;
	[bflag:$0x0] =	sbarrier.arrive $0xFFFF  }
0x51: {  	[tilespmem:s30], [sflag:$0x1] =	stream.indirect.gather [hbm4b:s1+s29], $0x80, s7, s29, $0xb8;
	[tilespmem:$0x1F080] =	vst v63  }
0x52: {  	_ =	swait.ge [sflag:s31], $0x3E80  }
0x53: {  	[sflag:s31] =	ssyncset.done $0x0  }
0x54: {  	s26 =	simm.s32 $0x2800;
	[sflag:s31] =	ssyncadd.s32 $0xFFFFC180  }
0x55: {  	[spmem:s3] =	stream.indirect.scatter.add.f32 [tilespmem:s30], [sflag:$0x2], $0x80, s26, s29, $0xb8;
	[tilespmem:$0x1F080] =	vst v63  }
0x56: {  	_ =	swait.ge [sflag:s25], $0x3E80  }
0x57: {  	s5 =	simm.s32 $0x400;
	s26 =	simm.s32 $0x200;
	[sflag:s25] =	ssyncset.done $0x0  }
.LBB2_2:
0x58: {  	s6 =	sshra.s32 s26, $0x2  }
0x59: {  	[sflag:s25] =	ssyncadd.s32 $0xFFFFC180;
	s26 =	smov.u32 s5;
	s7 =	sadd.s32 $0x200, s5  }
0x5a: {  	[tilespmem:s30], [sflag:$0x1] =	stream.indirect.gather [hbm4b:s1+s29], $0x80, s6, s29, $0xb8;
	[tilespmem:$0x1F080] =	vst v63  }
0x5b: {  	p1 =	sne.s32 s5, $0x9E00;
	_ =	swait.ge [sflag:s31], $0x3E80  }
.Ltmp0:
0x5c: {  	[sflag:s31] =	ssyncset.done $0x0;
	(pc) =	sbr.rel @p1 .LBB2_2-.Ltmp0, $4  }
0x5d: {  	s5 =	sadd.s32 $0x2800, s6;
	[sflag:s31] =	ssyncadd.s32 $0xFFFFC180  }
0x5e: {  	[spmem:s3] =	stream.indirect.scatter.add.f32 [tilespmem:s30], [sflag:$0x2], $0x80, s5, s29, $0xb8;
	[tilespmem:$0x1F080] =	vst v63  }
0x5f: {  	_ =	swait.ge [sflag:s25], $0x3E80  }
0x60: {  	s5 =	smov.u32 s7;
	[sflag:s25] =	ssyncset.done $0x0  }
0x61: {  	s5 =	sshra.s32 s26, $0x2;
	[sflag:s25] =	ssyncadd.s32 $0xFFFFC180  }
0x62: {  	[tilespmem:s30], [sflag:$0x1] =	stream.indirect.gather [hbm4b:s1+s29], $0x80, s5, s29, $0xb8;
	[tilespmem:$0x1F080] =	vst v63  }
0x63: {  	_ =	swait.ge [sflag:s31], $0x3E80  }
0x64: {  	[sflag:s31] =	ssyncset.done $0x0  }
0x65: {  	s5 =	sadd.s32 $0x2800, s5;
	[sflag:s31] =	ssyncadd.s32 $0xFFFFC180  }
0x66: {  	[spmem:s3] =	stream.indirect.scatter.add.f32 [tilespmem:s30], [sflag:$0x2], $0x80, s5, s29, $0xb8;
	[tilespmem:$0x1F080] =	vst v63  }
0x67: {  	_ =	swait.ge [sflag:s25], $0x3E80  }
0x68: {  	[sflag:s25] =	ssyncset.done $0x0  }
0x69: {  	[sflag:s25] =	ssyncadd.s32 $0xFFFFC180  }
0x6a: {  	[bflag:$0x0] =	sbarrier.arrive $0xFFFF  }
0x6b: {  	[tilespmem:s28], [sflag:$0x3] =	stream.linear.gather [spmem:s9], $0x2800, $0x38;
	[tilespmem:$0x1F080] =	vst v63  }
0x6c: {  	_ =	swait.ge [sflag:s2], $0x2800  }
0x6d: {  	[sflag:s2] =	ssyncset.done $0x0  }
0x6e: {  	[sflag:s2] =	ssyncadd.s32 $0xFFFFD800  }
0x6f: {  	[hbm4b:s11+s4] =	stream.linear.scatter [tilespmem:s28], [sflag:$0x2], $0x2800, $0x38;
	[tilespmem:$0x1F080] =	vst v63  }
0x70: {  	_ =	swait.ge [sflag:s25], $0x2800  }
0x71: {  	[sflag:s25] =	ssyncset.done $0x0  }
0x72: {  	[sflag:s25] =	ssyncadd.s32 $0xFFFFD800  }
0x73: {  	[tilespmem:s28], [sflag:$0x3] =	stream.linear.gather [spmem:s10], $0x2800, $0x38;
	[tilespmem:$0x1F080] =	vst v63  }
0x74: {  	_ =	swait.ge [sflag:s2], $0x2800  }
0x75: {  	[sflag:s2] =	ssyncset.done $0x0  }
0x76: {  	[sflag:s2] =	ssyncadd.s32 $0xFFFFD800  }
0x77: {  	[hbm4b:s12+s4] =	stream.linear.scatter [tilespmem:s28], [sflag:$0x2], $0x2800, $0x38;
	[tilespmem:$0x1F080] =	vst v63  }
0x78: {  	_ =	swait.ge [sflag:s25], $0x2800  }
0x79: {  	[sflag:s25] =	ssyncset.done $0x0  }
0x7a: {  	[sflag:s25] =	ssyncadd.s32 $0xFFFFD800  }
0x7b: {  	[tilespmem:s28], [sflag:$0x3] =	stream.linear.gather [spmem:s19], $0x2800, $0x38;
	[tilespmem:$0x1F080] =	vst v63  }
0x7c: {  	_ =	swait.ge [sflag:s2], $0x2800  }
0x7d: {  	[sflag:s2] =	ssyncset.done $0x0  }
0x7e: {  	[sflag:s2] =	ssyncadd.s32 $0xFFFFD800  }
0x7f: {  	[hbm4b:s13+s4] =	stream.linear.scatter [tilespmem:s28], [sflag:$0x2], $0x2800, $0x38;
	[tilespmem:$0x1F080] =	vst v63  }
0x80: {  	_ =	swait.ge [sflag:s25], $0x2800  }
0x81: {  	[sflag:s25] =	ssyncset.done $0x0  }
0x82: {  	[sflag:s25] =	ssyncadd.s32 $0xFFFFD800  }
0x83: {  	[tilespmem:s28], [sflag:$0x3] =	stream.linear.gather [spmem:s20], $0x2800, $0x38;
	[tilespmem:$0x1F080] =	vst v63  }
0x84: {  	_ =	swait.ge [sflag:s2], $0x2800  }
0x85: {  	[sflag:s2] =	ssyncset.done $0x0  }
0x86: {  	[sflag:s2] =	ssyncadd.s32 $0xFFFFD800  }
0x87: {  	[hbm4b:s14+s4] =	stream.linear.scatter [tilespmem:s28], [sflag:$0x2], $0x2800, $0x38;
	[tilespmem:$0x1F080] =	vst v63  }
0x88: {  	_ =	swait.ge [sflag:s25], $0x2800  }
0x89: {  	[sflag:s25] =	ssyncset.done $0x0  }
0x8a: {  	[sflag:s25] =	ssyncadd.s32 $0xFFFFD800  }
0x8b: {  	[tilespmem:s28], [sflag:$0x3] =	stream.linear.gather [spmem:s21], $0x2800, $0x38;
	[tilespmem:$0x1F080] =	vst v63  }
0x8c: {  	_ =	swait.ge [sflag:s2], $0x2800  }
0x8d: {  	[sflag:s2] =	ssyncset.done $0x0  }
0x8e: {  	[sflag:s2] =	ssyncadd.s32 $0xFFFFD800  }
0x8f: {  	[hbm4b:s15+s4] =	stream.linear.scatter [tilespmem:s28], [sflag:$0x2], $0x2800, $0x38;
	[tilespmem:$0x1F080] =	vst v63  }
0x90: {  	_ =	swait.ge [sflag:s25], $0x2800  }
0x91: {  	[sflag:s25] =	ssyncset.done $0x0  }
0x92: {  	[sflag:s25] =	ssyncadd.s32 $0xFFFFD800  }
0x93: {  	[tilespmem:s28], [sflag:$0x3] =	stream.linear.gather [spmem:s22], $0x2800, $0x38;
	[tilespmem:$0x1F080] =	vst v63  }
0x94: {  	_ =	swait.ge [sflag:s2], $0x2800  }
0x95: {  	[sflag:s2] =	ssyncset.done $0x0  }
0x96: {  	[sflag:s2] =	ssyncadd.s32 $0xFFFFD800  }
0x97: {  	[hbm4b:s16+s4] =	stream.linear.scatter [tilespmem:s28], [sflag:$0x2], $0x2800, $0x38;
	[tilespmem:$0x1F080] =	vst v63  }
0x98: {  	_ =	swait.ge [sflag:s25], $0x2800  }
0x99: {  	[sflag:s25] =	ssyncset.done $0x0  }
0x9a: {  	[sflag:s25] =	ssyncadd.s32 $0xFFFFD800  }
0x9b: {  	[tilespmem:s28], [sflag:$0x3] =	stream.linear.gather [spmem:s23], $0x2800, $0x38;
	[tilespmem:$0x1F080] =	vst v63  }
0x9c: {  	_ =	swait.ge [sflag:s2], $0x2800  }
0x9d: {  	[sflag:s2] =	ssyncset.done $0x0  }
0x9e: {  	[sflag:s2] =	ssyncadd.s32 $0xFFFFD800  }
0x9f: {  	[hbm4b:s17+s4] =	stream.linear.scatter [tilespmem:s28], [sflag:$0x2], $0x2800, $0x38;
	[tilespmem:$0x1F080] =	vst v63  }
0xa0: {  	_ =	swait.ge [sflag:s25], $0x2800  }
0xa1: {  	[sflag:s25] =	ssyncset.done $0x0  }
0xa2: {  	s6 =	simm.s32 @!p0 $0x3;
	s5 =	simm.s32 @!p0 $0x9000;
	[sflag:s25] =	ssyncadd.s32 $0xFFFFD800  }
0xa3: {  	[tilespmem:s5], [sflag:$0x3] =	stream.linear.gather @!p0 [spmem:s24], $0x2800, $0x38;
	[tilespmem:$0x1F080] =	vst v63  }
0xa4: {  	_ =	swait.ge @!p0 [sflag:s6], $0x2800  }
0xa5: {  	s0 =	sadd.s32 $0x1, s0;
	[sflag:s6] =	ssyncset.done @!p0 $0x0  }
0xa6: {  	p1 =	sne.s32 s0, s8;
	[sflag:s6] =	ssyncadd.s32 @!p0 $0xFFFFD800;
	s6 =	simm.s32 @!p0 $0x0  }
0xa7: {  	[hbm4b:s18+s6] =	stream.linear.scatter @!p0 [tilespmem:s5], [sflag:$0x2], $0x2800, $0x38;
	[tilespmem:$0x1F080] =	vst v63  }
.Ltmp1:
0xa8: {  	_ = 	snop;
	(pc) =	sbr.rel @p1 .LBB2_1-.Ltmp1, $4  }
0xa9: {  	s5 =	simm.s32 @!p0 $0x2  }
0xaa: {  	_ =	swait.ge @!p0 [sflag:s5], $0x2800  }
0xab: {  	[sflag:s5] =	ssyncset.done @!p0 $0x0  }
0xac: {  	[sflag:s5] =	ssyncadd.s32 @!p0 $0xFFFFD800  }
0xad: {  	_ =	sfence.sel $0x180000  }
0xae: {  	[bflag:$0x0] =	sbarrier.arrive $0xFFFF  }
0xaf: {  	_ =	strace $0x9000004A  }
0xb0: {  	s0 =	stileid.u32;
	[bflag:$0x2] =	sbarrier.arrive $0xFFFF  }
0xb1: {  	p0 =	sne.s32 s0, $0x0;
	s0 =	rddreg [dreg:$0x3]  }
0xb2: {  	s0 =	sadd.s32 @!p0 $0x100000, s0  }
0xb3: {  	[sflag:s0] =	ssyncadd.tile.s32 @!p0 $0x1;
	_ =	shalt  }
.Lfunc_end2:
_tile_overlayer_lowered:
.L_overlay_start_2:
0xb4: {  	(tag) =	ssettag $0x2  }
0xb5: {  	s0 =	rddreg [dreg:$0x0];
	s2 =	stileid.u32  }
0xb6: {  	s1 =	rddreg [dreg:$0x1];
	p0 =	sne.s32 s2, $0x0  }
0xb7: {  	s3 =	rddreg [dreg:$0x2];
	[bflag:$0x3] =	sbarrier.arrive $0xFFFF;
	s2 =	simm.s32 @!p0 $0x1C02  }
0xb8: {  	[timem:s3], [sflag:s2] =	dma.local @!p0 [hbm:s0], s1  }
0xb9: {  	s0 =	simm.s32 @!p0 $0x2  }
0xba: {  	_ =	swait.ge @!p0 [sflag:s0], s1  }
0xbb: {  	s1 =	ssub.s32 @!p0 $0x0, s1;
	[sflag:s0] =	ssyncset.done @!p0 $0x0  }
0xbc: {  	[sflag:s0] =	ssyncadd.s32 @!p0 s1  }
0xbd: {  	[bflag:$0x3] =	sbarrier.arrive $0xFFFF  }
0xbe: {  	_ =	shalt  }

</sc_bundles>
